<compile_context>
chip_gen: v7x
topology: tpu7x:2x2x1
jax: 0.10.2.dev20260603
libtpu: 0.0.44.dev20260713+nightly
codegen_flags: <defaults>
</compile_context>

<pallas_src>
import functools
import math

import jax
import jax.numpy as jnp
from jax import lax
from jax.experimental import pallas as pl
from jax.experimental.pallas import tpu as pltpu
from jax.experimental.pallas import tpu_sc as plsc

D_MODEL = 64
SCALE = 1.0 / math.sqrt(D_MODEL)

C = 200


def kernel(x, lut):
    B1, B2 = x.shape
    V, D = lut.shape
    lutp = jnp.pad(lut, ((0, 0), (0, 2 * D - lut.shape[1])))
    flat_idx = x.reshape(B1 * B2).astype(jnp.int32)
    return _call(flat_idx, lutp, B1, B2, D).reshape(B1, B2, D)


@functools.partial(jax.jit, static_argnums=(2, 3, 4))
def _call(flat_idx, lutp, B1, B2, D):
    info = plsc.get_sparse_core_info()
    NC, NS = info.num_cores, info.num_subcores
    NW = NC * NS
    n_chunks = (B1 * B2) // (NW * C)
    mesh = plsc.VectorSubcoreMesh(core_axis_name="c", subcore_axis_name="s")

    def body(idx_hbm, table_hbm, out_hbm, idx_v, rows2_v, rows1_v, gsem, wsem):
        wid = lax.axis_index("s") * NC + lax.axis_index("c")
        base = wid * n_chunks

        def fetch_idx(b, ci):
            off = (base + ci) * C
            pltpu.sync_copy(idx_hbm.at[pl.ds(off, C)], idx_v[b])

        def fire_gather(b):
            pltpu.async_copy(table_hbm.at[idx_v[b]], rows2_v[b], gsem[b])

        def compact(b):
            def grp(i, carry):
                r0 = i * 8
                for u in range(8):
                    for j in range(D // 16):
                        src = rows2_v[b][r0 + u, pl.ds(j * 16, 16)]
                        rows1_v[b][r0 + u, pl.ds(j * 16, 16)] = src * SCALE
                return carry

            lax.fori_loop(0, C // 8, grp, 0)

        for b in range(2):
            fetch_idx(b, b)
            fire_gather(b)

        def super_body(s, carry):
            for b in range(2):
                ci = s * 2 + b
                pltpu.make_async_copy(table_hbm.at[idx_v[b]], rows2_v[b],
                                      gsem[b]).wait()
                fetch_idx(b, ci + 2)

                @pl.when(ci >= 2)
                def _():
                    pltpu.make_async_copy(
                        rows1_v[b],
                        out_hbm.at[pl.ds((base + ci - 2) * C, C)],
                        wsem[b]).wait()

                compact(b)
                pltpu.async_copy(rows1_v[b],
                                 out_hbm.at[pl.ds((base + ci) * C, C)],
                                 wsem[b])
                fire_gather(b)
            return carry

        lax.fori_loop(0, n_chunks // 2 - 1, super_body, 0)

        for b in range(2):
            ci = n_chunks - 2 + b
            pltpu.make_async_copy(table_hbm.at[idx_v[b]], rows2_v[b],
                                  gsem[b]).wait()
            pltpu.make_async_copy(rows1_v[b],
                                  out_hbm.at[pl.ds((base + ci - 2) * C, C)],
                                  wsem[b]).wait()
            compact(b)
            pltpu.async_copy(rows1_v[b], out_hbm.at[pl.ds((base + ci) * C, C)],
                             wsem[b])
        for b in range(2):
            ci = n_chunks - 2 + b
            pltpu.make_async_copy(rows1_v[b],
                                  out_hbm.at[pl.ds((base + ci) * C, C)],
                                  wsem[b]).wait()

    return pl.kernel(
        body,
        mesh=mesh,
        compiler_params=pltpu.CompilerParams(use_tc_tiling_on_sc=True,
                                             needs_layout_passes=False),
        out_type=jax.ShapeDtypeStruct((B1 * B2, D), jnp.float32),
        scratch_types=[
            [pltpu.VMEM((C,), jnp.int32) for _ in range(2)],
            [pltpu.VMEM((C, 2 * D), jnp.float32) for _ in range(2)],
            [pltpu.VMEM((C, D), jnp.float32) for _ in range(2)],
            [pltpu.SemaphoreType.DMA for _ in range(2)],
            [pltpu.SemaphoreType.DMA for _ in range(2)],
        ],
    )(flat_idx, lutp)

# --- scband reference (transcript-rebuilt; emitter-appended) ---
"""Pipeline reference for scband-embeddings-10711648436436 (READ-ONLY COPY).

The authoritative reference and input builder live on the scoring server;
editing this copy changes nothing except your own understanding.
"""

import jax, jax.numpy as jnp
import numpy as np
import math

D_MODEL = 64
VOCAB_SIZE = 1000000

def setup_inputs(seed: int = 0) -> dict:
    key = jax.random.key(seed)
    k1, k2 = jax.random.split(key)
    x = jax.random.randint(k1, (4096, 200), 0, VOCAB_SIZE, dtype=jnp.int64 if jax.config.jax_enable_x64 else jnp.int32)
    lut = jax.random.normal(k2, (VOCAB_SIZE, D_MODEL), dtype=jnp.float32)
    return {"x": x, "lut": lut}

def reference(x, lut):
    # Embeddings.forward: self.lut(x) / math.sqrt(self.d_model)
    emb = jnp.take(lut, x, axis=0)
    return emb / math.sqrt(D_MODEL)

if __name__ == "__main__":
    import jax
    _d = setup_inputs()
    print(jax.jit(kernel)(*tuple(_d.values())))

</pallas_src>

<mosaic_0001>
#map = affine_map<(d0, d1) -> (0)>
#map1 = affine_map<(d0, d1) -> (0, 0)>
module attributes {stable_mosaic.version = 14 : i64} {
  func.func @body(%arg0: i32, %arg1: i32, %arg2: memref<819200xi32, #tpu.memory_space<hbm>>, %arg3: memref<1000000x128xf32, #tpu.memory_space<hbm>>, %arg4: memref<819200x64xf32, #tpu.memory_space<hbm>>, %arg5: memref<200xi32, #tpu.memory_space<vmem>>, %arg6: memref<200xi32, #tpu.memory_space<vmem>>, %arg7: memref<200x128xf32, #tpu.memory_space<vmem>>, %arg8: memref<200x128xf32, #tpu.memory_space<vmem>>, %arg9: memref<200x64xf32, #tpu.memory_space<vmem>>, %arg10: memref<200x64xf32, #tpu.memory_space<vmem>>, %arg11: memref<!tpu.dma_semaphore, #tpu.memory_space<semaphore_mem>>, %arg12: memref<!tpu.dma_semaphore, #tpu.memory_space<semaphore_mem>>, %arg13: memref<!tpu.dma_semaphore, #tpu.memory_space<semaphore_mem>>, %arg14: memref<!tpu.dma_semaphore, #tpu.memory_space<semaphore_mem>>) attributes {dimension_semantics = [#tpu.dimension_semantics<core_parallel>, #tpu.dimension_semantics<subcore_parallel>], iteration_bounds = array<i64: 2, 16>, scalar_prefetch = 0 : i64, scratch_operands = 10 : i64, tpu.core_type = #tpu.core_type<sc_vector_subcore>, window_params = [{transform_indices = #map}, {transform_indices = #map1}, {transform_indices = #map1}]} {
    %mul3A = arith.constant 2 : i32
    %mul3A_0 = arith.muli %arg1, %mul3A : i32
    %add3A = arith.addi %mul3A_0, %arg0 : i32
    %mul3A_1 = arith.constant 128 : i32
    %mul3A_2 = arith.muli %add3A, %mul3A_1 : i32
    %add3A_3 = arith.constant 0 : i32
    %add3A_4 = arith.addi %mul3A_2, %add3A_3 : i32
    %mul3A_5 = arith.constant 200 : i32
    %mul3A_6 = arith.muli %add3A_4, %mul3A_5 : i32
    "tpu.region"() ({
      %run_scoped3A = tpu.sem_alloc : memref<!tpu.dma_semaphore, #tpu.memory_space<semaphore_mem>>
      %dma_start3A_89 = tpu.memref_slice %arg2[%mul3A_6] : memref<819200xi32, #tpu.memory_space<hbm>> -> memref<200xi32, #tpu.memory_space<hbm>>
      %dma_start3A_90 = tpu.memref_slice %arg2[%mul3A_6] : memref<819200xi32, #tpu.memory_space<hbm>> -> memref<200xi32, #tpu.memory_space<hbm>>
      tpu.enqueue_dma source(%dma_start3A_90 : memref<200xi32, #tpu.memory_space<hbm>>) target(%arg5 : memref<200xi32, #tpu.memory_space<vmem>>) target_semaphore(%run_scoped3A : memref<!tpu.dma_semaphore, #tpu.memory_space<semaphore_mem>>)
      %dma_wait3A_91 = tpu.memref_slice %arg2[%mul3A_6] : memref<819200xi32, #tpu.memory_space<hbm>> -> memref<200xi32, #tpu.memory_space<hbm>>
      %dma_wait3A_92 = tpu.memref_slice %arg2[%mul3A_6] : memref<819200xi32, #tpu.memory_space<hbm>> -> memref<200xi32, #tpu.memory_space<hbm>>
      tpu.wait_dma2 semaphore(%run_scoped3A : memref<!tpu.dma_semaphore, #tpu.memory_space<semaphore_mem>>) src(%dma_wait3A_92 : memref<200xi32, #tpu.memory_space<hbm>>) dst(%arg5 : memref<200xi32, #tpu.memory_space<vmem>>)
      tpu.yield
    }) : () -> ()
    %dma_start3A = arith.constant 0 : i32
    %dma_start3A_7 = arith.constant 0 : i32
    %dma_start3A_8 = tpu.memref_slice %arg3[%dma_start3A, %dma_start3A_7] : memref<1000000x128xf32, #tpu.memory_space<hbm>> -> memref<1000000x128xf32, #tpu.memory_space<hbm>>
    tpu.enqueue_indirect_dma source(%dma_start3A_8 : memref<1000000x128xf32, #tpu.memory_space<hbm>>) target(%arg7 : memref<200x128xf32, #tpu.memory_space<vmem>>) offsets(%arg5 : memref<200xi32, #tpu.memory_space<vmem>>) semaphore(%arg11 : memref<!tpu.dma_semaphore, #tpu.memory_space<semaphore_mem>>)
    %add3A_9 = arith.constant 1 : i32
    %add3A_10 = arith.addi %mul3A_2, %add3A_9 : i32
    %mul3A_11 = arith.constant 200 : i32
    %mul3A_12 = arith.muli %add3A_10, %mul3A_11 : i32
    "tpu.region"() ({
      %run_scoped3A = tpu.sem_alloc : memref<!tpu.dma_semaphore, #tpu.memory_space<semaphore_mem>>
      %dma_start3A_89 = tpu.memref_slice %arg2[%mul3A_12] : memref<819200xi32, #tpu.memory_space<hbm>> -> memref<200xi32, #tpu.memory_space<hbm>>
      %dma_start3A_90 = tpu.memref_slice %arg2[%mul3A_12] : memref<819200xi32, #tpu.memory_space<hbm>> -> memref<200xi32, #tpu.memory_space<hbm>>
      tpu.enqueue_dma source(%dma_start3A_90 : memref<200xi32, #tpu.memory_space<hbm>>) target(%arg6 : memref<200xi32, #tpu.memory_space<vmem>>) target_semaphore(%run_scoped3A : memref<!tpu.dma_semaphore, #tpu.memory_space<semaphore_mem>>)
      %dma_wait3A_91 = tpu.memref_slice %arg2[%mul3A_12] : memref<819200xi32, #tpu.memory_space<hbm>> -> memref<200xi32, #tpu.memory_space<hbm>>
      %dma_wait3A_92 = tpu.memref_slice %arg2[%mul3A_12] : memref<819200xi32, #tpu.memory_space<hbm>> -> memref<200xi32, #tpu.memory_space<hbm>>
      tpu.wait_dma2 semaphore(%run_scoped3A : memref<!tpu.dma_semaphore, #tpu.memory_space<semaphore_mem>>) src(%dma_wait3A_92 : memref<200xi32, #tpu.memory_space<hbm>>) dst(%arg6 : memref<200xi32, #tpu.memory_space<vmem>>)
      tpu.yield
    }) : () -> ()
    %dma_start3A_13 = arith.constant 0 : i32
    %dma_start3A_14 = arith.constant 0 : i32
    %dma_start3A_15 = tpu.memref_slice %arg3[%dma_start3A_13, %dma_start3A_14] : memref<1000000x128xf32, #tpu.memory_space<hbm>> -> memref<1000000x128xf32, #tpu.memory_space<hbm>>
    tpu.enqueue_indirect_dma source(%dma_start3A_15 : memref<1000000x128xf32, #tpu.memory_space<hbm>>) target(%arg8 : memref<200x128xf32, #tpu.memory_space<vmem>>) offsets(%arg6 : memref<200xi32, #tpu.memory_space<vmem>>) semaphore(%arg12 : memref<!tpu.dma_semaphore, #tpu.memory_space<semaphore_mem>>)
    %scan3A = arith.constant 0 : i32
    %scan3A_16 = arith.constant 0 : i32
    %scan3A_17 = arith.constant 63 : i32
    %scan3A_18 = arith.addi %scan3A_16, %scan3A_17 : i32
    %scan3A_19 = arith.constant 1 : i32
    scf.for %scan3A_89 = %scan3A_16 to %scan3A_18 step %scan3A_19  : i32 {
      %mul3A_90 = arith.constant 2 : i32
      %mul3A_91 = arith.muli %scan3A_89, %mul3A_90 : i32
      %add3A_92 = arith.constant 0 : i32
      %add3A_93 = arith.addi %mul3A_91, %add3A_92 : i32
      %dma_wait3A_94 = arith.constant 0 : i32
      %dma_wait3A_95 = arith.constant 0 : i32
      %dma_wait3A_96 = tpu.memref_slice %arg3[%dma_wait3A_94, %dma_wait3A_95] : memref<1000000x128xf32, #tpu.memory_space<hbm>> -> memref<1000000x128xf32, #tpu.memory_space<hbm>>
      tpu.wait_indirect_dma semaphore(%arg11 : memref<!tpu.dma_semaphore, #tpu.memory_space<semaphore_mem>>) src(%dma_wait3A_96 : memref<1000000x128xf32, #tpu.memory_space<hbm>>) dst(%arg7 : memref<200x128xf32, #tpu.memory_space<vmem>>)
      %add3A_97 = arith.constant 2 : i32
      %add3A_98 = arith.addi %add3A_93, %add3A_97 : i32
      %add3A_99 = arith.addi %mul3A_2, %add3A_98 : i32
      %mul3A_100 = arith.constant 200 : i32
      %mul3A_101 = arith.muli %add3A_99, %mul3A_100 : i32
      "tpu.region"() ({
        %run_scoped3A = tpu.sem_alloc : memref<!tpu.dma_semaphore, #tpu.memory_space<semaphore_mem>>
        %dma_start3A_153 = tpu.memref_slice %arg2[%mul3A_101] : memref<819200xi32, #tpu.memory_space<hbm>> -> memref<200xi32, #tpu.memory_space<hbm>>
        %dma_start3A_154 = tpu.memref_slice %arg2[%mul3A_101] : memref<819200xi32, #tpu.memory_space<hbm>> -> memref<200xi32, #tpu.memory_space<hbm>>
        tpu.enqueue_dma source(%dma_start3A_154 : memref<200xi32, #tpu.memory_space<hbm>>) target(%arg5 : memref<200xi32, #tpu.memory_space<vmem>>) target_semaphore(%run_scoped3A : memref<!tpu.dma_semaphore, #tpu.memory_space<semaphore_mem>>)
        %dma_wait3A_155 = tpu.memref_slice %arg2[%mul3A_101] : memref<819200xi32, #tpu.memory_space<hbm>> -> memref<200xi32, #tpu.memory_space<hbm>>
        %dma_wait3A_156 = tpu.memref_slice %arg2[%mul3A_101] : memref<819200xi32, #tpu.memory_space<hbm>> -> memref<200xi32, #tpu.memory_space<hbm>>
        tpu.wait_dma2 semaphore(%run_scoped3A : memref<!tpu.dma_semaphore, #tpu.memory_space<semaphore_mem>>) src(%dma_wait3A_156 : memref<200xi32, #tpu.memory_space<hbm>>) dst(%arg5 : memref<200xi32, #tpu.memory_space<vmem>>)
        tpu.yield
      }) : () -> ()
      %ge3A = arith.constant 2 : i32
      %ge3A_102 = arith.cmpi sge, %add3A_93, %ge3A : i32
      %convert_element_type3A = arith.extui %ge3A_102 : i1 to i32
      %cond3A = arith.constant 0 : i32
      %cond3A_103 = arith.cmpi ne, %convert_element_type3A, %cond3A : i32
      scf.if %cond3A_103 {
        %add3A_153 = arith.addi %mul3A_2, %add3A_93 : i32
        %sub3A_154 = arith.constant 2 : i32
        %sub3A_155 = arith.subi %add3A_153, %sub3A_154 : i32
        %mul3A_156 = arith.constant 200 : i32
        %mul3A_157 = arith.muli %sub3A_155, %mul3A_156 : i32
        %dma_wait3A_158 = arith.constant 0 : i32
        %dma_wait3A_159 = tpu.memref_slice %arg4[%mul3A_157, %dma_wait3A_158] : memref<819200x64xf32, #tpu.memory_space<hbm>> -> memref<200x64xf32, #tpu.memory_space<hbm>>
        %dma_wait3A_160 = arith.constant 0 : i32
        %dma_wait3A_161 = tpu.memref_slice %arg4[%mul3A_157, %dma_wait3A_160] : memref<819200x64xf32, #tpu.memory_space<hbm>> -> memref<200x64xf32, #tpu.memory_space<hbm>>
        tpu.wait_dma2 semaphore(%arg13 : memref<!tpu.dma_semaphore, #tpu.memory_space<semaphore_mem>>) src(%arg9 : memref<200x64xf32, #tpu.memory_space<vmem>>) dst(%dma_wait3A_161 : memref<200x64xf32, #tpu.memory_space<hbm>>)
      } else {
      }
      %scan3A_104 = arith.constant 0 : i32
      %scan3A_105 = arith.constant 0 : i32
      %scan3A_106 = arith.constant 25 : i32
      %scan3A_107 = arith.addi %scan3A_105, %scan3A_106 : i32
      %scan3A_108 = arith.constant 1 : i32
      scf.for %scan3A_153 = %scan3A_105 to %scan3A_107 step %scan3A_108  : i32 {
        %mul3A_154 = arith.constant 8 : i32
        %mul3A_155 = arith.muli %scan3A_153, %mul3A_154 : i32
        %add3A_156 = arith.constant 0 : i32
        %add3A_157 = arith.addi %mul3A_155, %add3A_156 : i32
        %get3A = arith.index_cast %add3A_157 : i32 to index
        %get3A_158 = arith.constant 0 : index
        %get3A_159 = tpu.vector_load %arg7[%get3A, %get3A_158] {strides = array<i32>} : memref<200x128xf32, #tpu.memory_space<vmem>>, vector<16xf32>,
        %mul3A_160 = arith.constant 1.250000e-01 : f32
        %mul3A_161 = vector.broadcast %mul3A_160 : f32 to vector<16xf32>
        %mul3A_162 = arith.mulf %get3A_159, %mul3A_161 : vector<16xf32>
        %add3A_163 = arith.constant 0 : i32
        %add3A_164 = arith.addi %mul3A_155, %add3A_163 : i32
        %swap3A = arith.index_cast %add3A_164 : i32 to index
        %swap3A_165 = arith.constant 0 : index
        %swap3A_166 = tpu.vector_load %arg9[%swap3A, %swap3A_165] {strides = array<i32>} : memref<200x64xf32, #tpu.memory_space<vmem>>, vector<16xf32>,
        tpu.vector_store %arg9[%swap3A, %swap3A_165], %mul3A_162 {strides = array<i32>} : memref<200x64xf32, #tpu.memory_space<vmem>>, vector<16xf32>,
        %add3A_167 = arith.constant 0 : i32
        %add3A_168 = arith.addi %mul3A_155, %add3A_167 : i32
        %get3A_169 = arith.index_cast %add3A_168 : i32 to index
        %get3A_170 = arith.constant 16 : index
        %get3A_171 = tpu.vector_load %arg7[%get3A_169, %get3A_170] {strides = array<i32>} : memref<200x128xf32, #tpu.memory_space<vmem>>, vector<16xf32>,
        %mul3A_172 = arith.constant 1.250000e-01 : f32
        %mul3A_173 = vector.broadcast %mul3A_172 : f32 to vector<16xf32>
        %mul3A_174 = arith.mulf %get3A_171, %mul3A_173 : vector<16xf32>
        %add3A_175 = arith.constant 0 : i32
        %add3A_176 = arith.addi %mul3A_155, %add3A_175 : i32
        %swap3A_177 = arith.index_cast %add3A_176 : i32 to index
        %swap3A_178 = arith.constant 16 : index
        %swap3A_179 = tpu.vector_load %arg9[%swap3A_177, %swap3A_178] {strides = array<i32>} : memref<200x64xf32, #tpu.memory_space<vmem>>, vector<16xf32>,
        tpu.vector_store %arg9[%swap3A_177, %swap3A_178], %mul3A_174 {strides = array<i32>} : memref<200x64xf32, #tpu.memory_space<vmem>>, vector<16xf32>,
        %add3A_180 = arith.constant 0 : i32
        %add3A_181 = arith.addi %mul3A_155, %add3A_180 : i32
        %get3A_182 = arith.index_cast %add3A_181 : i32 to index
        %get3A_183 = arith.constant 32 : index
        %get3A_184 = tpu.vector_load %arg7[%get3A_182, %get3A_183] {strides = array<i32>} : memref<200x128xf32, #tpu.memory_space<vmem>>, vector<16xf32>,
        %mul3A_185 = arith.constant 1.250000e-01 : f32
        %mul3A_186 = vector.broadcast %mul3A_185 : f32 to vector<16xf32>
        %mul3A_187 = arith.mulf %get3A_184, %mul3A_186 : vector<16xf32>
        %add3A_188 = arith.constant 0 : i32
        %add3A_189 = arith.addi %mul3A_155, %add3A_188 : i32
        %swap3A_190 = arith.index_cast %add3A_189 : i32 to index
        %swap3A_191 = arith.constant 32 : index
        %swap3A_192 = tpu.vector_load %arg9[%swap3A_190, %swap3A_191] {strides = array<i32>} : memref<200x64xf32, #tpu.memory_space<vmem>>, vector<16xf32>,
        tpu.vector_store %arg9[%swap3A_190, %swap3A_191], %mul3A_187 {strides = array<i32>} : memref<200x64xf32, #tpu.memory_space<vmem>>, vector<16xf32>,
        %add3A_193 = arith.constant 0 : i32
        %add3A_194 = arith.addi %mul3A_155, %add3A_193 : i32
        %get3A_195 = arith.index_cast %add3A_194 : i32 to index
        %get3A_196 = arith.constant 48 : index
        %get3A_197 = tpu.vector_load %arg7[%get3A_195, %get3A_196] {strides = array<i32>} : memref<200x128xf32, #tpu.memory_space<vmem>>, vector<16xf32>,
        %mul3A_198 = arith.constant 1.250000e-01 : f32
        %mul3A_199 = vector.broadcast %mul3A_198 : f32 to vector<16xf32>
        %mul3A_200 = arith.mulf %get3A_197, %mul3A_199 : vector<16xf32>
        %add3A_201 = arith.constant 0 : i32
        %add3A_202 = arith.addi %mul3A_155, %add3A_201 : i32
        %swap3A_203 = arith.index_cast %add3A_202 : i32 to index
        %swap3A_204 = arith.constant 48 : index
        %swap3A_205 = tpu.vector_load %arg9[%swap3A_203, %swap3A_204] {strides = array<i32>} : memref<200x64xf32, #tpu.memory_space<vmem>>, vector<16xf32>,
        tpu.vector_store %arg9[%swap3A_203, %swap3A_204], %mul3A_200 {strides = array<i32>} : memref<200x64xf32, #tpu.memory_space<vmem>>, vector<16xf32>,
        %add3A_206 = arith.constant 1 : i32
        %add3A_207 = arith.addi %mul3A_155, %add3A_206 : i32
        %get3A_208 = arith.index_cast %add3A_207 : i32 to index
        %get3A_209 = arith.constant 0 : index
        %get3A_210 = tpu.vector_load %arg7[%get3A_208, %get3A_209] {strides = array<i32>} : memref<200x128xf32, #tpu.memory_space<vmem>>, vector<16xf32>,
        %mul3A_211 = arith.constant 1.250000e-01 : f32
        %mul3A_212 = vector.broadcast %mul3A_211 : f32 to vector<16xf32>
        %mul3A_213 = arith.mulf %get3A_210, %mul3A_212 : vector<16xf32>
        %add3A_214 = arith.constant 1 : i32
        %add3A_215 = arith.addi %mul3A_155, %add3A_214 : i32
        %swap3A_216 = arith.index_cast %add3A_215 : i32 to index
        %swap3A_217 = arith.constant 0 : index
        %swap3A_218 = tpu.vector_load %arg9[%swap3A_216, %swap3A_217] {strides = array<i32>} : memref<200x64xf32, #tpu.memory_space<vmem>>, vector<16xf32>,
        tpu.vector_store %arg9[%swap3A_216, %swap3A_217], %mul3A_213 {strides = array<i32>} : memref<200x64xf32, #tpu.memory_space<vmem>>, vector<16xf32>,
        %add3A_219 = arith.constant 1 : i32
        %add3A_220 = arith.addi %mul3A_155, %add3A_219 : i32
        %get3A_221 = arith.index_cast %add3A_220 : i32 to index
        %get3A_222 = arith.constant 16 : index
        %get3A_223 = tpu.vector_load %arg7[%get3A_221, %get3A_222] {strides = array<i32>} : memref<200x128xf32, #tpu.memory_space<vmem>>, vector<16xf32>,
        %mul3A_224 = arith.constant 1.250000e-01 : f32
        %mul3A_225 = vector.broadcast %mul3A_224 : f32 to vector<16xf32>
        %mul3A_226 = arith.mulf %get3A_223, %mul3A_225 : vector<16xf32>
        %add3A_227 = arith.constant 1 : i32
        %add3A_228 = arith.addi %mul3A_155, %add3A_227 : i32
        %swap3A_229 = arith.index_cast %add3A_228 : i32 to index
        %swap3A_230 = arith.constant 16 : index
        %swap3A_231 = tpu.vector_load %arg9[%swap3A_229, %swap3A_230] {strides = array<i32>} : memref<200x64xf32, #tpu.memory_space<vmem>>, vector<16xf32>,
        tpu.vector_store %arg9[%swap3A_229, %swap3A_230], %mul3A_226 {strides = array<i32>} : memref<200x64xf32, #tpu.memory_space<vmem>>, vector<16xf32>,
        %add3A_232 = arith.constant 1 : i32
        %add3A_233 = arith.addi %mul3A_155, %add3A_232 : i32
        %get3A_234 = arith.index_cast %add3A_233 : i32 to index
        %get3A_235 = arith.constant 32 : index
        %get3A_236 = tpu.vector_load %arg7[%get3A_234, %get3A_235] {strides = array<i32>} : memref<200x128xf32, #tpu.memory_space<vmem>>, vector<16xf32>,
        %mul3A_237 = arith.constant 1.250000e-01 : f32
        %mul3A_238 = vector.broadcast %mul3A_237 : f32 to vector<16xf32>
        %mul3A_239 = arith.mulf %get3A_236, %mul3A_238 : vector<16xf32>
        %add3A_240 = arith.constant 1 : i32
        %add3A_241 = arith.addi %mul3A_155, %add3A_240 : i32
        %swap3A_242 = arith.index_cast %add3A_241 : i32 to index
        %swap3A_243 = arith.constant 32 : index
        %swap3A_244 = tpu.vector_load %arg9[%swap3A_242, %swap3A_243] {strides = array<i32>} : memref<200x64xf32, #tpu.memory_space<vmem>>, vector<16xf32>,
        tpu.vector_store %arg9[%swap3A_242, %swap3A_243], %mul3A_239 {strides = array<i32>} : memref<200x64xf32, #tpu.memory_space<vmem>>, vector<16xf32>,
        %add3A_245 = arith.constant 1 : i32
        %add3A_246 = arith.addi %mul3A_155, %add3A_245 : i32
        %get3A_247 = arith.index_cast %add3A_246 : i32 to index
        %get3A_248 = arith.constant 48 : index
        %get3A_249 = tpu.vector_load %arg7[%get3A_247, %get3A_248] {strides = array<i32>} : memref<200x128xf32, #tpu.memory_space<vmem>>, vector<16xf32>,
        %mul3A_250 = arith.constant 1.250000e-01 : f32
        %mul3A_251 = vector.broadcast %mul3A_250 : f32 to vector<16xf32>
        %mul3A_252 = arith.mulf %get3A_249, %mul3A_251 : vector<16xf32>
        %add3A_253 = arith.constant 1 : i32
        %add3A_254 = arith.addi %mul3A_155, %add3A_253 : i32
        %swap3A_255 = arith.index_cast %add3A_254 : i32 to index
        %swap3A_256 = arith.constant 48 : index
        %swap3A_257 = tpu.vector_load %arg9[%swap3A_255, %swap3A_256] {strides = array<i32>} : memref<200x64xf32, #tpu.memory_space<vmem>>, vector<16xf32>,
        tpu.vector_store %arg9[%swap3A_255, %swap3A_256], %mul3A_252 {strides = array<i32>} : memref<200x64xf32, #tpu.memory_space<vmem>>, vector<16xf32>,
        %add3A_258 = arith.constant 2 : i32
        %add3A_259 = arith.addi %mul3A_155, %add3A_258 : i32
        %get3A_260 = arith.index_cast %add3A_259 : i32 to index
        %get3A_261 = arith.constant 0 : index
        %get3A_262 = tpu.vector_load %arg7[%get3A_260, %get3A_261] {strides = array<i32>} : memref<200x128xf32, #tpu.memory_space<vmem>>, vector<16xf32>,
        %mul3A_263 = arith.constant 1.250000e-01 : f32
        %mul3A_264 = vector.broadcast %mul3A_263 : f32 to vector<16xf32>
        %mul3A_265 = arith.mulf %get3A_262, %mul3A_264 : vector<16xf32>
        %add3A_266 = arith.constant 2 : i32
        %add3A_267 = arith.addi %mul3A_155, %add3A_266 : i32
        %swap3A_268 = arith.index_cast %add3A_267 : i32 to index
        %swap3A_269 = arith.constant 0 : index
        %swap3A_270 = tpu.vector_load %arg9[%swap3A_268, %swap3A_269] {strides = array<i32>} : memref<200x64xf32, #tpu.memory_space<vmem>>, vector<16xf32>,
        tpu.vector_store %arg9[%swap3A_268, %swap3A_269], %mul3A_265 {strides = array<i32>} : memref<200x64xf32, #tpu.memory_space<vmem>>, vector<16xf32>,
        %add3A_271 = arith.constant 2 : i32
        %add3A_272 = arith.addi %mul3A_155, %add3A_271 : i32
        %get3A_273 = arith.index_cast %add3A_272 : i32 to index
        %get3A_274 = arith.constant 16 : index
        %get3A_275 = tpu.vector_load %arg7[%get3A_273, %get3A_274] {strides = array<i32>} : memref<200x128xf32, #tpu.memory_space<vmem>>, vector<16xf32>,
        %mul3A_276 = arith.constant 1.250000e-01 : f32
        %mul3A_277 = vector.broadcast %mul3A_276 : f32 to vector<16xf32>
        %mul3A_278 = arith.mulf %get3A_275, %mul3A_277 : vector<16xf32>
        %add3A_279 = arith.constant 2 : i32
        %add3A_280 = arith.addi %mul3A_155, %add3A_279 : i32
        %swap3A_281 = arith.index_cast %add3A_280 : i32 to index
        %swap3A_282 = arith.constant 16 : index
        %swap3A_283 = tpu.vector_load %arg9[%swap3A_281, %swap3A_282] {strides = array<i32>} : memref<200x64xf32, #tpu.memory_space<vmem>>, vector<16xf32>,
        tpu.vector_store %arg9[%swap3A_281, %swap3A_282], %mul3A_278 {strides = array<i32>} : memref<200x64xf32, #tpu.memory_space<vmem>>, vector<16xf32>,
        %add3A_284 = arith.constant 2 : i32
        %add3A_285 = arith.addi %mul3A_155, %add3A_284 : i32
        %get3A_286 = arith.index_cast %add3A_285 : i32 to index
        %get3A_287 = arith.constant 32 : index
        %get3A_288 = tpu.vector_load %arg7[%get3A_286, %get3A_287] {strides = array<i32>} : memref<200x128xf32, #tpu.memory_space<vmem>>, vector<16xf32>,
        %mul3A_289 = arith.constant 1.250000e-01 : f32
        %mul3A_290 = vector.broadcast %mul3A_289 : f32 to vector<16xf32>
        %mul3A_291 = arith.mulf %get3A_288, %mul3A_290 : vector<16xf32>
        %add3A_292 = arith.constant 2 : i32
        %add3A_293 = arith.addi %mul3A_155, %add3A_292 : i32
        %swap3A_294 = arith.index_cast %add3A_293 : i32 to index
        %swap3A_295 = arith.constant 32 : index
        %swap3A_296 = tpu.vector_load %arg9[%swap3A_294, %swap3A_295] {strides = array<i32>} : memref<200x64xf32, #tpu.memory_space<vmem>>, vector<16xf32>,
        tpu.vector_store %arg9[%swap3A_294, %swap3A_295], %mul3A_291 {strides = array<i32>} : memref<200x64xf32, #tpu.memory_space<vmem>>, vector<16xf32>,
        %add3A_297 = arith.constant 2 : i32
        %add3A_298 = arith.addi %mul3A_155, %add3A_297 : i32
        %get3A_299 = arith.index_cast %add3A_298 : i32 to index
        %get3A_300 = arith.constant 48 : index
        %get3A_301 = tpu.vector_load %arg7[%get3A_299, %get3A_300] {strides = array<i32>} : memref<200x128xf32, #tpu.memory_space<vmem>>, vector<16xf32>,
        %mul3A_302 = arith.constant 1.250000e-01 : f32
        %mul3A_303 = vector.broadcast %mul3A_302 : f32 to vector<16xf32>
        %mul3A_304 = arith.mulf %get3A_301, %mul3A_303 : vector<16xf32>
        %add3A_305 = arith.constant 2 : i32
        %add3A_306 = arith.addi %mul3A_155, %add3A_305 : i32
        %swap3A_307 = arith.index_cast %add3A_306 : i32 to index
        %swap3A_308 = arith.constant 48 : index
        %swap3A_309 = tpu.vector_load %arg9[%swap3A_307, %swap3A_308] {strides = array<i32>} : memref<200x64xf32, #tpu.memory_space<vmem>>, vector<16xf32>,
        tpu.vector_store %arg9[%swap3A_307, %swap3A_308], %mul3A_304 {strides = array<i32>} : memref<200x64xf32, #tpu.memory_space<vmem>>, vector<16xf32>,
        %add3A_310 = arith.constant 3 : i32
        %add3A_311 = arith.addi %mul3A_155, %add3A_310 : i32
        %get3A_312 = arith.index_cast %add3A_311 : i32 to index
        %get3A_313 = arith.constant 0 : index
        %get3A_314 = tpu.vector_load %arg7[%get3A_312, %get3A_313] {strides = array<i32>} : memref<200x128xf32, #tpu.memory_space<vmem>>, vector<16xf32>,
        %mul3A_315 = arith.constant 1.250000e-01 : f32
        %mul3A_316 = vector.broadcast %mul3A_315 : f32 to vector<16xf32>
        %mul3A_317 = arith.mulf %get3A_314, %mul3A_316 : vector<16xf32>
        %add3A_318 = arith.constant 3 : i32
        %add3A_319 = arith.addi %mul3A_155, %add3A_318 : i32
        %swap3A_320 = arith.index_cast %add3A_319 : i32 to index
        %swap3A_321 = arith.constant 0 : index
        %swap3A_322 = tpu.vector_load %arg9[%swap3A_320, %swap3A_321] {strides = array<i32>} : memref<200x64xf32, #tpu.memory_space<vmem>>, vector<16xf32>,
        tpu.vector_store %arg9[%swap3A_320, %swap3A_321], %mul3A_317 {strides = array<i32>} : memref<200x64xf32, #tpu.memory_space<vmem>>, vector<16xf32>,
        %add3A_323 = arith.constant 3 : i32
        %add3A_324 = arith.addi %mul3A_155, %add3A_323 : i32
        %get3A_325 = arith.index_cast %add3A_324 : i32 to index
        %get3A_326 = arith.constant 16 : index
        %get3A_327 = tpu.vector_load %arg7[%get3A_325, %get3A_326] {strides = array<i32>} : memref<200x128xf32, #tpu.memory_space<vmem>>, vector<16xf32>,
        %mul3A_328 = arith.constant 1.250000e-01 : f32
        %mul3A_329 = vector.broadcast %mul3A_328 : f32 to vector<16xf32>
        %mul3A_330 = arith.mulf %get3A_327, %mul3A_329 : vector<16xf32>
        %add3A_331 = arith.constant 3 : i32
        %add3A_332 = arith.addi %mul3A_155, %add3A_331 : i32
        %swap3A_333 = arith.index_cast %add3A_332 : i32 to index
        %swap3A_334 = arith.constant 16 : index
        %swap3A_335 = tpu.vector_load %arg9[%swap3A_333, %swap3A_334] {strides = array<i32>} : memref<200x64xf32, #tpu.memory_space<vmem>>, vector<16xf32>,
        tpu.vector_store %arg9[%swap3A_333, %swap3A_334], %mul3A_330 {strides = array<i32>} : memref<200x64xf32, #tpu.memory_space<vmem>>, vector<16xf32>,
        %add3A_336 = arith.constant 3 : i32
        %add3A_337 = arith.addi %mul3A_155, %add3A_336 : i32
        %get3A_338 = arith.index_cast %add3A_337 : i32 to index
        %get3A_339 = arith.constant 32 : index
        %get3A_340 = tpu.vector_load %arg7[%get3A_338, %get3A_339] {strides = array<i32>} : memref<200x128xf32, #tpu.memory_space<vmem>>, vector<16xf32>,
        %mul3A_341 = arith.constant 1.250000e-01 : f32
        %mul3A_342 = vector.broadcast %mul3A_341 : f32 to vector<16xf32>
        %mul3A_343 = arith.mulf %get3A_340, %mul3A_342 : vector<16xf32>
        %add3A_344 = arith.constant 3 : i32
        %add3A_345 = arith.addi %mul3A_155, %add3A_344 : i32
        %swap3A_346 = arith.index_cast %add3A_345 : i32 to index
        %swap3A_347 = arith.constant 32 : index
        %swap3A_348 = tpu.vector_load %arg9[%swap3A_346, %swap3A_347] {strides = array<i32>} : memref<200x64xf32, #tpu.memory_space<vmem>>, vector<16xf32>,
        tpu.vector_store %arg9[%swap3A_346, %swap3A_347], %mul3A_343 {strides = array<i32>} : memref<200x64xf32, #tpu.memory_space<vmem>>, vector<16xf32>,
        %add3A_349 = arith.constant 3 : i32
        %add3A_350 = arith.addi %mul3A_155, %add3A_349 : i32
        %get3A_351 = arith.index_cast %add3A_350 : i32 to index
        %get3A_352 = arith.constant 48 : index
        %get3A_353 = tpu.vector_load %arg7[%get3A_351, %get3A_352] {strides = array<i32>} : memref<200x128xf32, #tpu.memory_space<vmem>>, vector<16xf32>,
        %mul3A_354 = arith.constant 1.250000e-01 : f32
        %mul3A_355 = vector.broadcast %mul3A_354 : f32 to vector<16xf32>
        %mul3A_356 = arith.mulf %get3A_353, %mul3A_355 : vector<16xf32>
        %add3A_357 = arith.constant 3 : i32
        %add3A_358 = arith.addi %mul3A_155, %add3A_357 : i32
        %swap3A_359 = arith.index_cast %add3A_358 : i32 to index
        %swap3A_360 = arith.constant 48 : index
        %swap3A_361 = tpu.vector_load %arg9[%swap3A_359, %swap3A_360] {strides = array<i32>} : memref<200x64xf32, #tpu.memory_space<vmem>>, vector<16xf32>,
        tpu.vector_store %arg9[%swap3A_359, %swap3A_360], %mul3A_356 {strides = array<i32>} : memref<200x64xf32, #tpu.memory_space<vmem>>, vector<16xf32>,
        %add3A_362 = arith.constant 4 : i32
        %add3A_363 = arith.addi %mul3A_155, %add3A_362 : i32
        %get3A_364 = arith.index_cast %add3A_363 : i32 to index
        %get3A_365 = arith.constant 0 : index
        %get3A_366 = tpu.vector_load %arg7[%get3A_364, %get3A_365] {strides = array<i32>} : memref<200x128xf32, #tpu.memory_space<vmem>>, vector<16xf32>,
        %mul3A_367 = arith.constant 1.250000e-01 : f32
        %mul3A_368 = vector.broadcast %mul3A_367 : f32 to vector<16xf32>
        %mul3A_369 = arith.mulf %get3A_366, %mul3A_368 : vector<16xf32>
        %add3A_370 = arith.constant 4 : i32
        %add3A_371 = arith.addi %mul3A_155, %add3A_370 : i32
        %swap3A_372 = arith.index_cast %add3A_371 : i32 to index
        %swap3A_373 = arith.constant 0 : index
        %swap3A_374 = tpu.vector_load %arg9[%swap3A_372, %swap3A_373] {strides = array<i32>} : memref<200x64xf32, #tpu.memory_space<vmem>>, vector<16xf32>,
        tpu.vector_store %arg9[%swap3A_372, %swap3A_373], %mul3A_369 {strides = array<i32>} : memref<200x64xf32, #tpu.memory_space<vmem>>, vector<16xf32>,
        %add3A_375 = arith.constant 4 : i32
        %add3A_376 = arith.addi %mul3A_155, %add3A_375 : i32
        %get3A_377 = arith.index_cast %add3A_376 : i32 to index
        %get3A_378 = arith.constant 16 : index
        %get3A_379 = tpu.vector_load %arg7[%get3A_377, %get3A_378] {strides = array<i32>} : memref<200x128xf32, #tpu.memory_space<vmem>>, vector<16xf32>,
        %mul3A_380 = arith.constant 1.250000e-01 : f32
        %mul3A_381 = vector.broadcast %mul3A_380 : f32 to vector<16xf32>
        %mul3A_382 = arith.mulf %get3A_379, %mul3A_381 : vector<16xf32>
        %add3A_383 = arith.constant 4 : i32
        %add3A_384 = arith.addi %mul3A_155, %add3A_383 : i32
        %swap3A_385 = arith.index_cast %add3A_384 : i32 to index
        %swap3A_386 = arith.constant 16 : index
        %swap3A_387 = tpu.vector_load %arg9[%swap3A_385, %swap3A_386] {strides = array<i32>} : memref<200x64xf32, #tpu.memory_space<vmem>>, vector<16xf32>,
        tpu.vector_store %arg9[%swap3A_385, %swap3A_386], %mul3A_382 {strides = array<i32>} : memref<200x64xf32, #tpu.memory_space<vmem>>, vector<16xf32>,
        %add3A_388 = arith.constant 4 : i32
        %add3A_389 = arith.addi %mul3A_155, %add3A_388 : i32
        %get3A_390 = arith.index_cast %add3A_389 : i32 to index
        %get3A_391 = arith.constant 32 : index
        %get3A_392 = tpu.vector_load %arg7[%get3A_390, %get3A_391] {strides = array<i32>} : memref<200x128xf32, #tpu.memory_space<vmem>>, vector<16xf32>,
        %mul3A_393 = arith.constant 1.250000e-01 : f32
        %mul3A_394 = vector.broadcast %mul3A_393 : f32 to vector<16xf32>
        %mul3A_395 = arith.mulf %get3A_392, %mul3A_394 : vector<16xf32>
        %add3A_396 = arith.constant 4 : i32
        %add3A_397 = arith.addi %mul3A_155, %add3A_396 : i32
        %swap3A_398 = arith.index_cast %add3A_397 : i32 to index
        %swap3A_399 = arith.constant 32 : index
        %swap3A_400 = tpu.vector_load %arg9[%swap3A_398, %swap3A_399] {strides = array<i32>} : memref<200x64xf32, #tpu.memory_space<vmem>>, vector<16xf32>,
        tpu.vector_store %arg9[%swap3A_398, %swap3A_399], %mul3A_395 {strides = array<i32>} : memref<200x64xf32, #tpu.memory_space<vmem>>, vector<16xf32>,
        %add3A_401 = arith.constant 4 : i32
        %add3A_402 = arith.addi %mul3A_155, %add3A_401 : i32
        %get3A_403 = arith.index_cast %add3A_402 : i32 to index
        %get3A_404 = arith.constant 48 : index
        %get3A_405 = tpu.vector_load %arg7[%get3A_403, %get3A_404] {strides = array<i32>} : memref<200x128xf32, #tpu.memory_space<vmem>>, vector<16xf32>,
        %mul3A_406 = arith.constant 1.250000e-01 : f32
        %mul3A_407 = vector.broadcast %mul3A_406 : f32 to vector<16xf32>
        %mul3A_408 = arith.mulf %get3A_405, %mul3A_407 : vector<16xf32>
        %add3A_409 = arith.constant 4 : i32
        %add3A_410 = arith.addi %mul3A_155, %add3A_409 : i32
        %swap3A_411 = arith.index_cast %add3A_410 : i32 to index
        %swap3A_412 = arith.constant 48 : index
        %swap3A_413 = tpu.vector_load %arg9[%swap3A_411, %swap3A_412] {strides = array<i32>} : memref<200x64xf32, #tpu.memory_space<vmem>>, vector<16xf32>,
        tpu.vector_store %arg9[%swap3A_411, %swap3A_412], %mul3A_408 {strides = array<i32>} : memref<200x64xf32, #tpu.memory_space<vmem>>, vector<16xf32>,
        %add3A_414 = arith.constant 5 : i32
        %add3A_415 = arith.addi %mul3A_155, %add3A_414 : i32
        %get3A_416 = arith.index_cast %add3A_415 : i32 to index
        %get3A_417 = arith.constant 0 : index
        %get3A_418 = tpu.vector_load %arg7[%get3A_416, %get3A_417] {strides = array<i32>} : memref<200x128xf32, #tpu.memory_space<vmem>>, vector<16xf32>,
        %mul3A_419 = arith.constant 1.250000e-01 : f32
        %mul3A_420 = vector.broadcast %mul3A_419 : f32 to vector<16xf32>
        %mul3A_421 = arith.mulf %get3A_418, %mul3A_420 : vector<16xf32>
        %add3A_422 = arith.constant 5 : i32
        %add3A_423 = arith.addi %mul3A_155, %add3A_422 : i32
        %swap3A_424 = arith.index_cast %add3A_423 : i32 to index
        %swap3A_425 = arith.constant 0 : index
        %swap3A_426 = tpu.vector_load %arg9[%swap3A_424, %swap3A_425] {strides = array<i32>} : memref<200x64xf32, #tpu.memory_space<vmem>>, vector<16xf32>,
        tpu.vector_store %arg9[%swap3A_424, %swap3A_425], %mul3A_421 {strides = array<i32>} : memref<200x64xf32, #tpu.memory_space<vmem>>, vector<16xf32>,
        %add3A_427 = arith.constant 5 : i32
        %add3A_428 = arith.addi %mul3A_155, %add3A_427 : i32
        %get3A_429 = arith.index_cast %add3A_428 : i32 to index
        %get3A_430 = arith.constant 16 : index
        %get3A_431 = tpu.vector_load %arg7[%get3A_429, %get3A_430] {strides = array<i32>} : memref<200x128xf32, #tpu.memory_space<vmem>>, vector<16xf32>,
        %mul3A_432 = arith.constant 1.250000e-01 : f32
        %mul3A_433 = vector.broadcast %mul3A_432 : f32 to vector<16xf32>
        %mul3A_434 = arith.mulf %get3A_431, %mul3A_433 : vector<16xf32>
        %add3A_435 = arith.constant 5 : i32
        %add3A_436 = arith.addi %mul3A_155, %add3A_435 : i32
        %swap3A_437 = arith.index_cast %add3A_436 : i32 to index
        %swap3A_438 = arith.constant 16 : index
        %swap3A_439 = tpu.vector_load %arg9[%swap3A_437, %swap3A_438] {strides = array<i32>} : memref<200x64xf32, #tpu.memory_space<vmem>>, vector<16xf32>,
        tpu.vector_store %arg9[%swap3A_437, %swap3A_438], %mul3A_434 {strides = array<i32>} : memref<200x64xf32, #tpu.memory_space<vmem>>, vector<16xf32>,
        %add3A_440 = arith.constant 5 : i32
        %add3A_441 = arith.addi %mul3A_155, %add3A_440 : i32
        %get3A_442 = arith.index_cast %add3A_441 : i32 to index
        %get3A_443 = arith.constant 32 : index
        %get3A_444 = tpu.vector_load %arg7[%get3A_442, %get3A_443] {strides = array<i32>} : memref<200x128xf32, #tpu.memory_space<vmem>>, vector<16xf32>,
        %mul3A_445 = arith.constant 1.250000e-01 : f32
        %mul3A_446 = vector.broadcast %mul3A_445 : f32 to vector<16xf32>
        %mul3A_447 = arith.mulf %get3A_444, %mul3A_446 : vector<16xf32>
        %add3A_448 = arith.constant 5 : i32
        %add3A_449 = arith.addi %mul3A_155, %add3A_448 : i32
        %swap3A_450 = arith.index_cast %add3A_449 : i32 to index
        %swap3A_451 = arith.constant 32 : index
        %swap3A_452 = tpu.vector_load %arg9[%swap3A_450, %swap3A_451] {strides = array<i32>} : memref<200x64xf32, #tpu.memory_space<vmem>>, vector<16xf32>,
        tpu.vector_store %arg9[%swap3A_450, %swap3A_451], %mul3A_447 {strides = array<i32>} : memref<200x64xf32, #tpu.memory_space<vmem>>, vector<16xf32>,
        %add3A_453 = arith.constant 5 : i32
        %add3A_454 = arith.addi %mul3A_155, %add3A_453 : i32
        %get3A_455 = arith.index_cast %add3A_454 : i32 to index
        %get3A_456 = arith.constant 48 : index
        %get3A_457 = tpu.vector_load %arg7[%get3A_455, %get3A_456] {strides = array<i32>} : memref<200x128xf32, #tpu.memory_space<vmem>>, vector<16xf32>,
        %mul3A_458 = arith.constant 1.250000e-01 : f32
        %mul3A_459 = vector.broadcast %mul3A_458 : f32 to vector<16xf32>
        %mul3A_460 = arith.mulf %get3A_457, %mul3A_459 : vector<16xf32>
        %add3A_461 = arith.constant 5 : i32
        %add3A_462 = arith.addi %mul3A_155, %add3A_461 : i32
        %swap3A_463 = arith.index_cast %add3A_462 : i32 to index
        %swap3A_464 = arith.constant 48 : index
        %swap3A_465 = tpu.vector_load %arg9[%swap3A_463, %swap3A_464] {strides = array<i32>} : memref<200x64xf32, #tpu.memory_space<vmem>>, vector<16xf32>,
        tpu.vector_store %arg9[%swap3A_463, %swap3A_464], %mul3A_460 {strides = array<i32>} : memref<200x64xf32, #tpu.memory_space<vmem>>, vector<16xf32>,
        %add3A_466 = arith.constant 6 : i32
        %add3A_467 = arith.addi %mul3A_155, %add3A_466 : i32
        %get3A_468 = arith.index_cast %add3A_467 : i32 to index
        %get3A_469 = arith.constant 0 : index
        %get3A_470 = tpu.vector_load %arg7[%get3A_468, %get3A_469] {strides = array<i32>} : memref<200x128xf32, #tpu.memory_space<vmem>>, vector<16xf32>,
        %mul3A_471 = arith.constant 1.250000e-01 : f32
        %mul3A_472 = vector.broadcast %mul3A_471 : f32 to vector<16xf32>
        %mul3A_473 = arith.mulf %get3A_470, %mul3A_472 : vector<16xf32>
        %add3A_474 = arith.constant 6 : i32
        %add3A_475 = arith.addi %mul3A_155, %add3A_474 : i32
        %swap3A_476 = arith.index_cast %add3A_475 : i32 to index
        %swap3A_477 = arith.constant 0 : index
        %swap3A_478 = tpu.vector_load %arg9[%swap3A_476, %swap3A_477] {strides = array<i32>} : memref<200x64xf32, #tpu.memory_space<vmem>>, vector<16xf32>,
        tpu.vector_store %arg9[%swap3A_476, %swap3A_477], %mul3A_473 {strides = array<i32>} : memref<200x64xf32, #tpu.memory_space<vmem>>, vector<16xf32>,
        %add3A_479 = arith.constant 6 : i32
        %add3A_480 = arith.addi %mul3A_155, %add3A_479 : i32
        %get3A_481 = arith.index_cast %add3A_480 : i32 to index
        %get3A_482 = arith.constant 16 : index
        %get3A_483 = tpu.vector_load %arg7[%get3A_481, %get3A_482] {strides = array<i32>} : memref<200x128xf32, #tpu.memory_space<vmem>>, vector<16xf32>,
        %mul3A_484 = arith.constant 1.250000e-01 : f32
        %mul3A_485 = vector.broadcast %mul3A_484 : f32 to vector<16xf32>
        %mul3A_486 = arith.mulf %get3A_483, %mul3A_485 : vector<16xf32>
        %add3A_487 = arith.constant 6 : i32
        %add3A_488 = arith.addi %mul3A_155, %add3A_487 : i32
        %swap3A_489 = arith.index_cast %add3A_488 : i32 to index
        %swap3A_490 = arith.constant 16 : index
        %swap3A_491 = tpu.vector_load %arg9[%swap3A_489, %swap3A_490] {strides = array<i32>} : memref<200x64xf32, #tpu.memory_space<vmem>>, vector<16xf32>,
        tpu.vector_store %arg9[%swap3A_489, %swap3A_490], %mul3A_486 {strides = array<i32>} : memref<200x64xf32, #tpu.memory_space<vmem>>, vector<16xf32>,
        %add3A_492 = arith.constant 6 : i32
        %add3A_493 = arith.addi %mul3A_155, %add3A_492 : i32
        %get3A_494 = arith.index_cast %add3A_493 : i32 to index
        %get3A_495 = arith.constant 32 : index
        %get3A_496 = tpu.vector_load %arg7[%get3A_494, %get3A_495] {strides = array<i32>} : memref<200x128xf32, #tpu.memory_space<vmem>>, vector<16xf32>,
        %mul3A_497 = arith.constant 1.250000e-01 : f32
        %mul3A_498 = vector.broadcast %mul3A_497 : f32 to vector<16xf32>
        %mul3A_499 = arith.mulf %get3A_496, %mul3A_498 : vector<16xf32>
        %add3A_500 = arith.constant 6 : i32
        %add3A_501 = arith.addi %mul3A_155, %add3A_500 : i32
        %swap3A_502 = arith.index_cast %add3A_501 : i32 to index
        %swap3A_503 = arith.constant 32 : index
        %swap3A_504 = tpu.vector_load %arg9[%swap3A_502, %swap3A_503] {strides = array<i32>} : memref<200x64xf32, #tpu.memory_space<vmem>>, vector<16xf32>,
        tpu.vector_store %arg9[%swap3A_502, %swap3A_503], %mul3A_499 {strides = array<i32>} : memref<200x64xf32, #tpu.memory_space<vmem>>, vector<16xf32>,
        %add3A_505 = arith.constant 6 : i32
        %add3A_506 = arith.addi %mul3A_155, %add3A_505 : i32
        %get3A_507 = arith.index_cast %add3A_506 : i32 to index
        %get3A_508 = arith.constant 48 : index
        %get3A_509 = tpu.vector_load %arg7[%get3A_507, %get3A_508] {strides = array<i32>} : memref<200x128xf32, #tpu.memory_space<vmem>>, vector<16xf32>,
        %mul3A_510 = arith.constant 1.250000e-01 : f32
        %mul3A_511 = vector.broadcast %mul3A_510 : f32 to vector<16xf32>
        %mul3A_512 = arith.mulf %get3A_509, %mul3A_511 : vector<16xf32>
        %add3A_513 = arith.constant 6 : i32
        %add3A_514 = arith.addi %mul3A_155, %add3A_513 : i32
        %swap3A_515 = arith.index_cast %add3A_514 : i32 to index
        %swap3A_516 = arith.constant 48 : index
        %swap3A_517 = tpu.vector_load %arg9[%swap3A_515, %swap3A_516] {strides = array<i32>} : memref<200x64xf32, #tpu.memory_space<vmem>>, vector<16xf32>,
        tpu.vector_store %arg9[%swap3A_515, %swap3A_516], %mul3A_512 {strides = array<i32>} : memref<200x64xf32, #tpu.memory_space<vmem>>, vector<16xf32>,
        %add3A_518 = arith.constant 7 : i32
        %add3A_519 = arith.addi %mul3A_155, %add3A_518 : i32
        %get3A_520 = arith.index_cast %add3A_519 : i32 to index
        %get3A_521 = arith.constant 0 : index
        %get3A_522 = tpu.vector_load %arg7[%get3A_520, %get3A_521] {strides = array<i32>} : memref<200x128xf32, #tpu.memory_space<vmem>>, vector<16xf32>,
        %mul3A_523 = arith.constant 1.250000e-01 : f32
        %mul3A_524 = vector.broadcast %mul3A_523 : f32 to vector<16xf32>
        %mul3A_525 = arith.mulf %get3A_522, %mul3A_524 : vector<16xf32>
        %add3A_526 = arith.constant 7 : i32
        %add3A_527 = arith.addi %mul3A_155, %add3A_526 : i32
        %swap3A_528 = arith.index_cast %add3A_527 : i32 to index
        %swap3A_529 = arith.constant 0 : index
        %swap3A_530 = tpu.vector_load %arg9[%swap3A_528, %swap3A_529] {strides = array<i32>} : memref<200x64xf32, #tpu.memory_space<vmem>>, vector<16xf32>,
        tpu.vector_store %arg9[%swap3A_528, %swap3A_529], %mul3A_525 {strides = array<i32>} : memref<200x64xf32, #tpu.memory_space<vmem>>, vector<16xf32>,
        %add3A_531 = arith.constant 7 : i32
        %add3A_532 = arith.addi %mul3A_155, %add3A_531 : i32
        %get3A_533 = arith.index_cast %add3A_532 : i32 to index
        %get3A_534 = arith.constant 16 : index
        %get3A_535 = tpu.vector_load %arg7[%get3A_533, %get3A_534] {strides = array<i32>} : memref<200x128xf32, #tpu.memory_space<vmem>>, vector<16xf32>,
        %mul3A_536 = arith.constant 1.250000e-01 : f32
        %mul3A_537 = vector.broadcast %mul3A_536 : f32 to vector<16xf32>
        %mul3A_538 = arith.mulf %get3A_535, %mul3A_537 : vector<16xf32>
        %add3A_539 = arith.constant 7 : i32
        %add3A_540 = arith.addi %mul3A_155, %add3A_539 : i32
        %swap3A_541 = arith.index_cast %add3A_540 : i32 to index
        %swap3A_542 = arith.constant 16 : index
        %swap3A_543 = tpu.vector_load %arg9[%swap3A_541, %swap3A_542] {strides = array<i32>} : memref<200x64xf32, #tpu.memory_space<vmem>>, vector<16xf32>,
        tpu.vector_store %arg9[%swap3A_541, %swap3A_542], %mul3A_538 {strides = array<i32>} : memref<200x64xf32, #tpu.memory_space<vmem>>, vector<16xf32>,
        %add3A_544 = arith.constant 7 : i32
        %add3A_545 = arith.addi %mul3A_155, %add3A_544 : i32
        %get3A_546 = arith.index_cast %add3A_545 : i32 to index
        %get3A_547 = arith.constant 32 : index
        %get3A_548 = tpu.vector_load %arg7[%get3A_546, %get3A_547] {strides = array<i32>} : memref<200x128xf32, #tpu.memory_space<vmem>>, vector<16xf32>,
        %mul3A_549 = arith.constant 1.250000e-01 : f32
        %mul3A_550 = vector.broadcast %mul3A_549 : f32 to vector<16xf32>
        %mul3A_551 = arith.mulf %get3A_548, %mul3A_550 : vector<16xf32>
        %add3A_552 = arith.constant 7 : i32
        %add3A_553 = arith.addi %mul3A_155, %add3A_552 : i32
        %swap3A_554 = arith.index_cast %add3A_553 : i32 to index
        %swap3A_555 = arith.constant 32 : index
        %swap3A_556 = tpu.vector_load %arg9[%swap3A_554, %swap3A_555] {strides = array<i32>} : memref<200x64xf32, #tpu.memory_space<vmem>>, vector<16xf32>,
        tpu.vector_store %arg9[%swap3A_554, %swap3A_555], %mul3A_551 {strides = array<i32>} : memref<200x64xf32, #tpu.memory_space<vmem>>, vector<16xf32>,
        %add3A_557 = arith.constant 7 : i32
        %add3A_558 = arith.addi %mul3A_155, %add3A_557 : i32
        %get3A_559 = arith.index_cast %add3A_558 : i32 to index
        %get3A_560 = arith.constant 48 : index
        %get3A_561 = tpu.vector_load %arg7[%get3A_559, %get3A_560] {strides = array<i32>} : memref<200x128xf32, #tpu.memory_space<vmem>>, vector<16xf32>,
        %mul3A_562 = arith.constant 1.250000e-01 : f32
        %mul3A_563 = vector.broadcast %mul3A_562 : f32 to vector<16xf32>
        %mul3A_564 = arith.mulf %get3A_561, %mul3A_563 : vector<16xf32>
        %add3A_565 = arith.constant 7 : i32
        %add3A_566 = arith.addi %mul3A_155, %add3A_565 : i32
        %swap3A_567 = arith.index_cast %add3A_566 : i32 to index
        %swap3A_568 = arith.constant 48 : index
        %swap3A_569 = tpu.vector_load %arg9[%swap3A_567, %swap3A_568] {strides = array<i32>} : memref<200x64xf32, #tpu.memory_space<vmem>>, vector<16xf32>,
        tpu.vector_store %arg9[%swap3A_567, %swap3A_568], %mul3A_564 {strides = array<i32>} : memref<200x64xf32, #tpu.memory_space<vmem>>, vector<16xf32>,
      }
      %scan3A_109 = arith.constant 25 : i32
      %add3A_110 = arith.addi %mul3A_2, %add3A_93 : i32
      %mul3A_111 = arith.constant 200 : i32
      %mul3A_112 = arith.muli %add3A_110, %mul3A_111 : i32
      %dma_start3A_113 = arith.constant 0 : i32
      %dma_start3A_114 = tpu.memref_slice %arg4[%mul3A_112, %dma_start3A_113] : memref<819200x64xf32, #tpu.memory_space<hbm>> -> memref<200x64xf32, #tpu.memory_space<hbm>>
      %dma_start3A_115 = arith.constant 0 : i32
      %dma_start3A_116 = tpu.memref_slice %arg4[%mul3A_112, %dma_start3A_115] : memref<819200x64xf32, #tpu.memory_space<hbm>> -> memref<200x64xf32, #tpu.memory_space<hbm>>
      tpu.enqueue_dma source(%arg9 : memref<200x64xf32, #tpu.memory_space<vmem>>) target(%dma_start3A_116 : memref<200x64xf32, #tpu.memory_space<hbm>>) target_semaphore(%arg13 : memref<!tpu.dma_semaphore, #tpu.memory_space<semaphore_mem>>)
      %dma_start3A_117 = arith.constant 0 : i32
      %dma_start3A_118 = arith.constant 0 : i32
      %dma_start3A_119 = tpu.memref_slice %arg3[%dma_start3A_117, %dma_start3A_118] : memref<1000000x128xf32, #tpu.memory_space<hbm>> -> memref<1000000x128xf32, #tpu.memory_space<hbm>>
      tpu.enqueue_indirect_dma source(%dma_start3A_119 : memref<1000000x128xf32, #tpu.memory_space<hbm>>) target(%arg7 : memref<200x128xf32, #tpu.memory_space<vmem>>) offsets(%arg5 : memref<200xi32, #tpu.memory_space<vmem>>) semaphore(%arg11 : memref<!tpu.dma_semaphore, #tpu.memory_space<semaphore_mem>>)
      %mul3A_120 = arith.constant 2 : i32
      %mul3A_121 = arith.muli %scan3A_89, %mul3A_120 : i32
      %add3A_122 = arith.constant 1 : i32
      %add3A_123 = arith.addi %mul3A_121, %add3A_122 : i32
      %dma_wait3A_124 = arith.constant 0 : i32
      %dma_wait3A_125 = arith.constant 0 : i32
      %dma_wait3A_126 = tpu.memref_slice %arg3[%dma_wait3A_124, %dma_wait3A_125] : memref<1000000x128xf32, #tpu.memory_space<hbm>> -> memref<1000000x128xf32, #tpu.memory_space<hbm>>
      tpu.wait_indirect_dma semaphore(%arg12 : memref<!tpu.dma_semaphore, #tpu.memory_space<semaphore_mem>>) src(%dma_wait3A_126 : memref<1000000x128xf32, #tpu.memory_space<hbm>>) dst(%arg8 : memref<200x128xf32, #tpu.memory_space<vmem>>)
      %add3A_127 = arith.constant 2 : i32
      %add3A_128 = arith.addi %add3A_123, %add3A_127 : i32
      %add3A_129 = arith.addi %mul3A_2, %add3A_128 : i32
      %mul3A_130 = arith.constant 200 : i32
      %mul3A_131 = arith.muli %add3A_129, %mul3A_130 : i32
      "tpu.region"() ({
        %run_scoped3A = tpu.sem_alloc : memref<!tpu.dma_semaphore, #tpu.memory_space<semaphore_mem>>
        %dma_start3A_153 = tpu.memref_slice %arg2[%mul3A_131] : memref<819200xi32, #tpu.memory_space<hbm>> -> memref<200xi32, #tpu.memory_space<hbm>>
        %dma_start3A_154 = tpu.memref_slice %arg2[%mul3A_131] : memref<819200xi32, #tpu.memory_space<hbm>> -> memref<200xi32, #tpu.memory_space<hbm>>
        tpu.enqueue_dma source(%dma_start3A_154 : memref<200xi32, #tpu.memory_space<hbm>>) target(%arg6 : memref<200xi32, #tpu.memory_space<vmem>>) target_semaphore(%run_scoped3A : memref<!tpu.dma_semaphore, #tpu.memory_space<semaphore_mem>>)
        %dma_wait3A_155 = tpu.memref_slice %arg2[%mul3A_131] : memref<819200xi32, #tpu.memory_space<hbm>> -> memref<200xi32, #tpu.memory_space<hbm>>
        %dma_wait3A_156 = tpu.memref_slice %arg2[%mul3A_131] : memref<819200xi32, #tpu.memory_space<hbm>> -> memref<200xi32, #tpu.memory_space<hbm>>
        tpu.wait_dma2 semaphore(%run_scoped3A : memref<!tpu.dma_semaphore, #tpu.memory_space<semaphore_mem>>) src(%dma_wait3A_156 : memref<200xi32, #tpu.memory_space<hbm>>) dst(%arg6 : memref<200xi32, #tpu.memory_space<vmem>>)
        tpu.yield
      }) : () -> ()
      %ge3A_132 = arith.constant 2 : i32
      %ge3A_133 = arith.cmpi sge, %add3A_123, %ge3A_132 : i32
      %convert_element_type3A_134 = arith.extui %ge3A_133 : i1 to i32
      %cond3A_135 = arith.constant 0 : i32
      %cond3A_136 = arith.cmpi ne, %convert_element_type3A_134, %cond3A_135 : i32
      scf.if %cond3A_136 {
        %add3A_153 = arith.addi %mul3A_2, %add3A_123 : i32
        %sub3A_154 = arith.constant 2 : i32
        %sub3A_155 = arith.subi %add3A_153, %sub3A_154 : i32
        %mul3A_156 = arith.constant 200 : i32
        %mul3A_157 = arith.muli %sub3A_155, %mul3A_156 : i32
        %dma_wait3A_158 = arith.constant 0 : i32
        %dma_wait3A_159 = tpu.memref_slice %arg4[%mul3A_157, %dma_wait3A_158] : memref<819200x64xf32, #tpu.memory_space<hbm>> -> memref<200x64xf32, #tpu.memory_space<hbm>>
        %dma_wait3A_160 = arith.constant 0 : i32
        %dma_wait3A_161 = tpu.memref_slice %arg4[%mul3A_157, %dma_wait3A_160] : memref<819200x64xf32, #tpu.memory_space<hbm>> -> memref<200x64xf32, #tpu.memory_space<hbm>>
        tpu.wait_dma2 semaphore(%arg14 : memref<!tpu.dma_semaphore, #tpu.memory_space<semaphore_mem>>) src(%arg10 : memref<200x64xf32, #tpu.memory_space<vmem>>) dst(%dma_wait3A_161 : memref<200x64xf32, #tpu.memory_space<hbm>>)
      } else {
      }
      %scan3A_137 = arith.constant 0 : i32
      %scan3A_138 = arith.constant 0 : i32
      %scan3A_139 = arith.constant 25 : i32
      %scan3A_140 = arith.addi %scan3A_138, %scan3A_139 : i32
      %scan3A_141 = arith.constant 1 : i32
      scf.for %scan3A_153 = %scan3A_138 to %scan3A_140 step %scan3A_141  : i32 {
        %mul3A_154 = arith.constant 8 : i32
        %mul3A_155 = arith.muli %scan3A_153, %mul3A_154 : i32
        %add3A_156 = arith.constant 0 : i32
        %add3A_157 = arith.addi %mul3A_155, %add3A_156 : i32
        %get3A = arith.index_cast %add3A_157 : i32 to index
        %get3A_158 = arith.constant 0 : index
        %get3A_159 = tpu.vector_load %arg8[%get3A, %get3A_158] {strides = array<i32>} : memref<200x128xf32, #tpu.memory_space<vmem>>, vector<16xf32>,
        %mul3A_160 = arith.constant 1.250000e-01 : f32
        %mul3A_161 = vector.broadcast %mul3A_160 : f32 to vector<16xf32>
        %mul3A_162 = arith.mulf %get3A_159, %mul3A_161 : vector<16xf32>
        %add3A_163 = arith.constant 0 : i32
        %add3A_164 = arith.addi %mul3A_155, %add3A_163 : i32
        %swap3A = arith.index_cast %add3A_164 : i32 to index
        %swap3A_165 = arith.constant 0 : index
        %swap3A_166 = tpu.vector_load %arg10[%swap3A, %swap3A_165] {strides = array<i32>} : memref<200x64xf32, #tpu.memory_space<vmem>>, vector<16xf32>,
        tpu.vector_store %arg10[%swap3A, %swap3A_165], %mul3A_162 {strides = array<i32>} : memref<200x64xf32, #tpu.memory_space<vmem>>, vector<16xf32>,
        %add3A_167 = arith.constant 0 : i32
        %add3A_168 = arith.addi %mul3A_155, %add3A_167 : i32
        %get3A_169 = arith.index_cast %add3A_168 : i32 to index
        %get3A_170 = arith.constant 16 : index
        %get3A_171 = tpu.vector_load %arg8[%get3A_169, %get3A_170] {strides = array<i32>} : memref<200x128xf32, #tpu.memory_space<vmem>>, vector<16xf32>,
        %mul3A_172 = arith.constant 1.250000e-01 : f32
        %mul3A_173 = vector.broadcast %mul3A_172 : f32 to vector<16xf32>
        %mul3A_174 = arith.mulf %get3A_171, %mul3A_173 : vector<16xf32>
        %add3A_175 = arith.constant 0 : i32
        %add3A_176 = arith.addi %mul3A_155, %add3A_175 : i32
        %swap3A_177 = arith.index_cast %add3A_176 : i32 to index
        %swap3A_178 = arith.constant 16 : index
        %swap3A_179 = tpu.vector_load %arg10[%swap3A_177, %swap3A_178] {strides = array<i32>} : memref<200x64xf32, #tpu.memory_space<vmem>>, vector<16xf32>,
        tpu.vector_store %arg10[%swap3A_177, %swap3A_178], %mul3A_174 {strides = array<i32>} : memref<200x64xf32, #tpu.memory_space<vmem>>, vector<16xf32>,
        %add3A_180 = arith.constant 0 : i32
        %add3A_181 = arith.addi %mul3A_155, %add3A_180 : i32
        %get3A_182 = arith.index_cast %add3A_181 : i32 to index
        %get3A_183 = arith.constant 32 : index
        %get3A_184 = tpu.vector_load %arg8[%get3A_182, %get3A_183] {strides = array<i32>} : memref<200x128xf32, #tpu.memory_space<vmem>>, vector<16xf32>,
        %mul3A_185 = arith.constant 1.250000e-01 : f32
        %mul3A_186 = vector.broadcast %mul3A_185 : f32 to vector<16xf32>
        %mul3A_187 = arith.mulf %get3A_184, %mul3A_186 : vector<16xf32>
        %add3A_188 = arith.constant 0 : i32
        %add3A_189 = arith.addi %mul3A_155, %add3A_188 : i32
        %swap3A_190 = arith.index_cast %add3A_189 : i32 to index
        %swap3A_191 = arith.constant 32 : index
        %swap3A_192 = tpu.vector_load %arg10[%swap3A_190, %swap3A_191] {strides = array<i32>} : memref<200x64xf32, #tpu.memory_space<vmem>>, vector<16xf32>,
        tpu.vector_store %arg10[%swap3A_190, %swap3A_191], %mul3A_187 {strides = array<i32>} : memref<200x64xf32, #tpu.memory_space<vmem>>, vector<16xf32>,
        %add3A_193 = arith.constant 0 : i32
        %add3A_194 = arith.addi %mul3A_155, %add3A_193 : i32
        %get3A_195 = arith.index_cast %add3A_194 : i32 to index
        %get3A_196 = arith.constant 48 : index
        %get3A_197 = tpu.vector_load %arg8[%get3A_195, %get3A_196] {strides = array<i32>} : memref<200x128xf32, #tpu.memory_space<vmem>>, vector<16xf32>,
        %mul3A_198 = arith.constant 1.250000e-01 : f32
        %mul3A_199 = vector.broadcast %mul3A_198 : f32 to vector<16xf32>
        %mul3A_200 = arith.mulf %get3A_197, %mul3A_199 : vector<16xf32>
        %add3A_201 = arith.constant 0 : i32
        %add3A_202 = arith.addi %mul3A_155, %add3A_201 : i32
        %swap3A_203 = arith.index_cast %add3A_202 : i32 to index
        %swap3A_204 = arith.constant 48 : index
        %swap3A_205 = tpu.vector_load %arg10[%swap3A_203, %swap3A_204] {strides = array<i32>} : memref<200x64xf32, #tpu.memory_space<vmem>>, vector<16xf32>,
        tpu.vector_store %arg10[%swap3A_203, %swap3A_204], %mul3A_200 {strides = array<i32>} : memref<200x64xf32, #tpu.memory_space<vmem>>, vector<16xf32>,
        %add3A_206 = arith.constant 1 : i32
        %add3A_207 = arith.addi %mul3A_155, %add3A_206 : i32
        %get3A_208 = arith.index_cast %add3A_207 : i32 to index
        %get3A_209 = arith.constant 0 : index
        %get3A_210 = tpu.vector_load %arg8[%get3A_208, %get3A_209] {strides = array<i32>} : memref<200x128xf32, #tpu.memory_space<vmem>>, vector<16xf32>,
        %mul3A_211 = arith.constant 1.250000e-01 : f32
        %mul3A_212 = vector.broadcast %mul3A_211 : f32 to vector<16xf32>
        %mul3A_213 = arith.mulf %get3A_210, %mul3A_212 : vector<16xf32>
        %add3A_214 = arith.constant 1 : i32
        %add3A_215 = arith.addi %mul3A_155, %add3A_214 : i32
        %swap3A_216 = arith.index_cast %add3A_215 : i32 to index
        %swap3A_217 = arith.constant 0 : index
        %swap3A_218 = tpu.vector_load %arg10[%swap3A_216, %swap3A_217] {strides = array<i32>} : memref<200x64xf32, #tpu.memory_space<vmem>>, vector<16xf32>,
        tpu.vector_store %arg10[%swap3A_216, %swap3A_217], %mul3A_213 {strides = array<i32>} : memref<200x64xf32, #tpu.memory_space<vmem>>, vector<16xf32>,
        %add3A_219 = arith.constant 1 : i32
        %add3A_220 = arith.addi %mul3A_155, %add3A_219 : i32
        %get3A_221 = arith.index_cast %add3A_220 : i32 to index
        %get3A_222 = arith.constant 16 : index
        %get3A_223 = tpu.vector_load %arg8[%get3A_221, %get3A_222] {strides = array<i32>} : memref<200x128xf32, #tpu.memory_space<vmem>>, vector<16xf32>,
        %mul3A_224 = arith.constant 1.250000e-01 : f32
        %mul3A_225 = vector.broadcast %mul3A_224 : f32 to vector<16xf32>
        %mul3A_226 = arith.mulf %get3A_223, %mul3A_225 : vector<16xf32>
        %add3A_227 = arith.constant 1 : i32
        %add3A_228 = arith.addi %mul3A_155, %add3A_227 : i32
        %swap3A_229 = arith.index_cast %add3A_228 : i32 to index
        %swap3A_230 = arith.constant 16 : index
        %swap3A_231 = tpu.vector_load %arg10[%swap3A_229, %swap3A_230] {strides = array<i32>} : memref<200x64xf32, #tpu.memory_space<vmem>>, vector<16xf32>,
        tpu.vector_store %arg10[%swap3A_229, %swap3A_230], %mul3A_226 {strides = array<i32>} : memref<200x64xf32, #tpu.memory_space<vmem>>, vector<16xf32>,
        %add3A_232 = arith.constant 1 : i32
        %add3A_233 = arith.addi %mul3A_155, %add3A_232 : i32
        %get3A_234 = arith.index_cast %add3A_233 : i32 to index
        %get3A_235 = arith.constant 32 : index
        %get3A_236 = tpu.vector_load %arg8[%get3A_234, %get3A_235] {strides = array<i32>} : memref<200x128xf32, #tpu.memory_space<vmem>>, vector<16xf32>,
        %mul3A_237 = arith.constant 1.250000e-01 : f32
        %mul3A_238 = vector.broadcast %mul3A_237 : f32 to vector<16xf32>
        %mul3A_239 = arith.mulf %get3A_236, %mul3A_238 : vector<16xf32>
        %add3A_240 = arith.constant 1 : i32
        %add3A_241 = arith.addi %mul3A_155, %add3A_240 : i32
        %swap3A_242 = arith.index_cast %add3A_241 : i32 to index
        %swap3A_243 = arith.constant 32 : index
        %swap3A_244 = tpu.vector_load %arg10[%swap3A_242, %swap3A_243] {strides = array<i32>} : memref<200x64xf32, #tpu.memory_space<vmem>>, vector<16xf32>,
        tpu.vector_store %arg10[%swap3A_242, %swap3A_243], %mul3A_239 {strides = array<i32>} : memref<200x64xf32, #tpu.memory_space<vmem>>, vector<16xf32>,
        %add3A_245 = arith.constant 1 : i32
        %add3A_246 = arith.addi %mul3A_155, %add3A_245 : i32
        %get3A_247 = arith.index_cast %add3A_246 : i32 to index
        %get3A_248 = arith.constant 48 : index
        %get3A_249 = tpu.vector_load %arg8[%get3A_247, %get3A_248] {strides = array<i32>} : memref<200x128xf32, #tpu.memory_space<vmem>>, vector<16xf32>,
        %mul3A_250 = arith.constant 1.250000e-01 : f32
        %mul3A_251 = vector.broadcast %mul3A_250 : f32 to vector<16xf32>
        %mul3A_252 = arith.mulf %get3A_249, %mul3A_251 : vector<16xf32>
        %add3A_253 = arith.constant 1 : i32
        %add3A_254 = arith.addi %mul3A_155, %add3A_253 : i32
        %swap3A_255 = arith.index_cast %add3A_254 : i32 to index
        %swap3A_256 = arith.constant 48 : index
        %swap3A_257 = tpu.vector_load %arg10[%swap3A_255, %swap3A_256] {strides = array<i32>} : memref<200x64xf32, #tpu.memory_space<vmem>>, vector<16xf32>,
        tpu.vector_store %arg10[%swap3A_255, %swap3A_256], %mul3A_252 {strides = array<i32>} : memref<200x64xf32, #tpu.memory_space<vmem>>, vector<16xf32>,
        %add3A_258 = arith.constant 2 : i32
        %add3A_259 = arith.addi %mul3A_155, %add3A_258 : i32
        %get3A_260 = arith.index_cast %add3A_259 : i32 to index
        %get3A_261 = arith.constant 0 : index
        %get3A_262 = tpu.vector_load %arg8[%get3A_260, %get3A_261] {strides = array<i32>} : memref<200x128xf32, #tpu.memory_space<vmem>>, vector<16xf32>,
        %mul3A_263 = arith.constant 1.250000e-01 : f32
        %mul3A_264 = vector.broadcast %mul3A_263 : f32 to vector<16xf32>
        %mul3A_265 = arith.mulf %get3A_262, %mul3A_264 : vector<16xf32>
        %add3A_266 = arith.constant 2 : i32
        %add3A_267 = arith.addi %mul3A_155, %add3A_266 : i32
        %swap3A_268 = arith.index_cast %add3A_267 : i32 to index
        %swap3A_269 = arith.constant 0 : index
        %swap3A_270 = tpu.vector_load %arg10[%swap3A_268, %swap3A_269] {strides = array<i32>} : memref<200x64xf32, #tpu.memory_space<vmem>>, vector<16xf32>,
        tpu.vector_store %arg10[%swap3A_268, %swap3A_269], %mul3A_265 {strides = array<i32>} : memref<200x64xf32, #tpu.memory_space<vmem>>, vector<16xf32>,
        %add3A_271 = arith.constant 2 : i32
        %add3A_272 = arith.addi %mul3A_155, %add3A_271 : i32
        %get3A_273 = arith.index_cast %add3A_272 : i32 to index
        %get3A_274 = arith.constant 16 : index
        %get3A_275 = tpu.vector_load %arg8[%get3A_273, %get3A_274] {strides = array<i32>} : memref<200x128xf32, #tpu.memory_space<vmem>>, vector<16xf32>,
        %mul3A_276 = arith.constant 1.250000e-01 : f32
        %mul3A_277 = vector.broadcast %mul3A_276 : f32 to vector<16xf32>
        %mul3A_278 = arith.mulf %get3A_275, %mul3A_277 : vector<16xf32>
        %add3A_279 = arith.constant 2 : i32
        %add3A_280 = arith.addi %mul3A_155, %add3A_279 : i32
        %swap3A_281 = arith.index_cast %add3A_280 : i32 to index
        %swap3A_282 = arith.constant 16 : index
        %swap3A_283 = tpu.vector_load %arg10[%swap3A_281, %swap3A_282] {strides = array<i32>} : memref<200x64xf32, #tpu.memory_space<vmem>>, vector<16xf32>,
        tpu.vector_store %arg10[%swap3A_281, %swap3A_282], %mul3A_278 {strides = array<i32>} : memref<200x64xf32, #tpu.memory_space<vmem>>, vector<16xf32>,
        %add3A_284 = arith.constant 2 : i32
        %add3A_285 = arith.addi %mul3A_155, %add3A_284 : i32
        %get3A_286 = arith.index_cast %add3A_285 : i32 to index
        %get3A_287 = arith.constant 32 : index
        %get3A_288 = tpu.vector_load %arg8[%get3A_286, %get3A_287] {strides = array<i32>} : memref<200x128xf32, #tpu.memory_space<vmem>>, vector<16xf32>,
        %mul3A_289 = arith.constant 1.250000e-01 : f32
        %mul3A_290 = vector.broadcast %mul3A_289 : f32 to vector<16xf32>
        %mul3A_291 = arith.mulf %get3A_288, %mul3A_290 : vector<16xf32>
        %add3A_292 = arith.constant 2 : i32
        %add3A_293 = arith.addi %mul3A_155, %add3A_292 : i32
        %swap3A_294 = arith.index_cast %add3A_293 : i32 to index
        %swap3A_295 = arith.constant 32 : index
        %swap3A_296 = tpu.vector_load %arg10[%swap3A_294, %swap3A_295] {strides = array<i32>} : memref<200x64xf32, #tpu.memory_space<vmem>>, vector<16xf32>,
        tpu.vector_store %arg10[%swap3A_294, %swap3A_295], %mul3A_291 {strides = array<i32>} : memref<200x64xf32, #tpu.memory_space<vmem>>, vector<16xf32>,
        %add3A_297 = arith.constant 2 : i32
        %add3A_298 = arith.addi %mul3A_155, %add3A_297 : i32
        %get3A_299 = arith.index_cast %add3A_298 : i32 to index
        %get3A_300 = arith.constant 48 : index
        %get3A_301 = tpu.vector_load %arg8[%get3A_299, %get3A_300] {strides = array<i32>} : memref<200x128xf32, #tpu.memory_space<vmem>>, vector<16xf32>,
        %mul3A_302 = arith.constant 1.250000e-01 : f32
        %mul3A_303 = vector.broadcast %mul3A_302 : f32 to vector<16xf32>
        %mul3A_304 = arith.mulf %get3A_301, %mul3A_303 : vector<16xf32>
        %add3A_305 = arith.constant 2 : i32
        %add3A_306 = arith.addi %mul3A_155, %add3A_305 : i32
        %swap3A_307 = arith.index_cast %add3A_306 : i32 to index
        %swap3A_308 = arith.constant 48 : index
        %swap3A_309 = tpu.vector_load %arg10[%swap3A_307, %swap3A_308] {strides = array<i32>} : memref<200x64xf32, #tpu.memory_space<vmem>>, vector<16xf32>,
        tpu.vector_store %arg10[%swap3A_307, %swap3A_308], %mul3A_304 {strides = array<i32>} : memref<200x64xf32, #tpu.memory_space<vmem>>, vector<16xf32>,
        %add3A_310 = arith.constant 3 : i32
        %add3A_311 = arith.addi %mul3A_155, %add3A_310 : i32
        %get3A_312 = arith.index_cast %add3A_311 : i32 to index
        %get3A_313 = arith.constant 0 : index
        %get3A_314 = tpu.vector_load %arg8[%get3A_312, %get3A_313] {strides = array<i32>} : memref<200x128xf32, #tpu.memory_space<vmem>>, vector<16xf32>,
        %mul3A_315 = arith.constant 1.250000e-01 : f32
        %mul3A_316 = vector.broadcast %mul3A_315 : f32 to vector<16xf32>
        %mul3A_317 = arith.mulf %get3A_314, %mul3A_316 : vector<16xf32>
        %add3A_318 = arith.constant 3 : i32
        %add3A_319 = arith.addi %mul3A_155, %add3A_318 : i32
        %swap3A_320 = arith.index_cast %add3A_319 : i32 to index
        %swap3A_321 = arith.constant 0 : index
        %swap3A_322 = tpu.vector_load %arg10[%swap3A_320, %swap3A_321] {strides = array<i32>} : memref<200x64xf32, #tpu.memory_space<vmem>>, vector<16xf32>,
        tpu.vector_store %arg10[%swap3A_320, %swap3A_321], %mul3A_317 {strides = array<i32>} : memref<200x64xf32, #tpu.memory_space<vmem>>, vector<16xf32>,
        %add3A_323 = arith.constant 3 : i32
        %add3A_324 = arith.addi %mul3A_155, %add3A_323 : i32
        %get3A_325 = arith.index_cast %add3A_324 : i32 to index
        %get3A_326 = arith.constant 16 : index
        %get3A_327 = tpu.vector_load %arg8[%get3A_325, %get3A_326] {strides = array<i32>} : memref<200x128xf32, #tpu.memory_space<vmem>>, vector<16xf32>,
        %mul3A_328 = arith.constant 1.250000e-01 : f32
        %mul3A_329 = vector.broadcast %mul3A_328 : f32 to vector<16xf32>
        %mul3A_330 = arith.mulf %get3A_327, %mul3A_329 : vector<16xf32>
        %add3A_331 = arith.constant 3 : i32
        %add3A_332 = arith.addi %mul3A_155, %add3A_331 : i32
        %swap3A_333 = arith.index_cast %add3A_332 : i32 to index
        %swap3A_334 = arith.constant 16 : index
        %swap3A_335 = tpu.vector_load %arg10[%swap3A_333, %swap3A_334] {strides = array<i32>} : memref<200x64xf32, #tpu.memory_space<vmem>>, vector<16xf32>,
        tpu.vector_store %arg10[%swap3A_333, %swap3A_334], %mul3A_330 {strides = array<i32>} : memref<200x64xf32, #tpu.memory_space<vmem>>, vector<16xf32>,
        %add3A_336 = arith.constant 3 : i32
        %add3A_337 = arith.addi %mul3A_155, %add3A_336 : i32
        %get3A_338 = arith.index_cast %add3A_337 : i32 to index
        %get3A_339 = arith.constant 32 : index
        %get3A_340 = tpu.vector_load %arg8[%get3A_338, %get3A_339] {strides = array<i32>} : memref<200x128xf32, #tpu.memory_space<vmem>>, vector<16xf32>,
        %mul3A_341 = arith.constant 1.250000e-01 : f32
        %mul3A_342 = vector.broadcast %mul3A_341 : f32 to vector<16xf32>
        %mul3A_343 = arith.mulf %get3A_340, %mul3A_342 : vector<16xf32>
        %add3A_344 = arith.constant 3 : i32
        %add3A_345 = arith.addi %mul3A_155, %add3A_344 : i32
        %swap3A_346 = arith.index_cast %add3A_345 : i32 to index
        %swap3A_347 = arith.constant 32 : index
        %swap3A_348 = tpu.vector_load %arg10[%swap3A_346, %swap3A_347] {strides = array<i32>} : memref<200x64xf32, #tpu.memory_space<vmem>>, vector<16xf32>,
        tpu.vector_store %arg10[%swap3A_346, %swap3A_347], %mul3A_343 {strides = array<i32>} : memref<200x64xf32, #tpu.memory_space<vmem>>, vector<16xf32>,
        %add3A_349 = arith.constant 3 : i32
        %add3A_350 = arith.addi %mul3A_155, %add3A_349 : i32
        %get3A_351 = arith.index_cast %add3A_350 : i32 to index
        %get3A_352 = arith.constant 48 : index
        %get3A_353 = tpu.vector_load %arg8[%get3A_351, %get3A_352] {strides = array<i32>} : memref<200x128xf32, #tpu.memory_space<vmem>>, vector<16xf32>,
        %mul3A_354 = arith.constant 1.250000e-01 : f32
        %mul3A_355 = vector.broadcast %mul3A_354 : f32 to vector<16xf32>
        %mul3A_356 = arith.mulf %get3A_353, %mul3A_355 : vector<16xf32>
        %add3A_357 = arith.constant 3 : i32
        %add3A_358 = arith.addi %mul3A_155, %add3A_357 : i32
        %swap3A_359 = arith.index_cast %add3A_358 : i32 to index
        %swap3A_360 = arith.constant 48 : index
        %swap3A_361 = tpu.vector_load %arg10[%swap3A_359, %swap3A_360] {strides = array<i32>} : memref<200x64xf32, #tpu.memory_space<vmem>>, vector<16xf32>,
        tpu.vector_store %arg10[%swap3A_359, %swap3A_360], %mul3A_356 {strides = array<i32>} : memref<200x64xf32, #tpu.memory_space<vmem>>, vector<16xf32>,
        %add3A_362 = arith.constant 4 : i32
        %add3A_363 = arith.addi %mul3A_155, %add3A_362 : i32
        %get3A_364 = arith.index_cast %add3A_363 : i32 to index
        %get3A_365 = arith.constant 0 : index
        %get3A_366 = tpu.vector_load %arg8[%get3A_364, %get3A_365] {strides = array<i32>} : memref<200x128xf32, #tpu.memory_space<vmem>>, vector<16xf32>,
        %mul3A_367 = arith.constant 1.250000e-01 : f32
        %mul3A_368 = vector.broadcast %mul3A_367 : f32 to vector<16xf32>
        %mul3A_369 = arith.mulf %get3A_366, %mul3A_368 : vector<16xf32>
        %add3A_370 = arith.constant 4 : i32
        %add3A_371 = arith.addi %mul3A_155, %add3A_370 : i32
        %swap3A_372 = arith.index_cast %add3A_371 : i32 to index
        %swap3A_373 = arith.constant 0 : index
        %swap3A_374 = tpu.vector_load %arg10[%swap3A_372, %swap3A_373] {strides = array<i32>} : memref<200x64xf32, #tpu.memory_space<vmem>>, vector<16xf32>,
        tpu.vector_store %arg10[%swap3A_372, %swap3A_373], %mul3A_369 {strides = array<i32>} : memref<200x64xf32, #tpu.memory_space<vmem>>, vector<16xf32>,
        %add3A_375 = arith.constant 4 : i32
        %add3A_376 = arith.addi %mul3A_155, %add3A_375 : i32
        %get3A_377 = arith.index_cast %add3A_376 : i32 to index
        %get3A_378 = arith.constant 16 : index
        %get3A_379 = tpu.vector_load %arg8[%get3A_377, %get3A_378] {strides = array<i32>} : memref<200x128xf32, #tpu.memory_space<vmem>>, vector<16xf32>,
        %mul3A_380 = arith.constant 1.250000e-01 : f32
        %mul3A_381 = vector.broadcast %mul3A_380 : f32 to vector<16xf32>
        %mul3A_382 = arith.mulf %get3A_379, %mul3A_381 : vector<16xf32>
        %add3A_383 = arith.constant 4 : i32
        %add3A_384 = arith.addi %mul3A_155, %add3A_383 : i32
        %swap3A_385 = arith.index_cast %add3A_384 : i32 to index
        %swap3A_386 = arith.constant 16 : index
        %swap3A_387 = tpu.vector_load %arg10[%swap3A_385, %swap3A_386] {strides = array<i32>} : memref<200x64xf32, #tpu.memory_space<vmem>>, vector<16xf32>,
        tpu.vector_store %arg10[%swap3A_385, %swap3A_386], %mul3A_382 {strides = array<i32>} : memref<200x64xf32, #tpu.memory_space<vmem>>, vector<16xf32>,
        %add3A_388 = arith.constant 4 : i32
        %add3A_389 = arith.addi %mul3A_155, %add3A_388 : i32
        %get3A_390 = arith.index_cast %add3A_389 : i32 to index
        %get3A_391 = arith.constant 32 : index
        %get3A_392 = tpu.vector_load %arg8[%get3A_390, %get3A_391] {strides = array<i32>} : memref<200x128xf32, #tpu.memory_space<vmem>>, vector<16xf32>,
        %mul3A_393 = arith.constant 1.250000e-01 : f32
        %mul3A_394 = vector.broadcast %mul3A_393 : f32 to vector<16xf32>
        %mul3A_395 = arith.mulf %get3A_392, %mul3A_394 : vector<16xf32>
        %add3A_396 = arith.constant 4 : i32
        %add3A_397 = arith.addi %mul3A_155, %add3A_396 : i32
        %swap3A_398 = arith.index_cast %add3A_397 : i32 to index
        %swap3A_399 = arith.constant 32 : index
        %swap3A_400 = tpu.vector_load %arg10[%swap3A_398, %swap3A_399] {strides = array<i32>} : memref<200x64xf32, #tpu.memory_space<vmem>>, vector<16xf32>,
        tpu.vector_store %arg10[%swap3A_398, %swap3A_399], %mul3A_395 {strides = array<i32>} : memref<200x64xf32, #tpu.memory_space<vmem>>, vector<16xf32>,
        %add3A_401 = arith.constant 4 : i32
        %add3A_402 = arith.addi %mul3A_155, %add3A_401 : i32
        %get3A_403 = arith.index_cast %add3A_402 : i32 to index
        %get3A_404 = arith.constant 48 : index
        %get3A_405 = tpu.vector_load %arg8[%get3A_403, %get3A_404] {strides = array<i32>} : memref<200x128xf32, #tpu.memory_space<vmem>>, vector<16xf32>,
        %mul3A_406 = arith.constant 1.250000e-01 : f32
        %mul3A_407 = vector.broadcast %mul3A_406 : f32 to vector<16xf32>
        %mul3A_408 = arith.mulf %get3A_405, %mul3A_407 : vector<16xf32>
        %add3A_409 = arith.constant 4 : i32
        %add3A_410 = arith.addi %mul3A_155, %add3A_409 : i32
        %swap3A_411 = arith.index_cast %add3A_410 : i32 to index
        %swap3A_412 = arith.constant 48 : index
        %swap3A_413 = tpu.vector_load %arg10[%swap3A_411, %swap3A_412] {strides = array<i32>} : memref<200x64xf32, #tpu.memory_space<vmem>>, vector<16xf32>,
        tpu.vector_store %arg10[%swap3A_411, %swap3A_412], %mul3A_408 {strides = array<i32>} : memref<200x64xf32, #tpu.memory_space<vmem>>, vector<16xf32>,
        %add3A_414 = arith.constant 5 : i32
        %add3A_415 = arith.addi %mul3A_155, %add3A_414 : i32
        %get3A_416 = arith.index_cast %add3A_415 : i32 to index
        %get3A_417 = arith.constant 0 : index
        %get3A_418 = tpu.vector_load %arg8[%get3A_416, %get3A_417] {strides = array<i32>} : memref<200x128xf32, #tpu.memory_space<vmem>>, vector<16xf32>,
        %mul3A_419 = arith.constant 1.250000e-01 : f32
        %mul3A_420 = vector.broadcast %mul3A_419 : f32 to vector<16xf32>
        %mul3A_421 = arith.mulf %get3A_418, %mul3A_420 : vector<16xf32>
        %add3A_422 = arith.constant 5 : i32
        %add3A_423 = arith.addi %mul3A_155, %add3A_422 : i32
        %swap3A_424 = arith.index_cast %add3A_423 : i32 to index
        %swap3A_425 = arith.constant 0 : index
        %swap3A_426 = tpu.vector_load %arg10[%swap3A_424, %swap3A_425] {strides = array<i32>} : memref<200x64xf32, #tpu.memory_space<vmem>>, vector<16xf32>,
        tpu.vector_store %arg10[%swap3A_424, %swap3A_425], %mul3A_421 {strides = array<i32>} : memref<200x64xf32, #tpu.memory_space<vmem>>, vector<16xf32>,
        %add3A_427 = arith.constant 5 : i32
        %add3A_428 = arith.addi %mul3A_155, %add3A_427 : i32
        %get3A_429 = arith.index_cast %add3A_428 : i32 to index
        %get3A_430 = arith.constant 16 : index
        %get3A_431 = tpu.vector_load %arg8[%get3A_429, %get3A_430] {strides = array<i32>} : memref<200x128xf32, #tpu.memory_space<vmem>>, vector<16xf32>,
        %mul3A_432 = arith.constant 1.250000e-01 : f32
        %mul3A_433 = vector.broadcast %mul3A_432 : f32 to vector<16xf32>
        %mul3A_434 = arith.mulf %get3A_431, %mul3A_433 : vector<16xf32>
        %add3A_435 = arith.constant 5 : i32
        %add3A_436 = arith.addi %mul3A_155, %add3A_435 : i32
        %swap3A_437 = arith.index_cast %add3A_436 : i32 to index
        %swap3A_438 = arith.constant 16 : index
        %swap3A_439 = tpu.vector_load %arg10[%swap3A_437, %swap3A_438] {strides = array<i32>} : memref<200x64xf32, #tpu.memory_space<vmem>>, vector<16xf32>,
        tpu.vector_store %arg10[%swap3A_437, %swap3A_438], %mul3A_434 {strides = array<i32>} : memref<200x64xf32, #tpu.memory_space<vmem>>, vector<16xf32>,
        %add3A_440 = arith.constant 5 : i32
        %add3A_441 = arith.addi %mul3A_155, %add3A_440 : i32
        %get3A_442 = arith.index_cast %add3A_441 : i32 to index
        %get3A_443 = arith.constant 32 : index
        %get3A_444 = tpu.vector_load %arg8[%get3A_442, %get3A_443] {strides = array<i32>} : memref<200x128xf32, #tpu.memory_space<vmem>>, vector<16xf32>,
        %mul3A_445 = arith.constant 1.250000e-01 : f32
        %mul3A_446 = vector.broadcast %mul3A_445 : f32 to vector<16xf32>
        %mul3A_447 = arith.mulf %get3A_444, %mul3A_446 : vector<16xf32>
        %add3A_448 = arith.constant 5 : i32
        %add3A_449 = arith.addi %mul3A_155, %add3A_448 : i32
        %swap3A_450 = arith.index_cast %add3A_449 : i32 to index
        %swap3A_451 = arith.constant 32 : index
        %swap3A_452 = tpu.vector_load %arg10[%swap3A_450, %swap3A_451] {strides = array<i32>} : memref<200x64xf32, #tpu.memory_space<vmem>>, vector<16xf32>,
        tpu.vector_store %arg10[%swap3A_450, %swap3A_451], %mul3A_447 {strides = array<i32>} : memref<200x64xf32, #tpu.memory_space<vmem>>, vector<16xf32>,
        %add3A_453 = arith.constant 5 : i32
        %add3A_454 = arith.addi %mul3A_155, %add3A_453 : i32
        %get3A_455 = arith.index_cast %add3A_454 : i32 to index
        %get3A_456 = arith.constant 48 : index
        %get3A_457 = tpu.vector_load %arg8[%get3A_455, %get3A_456] {strides = array<i32>} : memref<200x128xf32, #tpu.memory_space<vmem>>, vector<16xf32>,
        %mul3A_458 = arith.constant 1.250000e-01 : f32
        %mul3A_459 = vector.broadcast %mul3A_458 : f32 to vector<16xf32>
        %mul3A_460 = arith.mulf %get3A_457, %mul3A_459 : vector<16xf32>
        %add3A_461 = arith.constant 5 : i32
        %add3A_462 = arith.addi %mul3A_155, %add3A_461 : i32
        %swap3A_463 = arith.index_cast %add3A_462 : i32 to index
        %swap3A_464 = arith.constant 48 : index
        %swap3A_465 = tpu.vector_load %arg10[%swap3A_463, %swap3A_464] {strides = array<i32>} : memref<200x64xf32, #tpu.memory_space<vmem>>, vector<16xf32>,
        tpu.vector_store %arg10[%swap3A_463, %swap3A_464], %mul3A_460 {strides = array<i32>} : memref<200x64xf32, #tpu.memory_space<vmem>>, vector<16xf32>,
        %add3A_466 = arith.constant 6 : i32
        %add3A_467 = arith.addi %mul3A_155, %add3A_466 : i32
        %get3A_468 = arith.index_cast %add3A_467 : i32 to index
        %get3A_469 = arith.constant 0 : index
        %get3A_470 = tpu.vector_load %arg8[%get3A_468, %get3A_469] {strides = array<i32>} : memref<200x128xf32, #tpu.memory_space<vmem>>, vector<16xf32>,
        %mul3A_471 = arith.constant 1.250000e-01 : f32
        %mul3A_472 = vector.broadcast %mul3A_471 : f32 to vector<16xf32>
        %mul3A_473 = arith.mulf %get3A_470, %mul3A_472 : vector<16xf32>
        %add3A_474 = arith.constant 6 : i32
        %add3A_475 = arith.addi %mul3A_155, %add3A_474 : i32
        %swap3A_476 = arith.index_cast %add3A_475 : i32 to index
        %swap3A_477 = arith.constant 0 : index
        %swap3A_478 = tpu.vector_load %arg10[%swap3A_476, %swap3A_477] {strides = array<i32>} : memref<200x64xf32, #tpu.memory_space<vmem>>, vector<16xf32>,
        tpu.vector_store %arg10[%swap3A_476, %swap3A_477], %mul3A_473 {strides = array<i32>} : memref<200x64xf32, #tpu.memory_space<vmem>>, vector<16xf32>,
        %add3A_479 = arith.constant 6 : i32
        %add3A_480 = arith.addi %mul3A_155, %add3A_479 : i32
        %get3A_481 = arith.index_cast %add3A_480 : i32 to index
        %get3A_482 = arith.constant 16 : index
        %get3A_483 = tpu.vector_load %arg8[%get3A_481, %get3A_482] {strides = array<i32>} : memref<200x128xf32, #tpu.memory_space<vmem>>, vector<16xf32>,
        %mul3A_484 = arith.constant 1.250000e-01 : f32
        %mul3A_485 = vector.broadcast %mul3A_484 : f32 to vector<16xf32>
        %mul3A_486 = arith.mulf %get3A_483, %mul3A_485 : vector<16xf32>
        %add3A_487 = arith.constant 6 : i32
        %add3A_488 = arith.addi %mul3A_155, %add3A_487 : i32
        %swap3A_489 = arith.index_cast %add3A_488 : i32 to index
        %swap3A_490 = arith.constant 16 : index
        %swap3A_491 = tpu.vector_load %arg10[%swap3A_489, %swap3A_490] {strides = array<i32>} : memref<200x64xf32, #tpu.memory_space<vmem>>, vector<16xf32>,
        tpu.vector_store %arg10[%swap3A_489, %swap3A_490], %mul3A_486 {strides = array<i32>} : memref<200x64xf32, #tpu.memory_space<vmem>>, vector<16xf32>,
        %add3A_492 = arith.constant 6 : i32
        %add3A_493 = arith.addi %mul3A_155, %add3A_492 : i32
        %get3A_494 = arith.index_cast %add3A_493 : i32 to index
        %get3A_495 = arith.constant 32 : index
        %get3A_496 = tpu.vector_load %arg8[%get3A_494, %get3A_495] {strides = array<i32>} : memref<200x128xf32, #tpu.memory_space<vmem>>, vector<16xf32>,
        %mul3A_497 = arith.constant 1.250000e-01 : f32
        %mul3A_498 = vector.broadcast %mul3A_497 : f32 to vector<16xf32>
        %mul3A_499 = arith.mulf %get3A_496, %mul3A_498 : vector<16xf32>
        %add3A_500 = arith.constant 6 : i32
        %add3A_501 = arith.addi %mul3A_155, %add3A_500 : i32
        %swap3A_502 = arith.index_cast %add3A_501 : i32 to index
        %swap3A_503 = arith.constant 32 : index
        %swap3A_504 = tpu.vector_load %arg10[%swap3A_502, %swap3A_503] {strides = array<i32>} : memref<200x64xf32, #tpu.memory_space<vmem>>, vector<16xf32>,
        tpu.vector_store %arg10[%swap3A_502, %swap3A_503], %mul3A_499 {strides = array<i32>} : memref<200x64xf32, #tpu.memory_space<vmem>>, vector<16xf32>,
        %add3A_505 = arith.constant 6 : i32
        %add3A_506 = arith.addi %mul3A_155, %add3A_505 : i32
        %get3A_507 = arith.index_cast %add3A_506 : i32 to index
        %get3A_508 = arith.constant 48 : index
        %get3A_509 = tpu.vector_load %arg8[%get3A_507, %get3A_508] {strides = array<i32>} : memref<200x128xf32, #tpu.memory_space<vmem>>, vector<16xf32>,
        %mul3A_510 = arith.constant 1.250000e-01 : f32
        %mul3A_511 = vector.broadcast %mul3A_510 : f32 to vector<16xf32>
        %mul3A_512 = arith.mulf %get3A_509, %mul3A_511 : vector<16xf32>
        %add3A_513 = arith.constant 6 : i32
        %add3A_514 = arith.addi %mul3A_155, %add3A_513 : i32
        %swap3A_515 = arith.index_cast %add3A_514 : i32 to index
        %swap3A_516 = arith.constant 48 : index
        %swap3A_517 = tpu.vector_load %arg10[%swap3A_515, %swap3A_516] {strides = array<i32>} : memref<200x64xf32, #tpu.memory_space<vmem>>, vector<16xf32>,
        tpu.vector_store %arg10[%swap3A_515, %swap3A_516], %mul3A_512 {strides = array<i32>} : memref<200x64xf32, #tpu.memory_space<vmem>>, vector<16xf32>,
        %add3A_518 = arith.constant 7 : i32
        %add3A_519 = arith.addi %mul3A_155, %add3A_518 : i32
        %get3A_520 = arith.index_cast %add3A_519 : i32 to index
        %get3A_521 = arith.constant 0 : index
        %get3A_522 = tpu.vector_load %arg8[%get3A_520, %get3A_521] {strides = array<i32>} : memref<200x128xf32, #tpu.memory_space<vmem>>, vector<16xf32>,
        %mul3A_523 = arith.constant 1.250000e-01 : f32
        %mul3A_524 = vector.broadcast %mul3A_523 : f32 to vector<16xf32>
        %mul3A_525 = arith.mulf %get3A_522, %mul3A_524 : vector<16xf32>
        %add3A_526 = arith.constant 7 : i32
        %add3A_527 = arith.addi %mul3A_155, %add3A_526 : i32
        %swap3A_528 = arith.index_cast %add3A_527 : i32 to index
        %swap3A_529 = arith.constant 0 : index
        %swap3A_530 = tpu.vector_load %arg10[%swap3A_528, %swap3A_529] {strides = array<i32>} : memref<200x64xf32, #tpu.memory_space<vmem>>, vector<16xf32>,
        tpu.vector_store %arg10[%swap3A_528, %swap3A_529], %mul3A_525 {strides = array<i32>} : memref<200x64xf32, #tpu.memory_space<vmem>>, vector<16xf32>,
        %add3A_531 = arith.constant 7 : i32
        %add3A_532 = arith.addi %mul3A_155, %add3A_531 : i32
        %get3A_533 = arith.index_cast %add3A_532 : i32 to index
        %get3A_534 = arith.constant 16 : index
        %get3A_535 = tpu.vector_load %arg8[%get3A_533, %get3A_534] {strides = array<i32>} : memref<200x128xf32, #tpu.memory_space<vmem>>, vector<16xf32>,
        %mul3A_536 = arith.constant 1.250000e-01 : f32
        %mul3A_537 = vector.broadcast %mul3A_536 : f32 to vector<16xf32>
        %mul3A_538 = arith.mulf %get3A_535, %mul3A_537 : vector<16xf32>
        %add3A_539 = arith.constant 7 : i32
        %add3A_540 = arith.addi %mul3A_155, %add3A_539 : i32
        %swap3A_541 = arith.index_cast %add3A_540 : i32 to index
        %swap3A_542 = arith.constant 16 : index
        %swap3A_543 = tpu.vector_load %arg10[%swap3A_541, %swap3A_542] {strides = array<i32>} : memref<200x64xf32, #tpu.memory_space<vmem>>, vector<16xf32>,
        tpu.vector_store %arg10[%swap3A_541, %swap3A_542], %mul3A_538 {strides = array<i32>} : memref<200x64xf32, #tpu.memory_space<vmem>>, vector<16xf32>,
        %add3A_544 = arith.constant 7 : i32
        %add3A_545 = arith.addi %mul3A_155, %add3A_544 : i32
        %get3A_546 = arith.index_cast %add3A_545 : i32 to index
        %get3A_547 = arith.constant 32 : index
        %get3A_548 = tpu.vector_load %arg8[%get3A_546, %get3A_547] {strides = array<i32>} : memref<200x128xf32, #tpu.memory_space<vmem>>, vector<16xf32>,
        %mul3A_549 = arith.constant 1.250000e-01 : f32
        %mul3A_550 = vector.broadcast %mul3A_549 : f32 to vector<16xf32>
        %mul3A_551 = arith.mulf %get3A_548, %mul3A_550 : vector<16xf32>
        %add3A_552 = arith.constant 7 : i32
        %add3A_553 = arith.addi %mul3A_155, %add3A_552 : i32
        %swap3A_554 = arith.index_cast %add3A_553 : i32 to index
        %swap3A_555 = arith.constant 32 : index
        %swap3A_556 = tpu.vector_load %arg10[%swap3A_554, %swap3A_555] {strides = array<i32>} : memref<200x64xf32, #tpu.memory_space<vmem>>, vector<16xf32>,
        tpu.vector_store %arg10[%swap3A_554, %swap3A_555], %mul3A_551 {strides = array<i32>} : memref<200x64xf32, #tpu.memory_space<vmem>>, vector<16xf32>,
        %add3A_557 = arith.constant 7 : i32
        %add3A_558 = arith.addi %mul3A_155, %add3A_557 : i32
        %get3A_559 = arith.index_cast %add3A_558 : i32 to index
        %get3A_560 = arith.constant 48 : index
        %get3A_561 = tpu.vector_load %arg8[%get3A_559, %get3A_560] {strides = array<i32>} : memref<200x128xf32, #tpu.memory_space<vmem>>, vector<16xf32>,
        %mul3A_562 = arith.constant 1.250000e-01 : f32
        %mul3A_563 = vector.broadcast %mul3A_562 : f32 to vector<16xf32>
        %mul3A_564 = arith.mulf %get3A_561, %mul3A_563 : vector<16xf32>
        %add3A_565 = arith.constant 7 : i32
        %add3A_566 = arith.addi %mul3A_155, %add3A_565 : i32
        %swap3A_567 = arith.index_cast %add3A_566 : i32 to index
        %swap3A_568 = arith.constant 48 : index
        %swap3A_569 = tpu.vector_load %arg10[%swap3A_567, %swap3A_568] {strides = array<i32>} : memref<200x64xf32, #tpu.memory_space<vmem>>, vector<16xf32>,
        tpu.vector_store %arg10[%swap3A_567, %swap3A_568], %mul3A_564 {strides = array<i32>} : memref<200x64xf32, #tpu.memory_space<vmem>>, vector<16xf32>,
      }
      %scan3A_142 = arith.constant 25 : i32
      %add3A_143 = arith.addi %mul3A_2, %add3A_123 : i32
      %mul3A_144 = arith.constant 200 : i32
      %mul3A_145 = arith.muli %add3A_143, %mul3A_144 : i32
      %dma_start3A_146 = arith.constant 0 : i32
      %dma_start3A_147 = tpu.memref_slice %arg4[%mul3A_145, %dma_start3A_146] : memref<819200x64xf32, #tpu.memory_space<hbm>> -> memref<200x64xf32, #tpu.memory_space<hbm>>
      %dma_start3A_148 = arith.constant 0 : i32
      %dma_start3A_149 = tpu.memref_slice %arg4[%mul3A_145, %dma_start3A_148] : memref<819200x64xf32, #tpu.memory_space<hbm>> -> memref<200x64xf32, #tpu.memory_space<hbm>>
      tpu.enqueue_dma source(%arg10 : memref<200x64xf32, #tpu.memory_space<vmem>>) target(%dma_start3A_149 : memref<200x64xf32, #tpu.memory_space<hbm>>) target_semaphore(%arg14 : memref<!tpu.dma_semaphore, #tpu.memory_space<semaphore_mem>>)
      %dma_start3A_150 = arith.constant 0 : i32
      %dma_start3A_151 = arith.constant 0 : i32
      %dma_start3A_152 = tpu.memref_slice %arg3[%dma_start3A_150, %dma_start3A_151] : memref<1000000x128xf32, #tpu.memory_space<hbm>> -> memref<1000000x128xf32, #tpu.memory_space<hbm>>
      tpu.enqueue_indirect_dma source(%dma_start3A_152 : memref<1000000x128xf32, #tpu.memory_space<hbm>>) target(%arg8 : memref<200x128xf32, #tpu.memory_space<vmem>>) offsets(%arg6 : memref<200xi32, #tpu.memory_space<vmem>>) semaphore(%arg12 : memref<!tpu.dma_semaphore, #tpu.memory_space<semaphore_mem>>)
    }
    %scan3A_20 = arith.constant 63 : i32
    %dma_wait3A = arith.constant 0 : i32
    %dma_wait3A_21 = arith.constant 0 : i32
    %dma_wait3A_22 = tpu.memref_slice %arg3[%dma_wait3A, %dma_wait3A_21] : memref<1000000x128xf32, #tpu.memory_space<hbm>> -> memref<1000000x128xf32, #tpu.memory_space<hbm>>
    tpu.wait_indirect_dma semaphore(%arg11 : memref<!tpu.dma_semaphore, #tpu.memory_space<semaphore_mem>>) src(%dma_wait3A_22 : memref<1000000x128xf32, #tpu.memory_space<hbm>>) dst(%arg7 : memref<200x128xf32, #tpu.memory_space<vmem>>)
    %add3A_23 = arith.constant 126 : i32
    %add3A_24 = arith.addi %mul3A_2, %add3A_23 : i32
    %sub3A = arith.constant 2 : i32
    %sub3A_25 = arith.subi %add3A_24, %sub3A : i32
    %mul3A_26 = arith.constant 200 : i32
    %mul3A_27 = arith.muli %sub3A_25, %mul3A_26 : i32
    %dma_wait3A_28 = arith.constant 0 : i32
    %dma_wait3A_29 = tpu.memref_slice %arg4[%mul3A_27, %dma_wait3A_28] : memref<819200x64xf32, #tpu.memory_space<hbm>> -> memref<200x64xf32, #tpu.memory_space<hbm>>
    %dma_wait3A_30 = arith.constant 0 : i32
    %dma_wait3A_31 = tpu.memref_slice %arg4[%mul3A_27, %dma_wait3A_30] : memref<819200x64xf32, #tpu.memory_space<hbm>> -> memref<200x64xf32, #tpu.memory_space<hbm>>
    tpu.wait_dma2 semaphore(%arg13 : memref<!tpu.dma_semaphore, #tpu.memory_space<semaphore_mem>>) src(%arg9 : memref<200x64xf32, #tpu.memory_space<vmem>>) dst(%dma_wait3A_31 : memref<200x64xf32, #tpu.memory_space<hbm>>)
    %scan3A_32 = arith.constant 0 : i32
    %scan3A_33 = arith.constant 0 : i32
    %scan3A_34 = arith.constant 25 : i32
    %scan3A_35 = arith.addi %scan3A_33, %scan3A_34 : i32
    %scan3A_36 = arith.constant 1 : i32
    scf.for %scan3A_89 = %scan3A_33 to %scan3A_35 step %scan3A_36  : i32 {
      %mul3A_90 = arith.constant 8 : i32
      %mul3A_91 = arith.muli %scan3A_89, %mul3A_90 : i32
      %add3A_92 = arith.constant 0 : i32
      %add3A_93 = arith.addi %mul3A_91, %add3A_92 : i32
      %get3A = arith.index_cast %add3A_93 : i32 to index
      %get3A_94 = arith.constant 0 : index
      %get3A_95 = tpu.vector_load %arg7[%get3A, %get3A_94] {strides = array<i32>} : memref<200x128xf32, #tpu.memory_space<vmem>>, vector<16xf32>,
      %mul3A_96 = arith.constant 1.250000e-01 : f32
      %mul3A_97 = vector.broadcast %mul3A_96 : f32 to vector<16xf32>
      %mul3A_98 = arith.mulf %get3A_95, %mul3A_97 : vector<16xf32>
      %add3A_99 = arith.constant 0 : i32
      %add3A_100 = arith.addi %mul3A_91, %add3A_99 : i32
      %swap3A = arith.index_cast %add3A_100 : i32 to index
      %swap3A_101 = arith.constant 0 : index
      %swap3A_102 = tpu.vector_load %arg9[%swap3A, %swap3A_101] {strides = array<i32>} : memref<200x64xf32, #tpu.memory_space<vmem>>, vector<16xf32>,
      tpu.vector_store %arg9[%swap3A, %swap3A_101], %mul3A_98 {strides = array<i32>} : memref<200x64xf32, #tpu.memory_space<vmem>>, vector<16xf32>,
      %add3A_103 = arith.constant 0 : i32
      %add3A_104 = arith.addi %mul3A_91, %add3A_103 : i32
      %get3A_105 = arith.index_cast %add3A_104 : i32 to index
      %get3A_106 = arith.constant 16 : index
      %get3A_107 = tpu.vector_load %arg7[%get3A_105, %get3A_106] {strides = array<i32>} : memref<200x128xf32, #tpu.memory_space<vmem>>, vector<16xf32>,
      %mul3A_108 = arith.constant 1.250000e-01 : f32
      %mul3A_109 = vector.broadcast %mul3A_108 : f32 to vector<16xf32>
      %mul3A_110 = arith.mulf %get3A_107, %mul3A_109 : vector<16xf32>
      %add3A_111 = arith.constant 0 : i32
      %add3A_112 = arith.addi %mul3A_91, %add3A_111 : i32
      %swap3A_113 = arith.index_cast %add3A_112 : i32 to index
      %swap3A_114 = arith.constant 16 : index
      %swap3A_115 = tpu.vector_load %arg9[%swap3A_113, %swap3A_114] {strides = array<i32>} : memref<200x64xf32, #tpu.memory_space<vmem>>, vector<16xf32>,
      tpu.vector_store %arg9[%swap3A_113, %swap3A_114], %mul3A_110 {strides = array<i32>} : memref<200x64xf32, #tpu.memory_space<vmem>>, vector<16xf32>,
      %add3A_116 = arith.constant 0 : i32
      %add3A_117 = arith.addi %mul3A_91, %add3A_116 : i32
      %get3A_118 = arith.index_cast %add3A_117 : i32 to index
      %get3A_119 = arith.constant 32 : index
      %get3A_120 = tpu.vector_load %arg7[%get3A_118, %get3A_119] {strides = array<i32>} : memref<200x128xf32, #tpu.memory_space<vmem>>, vector<16xf32>,
      %mul3A_121 = arith.constant 1.250000e-01 : f32
      %mul3A_122 = vector.broadcast %mul3A_121 : f32 to vector<16xf32>
      %mul3A_123 = arith.mulf %get3A_120, %mul3A_122 : vector<16xf32>
      %add3A_124 = arith.constant 0 : i32
      %add3A_125 = arith.addi %mul3A_91, %add3A_124 : i32
      %swap3A_126 = arith.index_cast %add3A_125 : i32 to index
      %swap3A_127 = arith.constant 32 : index
      %swap3A_128 = tpu.vector_load %arg9[%swap3A_126, %swap3A_127] {strides = array<i32>} : memref<200x64xf32, #tpu.memory_space<vmem>>, vector<16xf32>,
      tpu.vector_store %arg9[%swap3A_126, %swap3A_127], %mul3A_123 {strides = array<i32>} : memref<200x64xf32, #tpu.memory_space<vmem>>, vector<16xf32>,
      %add3A_129 = arith.constant 0 : i32
      %add3A_130 = arith.addi %mul3A_91, %add3A_129 : i32
      %get3A_131 = arith.index_cast %add3A_130 : i32 to index
      %get3A_132 = arith.constant 48 : index
      %get3A_133 = tpu.vector_load %arg7[%get3A_131, %get3A_132] {strides = array<i32>} : memref<200x128xf32, #tpu.memory_space<vmem>>, vector<16xf32>,
      %mul3A_134 = arith.constant 1.250000e-01 : f32
      %mul3A_135 = vector.broadcast %mul3A_134 : f32 to vector<16xf32>
      %mul3A_136 = arith.mulf %get3A_133, %mul3A_135 : vector<16xf32>
      %add3A_137 = arith.constant 0 : i32
      %add3A_138 = arith.addi %mul3A_91, %add3A_137 : i32
      %swap3A_139 = arith.index_cast %add3A_138 : i32 to index
      %swap3A_140 = arith.constant 48 : index
      %swap3A_141 = tpu.vector_load %arg9[%swap3A_139, %swap3A_140] {strides = array<i32>} : memref<200x64xf32, #tpu.memory_space<vmem>>, vector<16xf32>,
      tpu.vector_store %arg9[%swap3A_139, %swap3A_140], %mul3A_136 {strides = array<i32>} : memref<200x64xf32, #tpu.memory_space<vmem>>, vector<16xf32>,
      %add3A_142 = arith.constant 1 : i32
      %add3A_143 = arith.addi %mul3A_91, %add3A_142 : i32
      %get3A_144 = arith.index_cast %add3A_143 : i32 to index
      %get3A_145 = arith.constant 0 : index
      %get3A_146 = tpu.vector_load %arg7[%get3A_144, %get3A_145] {strides = array<i32>} : memref<200x128xf32, #tpu.memory_space<vmem>>, vector<16xf32>,
      %mul3A_147 = arith.constant 1.250000e-01 : f32
      %mul3A_148 = vector.broadcast %mul3A_147 : f32 to vector<16xf32>
      %mul3A_149 = arith.mulf %get3A_146, %mul3A_148 : vector<16xf32>
      %add3A_150 = arith.constant 1 : i32
      %add3A_151 = arith.addi %mul3A_91, %add3A_150 : i32
      %swap3A_152 = arith.index_cast %add3A_151 : i32 to index
      %swap3A_153 = arith.constant 0 : index
      %swap3A_154 = tpu.vector_load %arg9[%swap3A_152, %swap3A_153] {strides = array<i32>} : memref<200x64xf32, #tpu.memory_space<vmem>>, vector<16xf32>,
      tpu.vector_store %arg9[%swap3A_152, %swap3A_153], %mul3A_149 {strides = array<i32>} : memref<200x64xf32, #tpu.memory_space<vmem>>, vector<16xf32>,
      %add3A_155 = arith.constant 1 : i32
      %add3A_156 = arith.addi %mul3A_91, %add3A_155 : i32
      %get3A_157 = arith.index_cast %add3A_156 : i32 to index
      %get3A_158 = arith.constant 16 : index
      %get3A_159 = tpu.vector_load %arg7[%get3A_157, %get3A_158] {strides = array<i32>} : memref<200x128xf32, #tpu.memory_space<vmem>>, vector<16xf32>,
      %mul3A_160 = arith.constant 1.250000e-01 : f32
      %mul3A_161 = vector.broadcast %mul3A_160 : f32 to vector<16xf32>
      %mul3A_162 = arith.mulf %get3A_159, %mul3A_161 : vector<16xf32>
      %add3A_163 = arith.constant 1 : i32
      %add3A_164 = arith.addi %mul3A_91, %add3A_163 : i32
      %swap3A_165 = arith.index_cast %add3A_164 : i32 to index
      %swap3A_166 = arith.constant 16 : index
      %swap3A_167 = tpu.vector_load %arg9[%swap3A_165, %swap3A_166] {strides = array<i32>} : memref<200x64xf32, #tpu.memory_space<vmem>>, vector<16xf32>,
      tpu.vector_store %arg9[%swap3A_165, %swap3A_166], %mul3A_162 {strides = array<i32>} : memref<200x64xf32, #tpu.memory_space<vmem>>, vector<16xf32>,
      %add3A_168 = arith.constant 1 : i32
      %add3A_169 = arith.addi %mul3A_91, %add3A_168 : i32
      %get3A_170 = arith.index_cast %add3A_169 : i32 to index
      %get3A_171 = arith.constant 32 : index
      %get3A_172 = tpu.vector_load %arg7[%get3A_170, %get3A_171] {strides = array<i32>} : memref<200x128xf32, #tpu.memory_space<vmem>>, vector<16xf32>,
      %mul3A_173 = arith.constant 1.250000e-01 : f32
      %mul3A_174 = vector.broadcast %mul3A_173 : f32 to vector<16xf32>
      %mul3A_175 = arith.mulf %get3A_172, %mul3A_174 : vector<16xf32>
      %add3A_176 = arith.constant 1 : i32
      %add3A_177 = arith.addi %mul3A_91, %add3A_176 : i32
      %swap3A_178 = arith.index_cast %add3A_177 : i32 to index
      %swap3A_179 = arith.constant 32 : index
      %swap3A_180 = tpu.vector_load %arg9[%swap3A_178, %swap3A_179] {strides = array<i32>} : memref<200x64xf32, #tpu.memory_space<vmem>>, vector<16xf32>,
      tpu.vector_store %arg9[%swap3A_178, %swap3A_179], %mul3A_175 {strides = array<i32>} : memref<200x64xf32, #tpu.memory_space<vmem>>, vector<16xf32>,
      %add3A_181 = arith.constant 1 : i32
      %add3A_182 = arith.addi %mul3A_91, %add3A_181 : i32
      %get3A_183 = arith.index_cast %add3A_182 : i32 to index
      %get3A_184 = arith.constant 48 : index
      %get3A_185 = tpu.vector_load %arg7[%get3A_183, %get3A_184] {strides = array<i32>} : memref<200x128xf32, #tpu.memory_space<vmem>>, vector<16xf32>,
      %mul3A_186 = arith.constant 1.250000e-01 : f32
      %mul3A_187 = vector.broadcast %mul3A_186 : f32 to vector<16xf32>
      %mul3A_188 = arith.mulf %get3A_185, %mul3A_187 : vector<16xf32>
      %add3A_189 = arith.constant 1 : i32
      %add3A_190 = arith.addi %mul3A_91, %add3A_189 : i32
      %swap3A_191 = arith.index_cast %add3A_190 : i32 to index
      %swap3A_192 = arith.constant 48 : index
      %swap3A_193 = tpu.vector_load %arg9[%swap3A_191, %swap3A_192] {strides = array<i32>} : memref<200x64xf32, #tpu.memory_space<vmem>>, vector<16xf32>,
      tpu.vector_store %arg9[%swap3A_191, %swap3A_192], %mul3A_188 {strides = array<i32>} : memref<200x64xf32, #tpu.memory_space<vmem>>, vector<16xf32>,
      %add3A_194 = arith.constant 2 : i32
      %add3A_195 = arith.addi %mul3A_91, %add3A_194 : i32
      %get3A_196 = arith.index_cast %add3A_195 : i32 to index
      %get3A_197 = arith.constant 0 : index
      %get3A_198 = tpu.vector_load %arg7[%get3A_196, %get3A_197] {strides = array<i32>} : memref<200x128xf32, #tpu.memory_space<vmem>>, vector<16xf32>,
      %mul3A_199 = arith.constant 1.250000e-01 : f32
      %mul3A_200 = vector.broadcast %mul3A_199 : f32 to vector<16xf32>
      %mul3A_201 = arith.mulf %get3A_198, %mul3A_200 : vector<16xf32>
      %add3A_202 = arith.constant 2 : i32
      %add3A_203 = arith.addi %mul3A_91, %add3A_202 : i32
      %swap3A_204 = arith.index_cast %add3A_203 : i32 to index
      %swap3A_205 = arith.constant 0 : index
      %swap3A_206 = tpu.vector_load %arg9[%swap3A_204, %swap3A_205] {strides = array<i32>} : memref<200x64xf32, #tpu.memory_space<vmem>>, vector<16xf32>,
      tpu.vector_store %arg9[%swap3A_204, %swap3A_205], %mul3A_201 {strides = array<i32>} : memref<200x64xf32, #tpu.memory_space<vmem>>, vector<16xf32>,
      %add3A_207 = arith.constant 2 : i32
      %add3A_208 = arith.addi %mul3A_91, %add3A_207 : i32
      %get3A_209 = arith.index_cast %add3A_208 : i32 to index
      %get3A_210 = arith.constant 16 : index
      %get3A_211 = tpu.vector_load %arg7[%get3A_209, %get3A_210] {strides = array<i32>} : memref<200x128xf32, #tpu.memory_space<vmem>>, vector<16xf32>,
      %mul3A_212 = arith.constant 1.250000e-01 : f32
      %mul3A_213 = vector.broadcast %mul3A_212 : f32 to vector<16xf32>
      %mul3A_214 = arith.mulf %get3A_211, %mul3A_213 : vector<16xf32>
      %add3A_215 = arith.constant 2 : i32
      %add3A_216 = arith.addi %mul3A_91, %add3A_215 : i32
      %swap3A_217 = arith.index_cast %add3A_216 : i32 to index
      %swap3A_218 = arith.constant 16 : index
      %swap3A_219 = tpu.vector_load %arg9[%swap3A_217, %swap3A_218] {strides = array<i32>} : memref<200x64xf32, #tpu.memory_space<vmem>>, vector<16xf32>,
      tpu.vector_store %arg9[%swap3A_217, %swap3A_218], %mul3A_214 {strides = array<i32>} : memref<200x64xf32, #tpu.memory_space<vmem>>, vector<16xf32>,
      %add3A_220 = arith.constant 2 : i32
      %add3A_221 = arith.addi %mul3A_91, %add3A_220 : i32
      %get3A_222 = arith.index_cast %add3A_221 : i32 to index
      %get3A_223 = arith.constant 32 : index
      %get3A_224 = tpu.vector_load %arg7[%get3A_222, %get3A_223] {strides = array<i32>} : memref<200x128xf32, #tpu.memory_space<vmem>>, vector<16xf32>,
      %mul3A_225 = arith.constant 1.250000e-01 : f32
      %mul3A_226 = vector.broadcast %mul3A_225 : f32 to vector<16xf32>
      %mul3A_227 = arith.mulf %get3A_224, %mul3A_226 : vector<16xf32>
      %add3A_228 = arith.constant 2 : i32
      %add3A_229 = arith.addi %mul3A_91, %add3A_228 : i32
      %swap3A_230 = arith.index_cast %add3A_229 : i32 to index
      %swap3A_231 = arith.constant 32 : index
      %swap3A_232 = tpu.vector_load %arg9[%swap3A_230, %swap3A_231] {strides = array<i32>} : memref<200x64xf32, #tpu.memory_space<vmem>>, vector<16xf32>,
      tpu.vector_store %arg9[%swap3A_230, %swap3A_231], %mul3A_227 {strides = array<i32>} : memref<200x64xf32, #tpu.memory_space<vmem>>, vector<16xf32>,
      %add3A_233 = arith.constant 2 : i32
      %add3A_234 = arith.addi %mul3A_91, %add3A_233 : i32
      %get3A_235 = arith.index_cast %add3A_234 : i32 to index
      %get3A_236 = arith.constant 48 : index
      %get3A_237 = tpu.vector_load %arg7[%get3A_235, %get3A_236] {strides = array<i32>} : memref<200x128xf32, #tpu.memory_space<vmem>>, vector<16xf32>,
      %mul3A_238 = arith.constant 1.250000e-01 : f32
      %mul3A_239 = vector.broadcast %mul3A_238 : f32 to vector<16xf32>
      %mul3A_240 = arith.mulf %get3A_237, %mul3A_239 : vector<16xf32>
      %add3A_241 = arith.constant 2 : i32
      %add3A_242 = arith.addi %mul3A_91, %add3A_241 : i32
      %swap3A_243 = arith.index_cast %add3A_242 : i32 to index
      %swap3A_244 = arith.constant 48 : index
      %swap3A_245 = tpu.vector_load %arg9[%swap3A_243, %swap3A_244] {strides = array<i32>} : memref<200x64xf32, #tpu.memory_space<vmem>>, vector<16xf32>,
      tpu.vector_store %arg9[%swap3A_243, %swap3A_244], %mul3A_240 {strides = array<i32>} : memref<200x64xf32, #tpu.memory_space<vmem>>, vector<16xf32>,
      %add3A_246 = arith.constant 3 : i32
      %add3A_247 = arith.addi %mul3A_91, %add3A_246 : i32
      %get3A_248 = arith.index_cast %add3A_247 : i32 to index
      %get3A_249 = arith.constant 0 : index
      %get3A_250 = tpu.vector_load %arg7[%get3A_248, %get3A_249] {strides = array<i32>} : memref<200x128xf32, #tpu.memory_space<vmem>>, vector<16xf32>,
      %mul3A_251 = arith.constant 1.250000e-01 : f32
      %mul3A_252 = vector.broadcast %mul3A_251 : f32 to vector<16xf32>
      %mul3A_253 = arith.mulf %get3A_250, %mul3A_252 : vector<16xf32>
      %add3A_254 = arith.constant 3 : i32
      %add3A_255 = arith.addi %mul3A_91, %add3A_254 : i32
      %swap3A_256 = arith.index_cast %add3A_255 : i32 to index
      %swap3A_257 = arith.constant 0 : index
      %swap3A_258 = tpu.vector_load %arg9[%swap3A_256, %swap3A_257] {strides = array<i32>} : memref<200x64xf32, #tpu.memory_space<vmem>>, vector<16xf32>,
      tpu.vector_store %arg9[%swap3A_256, %swap3A_257], %mul3A_253 {strides = array<i32>} : memref<200x64xf32, #tpu.memory_space<vmem>>, vector<16xf32>,
      %add3A_259 = arith.constant 3 : i32
      %add3A_260 = arith.addi %mul3A_91, %add3A_259 : i32
      %get3A_261 = arith.index_cast %add3A_260 : i32 to index
      %get3A_262 = arith.constant 16 : index
      %get3A_263 = tpu.vector_load %arg7[%get3A_261, %get3A_262] {strides = array<i32>} : memref<200x128xf32, #tpu.memory_space<vmem>>, vector<16xf32>,
      %mul3A_264 = arith.constant 1.250000e-01 : f32
      %mul3A_265 = vector.broadcast %mul3A_264 : f32 to vector<16xf32>
      %mul3A_266 = arith.mulf %get3A_263, %mul3A_265 : vector<16xf32>
      %add3A_267 = arith.constant 3 : i32
      %add3A_268 = arith.addi %mul3A_91, %add3A_267 : i32
      %swap3A_269 = arith.index_cast %add3A_268 : i32 to index
      %swap3A_270 = arith.constant 16 : index
      %swap3A_271 = tpu.vector_load %arg9[%swap3A_269, %swap3A_270] {strides = array<i32>} : memref<200x64xf32, #tpu.memory_space<vmem>>, vector<16xf32>,
      tpu.vector_store %arg9[%swap3A_269, %swap3A_270], %mul3A_266 {strides = array<i32>} : memref<200x64xf32, #tpu.memory_space<vmem>>, vector<16xf32>,
      %add3A_272 = arith.constant 3 : i32
      %add3A_273 = arith.addi %mul3A_91, %add3A_272 : i32
      %get3A_274 = arith.index_cast %add3A_273 : i32 to index
      %get3A_275 = arith.constant 32 : index
      %get3A_276 = tpu.vector_load %arg7[%get3A_274, %get3A_275] {strides = array<i32>} : memref<200x128xf32, #tpu.memory_space<vmem>>, vector<16xf32>,
      %mul3A_277 = arith.constant 1.250000e-01 : f32
      %mul3A_278 = vector.broadcast %mul3A_277 : f32 to vector<16xf32>
      %mul3A_279 = arith.mulf %get3A_276, %mul3A_278 : vector<16xf32>
      %add3A_280 = arith.constant 3 : i32
      %add3A_281 = arith.addi %mul3A_91, %add3A_280 : i32
      %swap3A_282 = arith.index_cast %add3A_281 : i32 to index
      %swap3A_283 = arith.constant 32 : index
      %swap3A_284 = tpu.vector_load %arg9[%swap3A_282, %swap3A_283] {strides = array<i32>} : memref<200x64xf32, #tpu.memory_space<vmem>>, vector<16xf32>,
      tpu.vector_store %arg9[%swap3A_282, %swap3A_283], %mul3A_279 {strides = array<i32>} : memref<200x64xf32, #tpu.memory_space<vmem>>, vector<16xf32>,
      %add3A_285 = arith.constant 3 : i32
      %add3A_286 = arith.addi %mul3A_91, %add3A_285 : i32
      %get3A_287 = arith.index_cast %add3A_286 : i32 to index
      %get3A_288 = arith.constant 48 : index
      %get3A_289 = tpu.vector_load %arg7[%get3A_287, %get3A_288] {strides = array<i32>} : memref<200x128xf32, #tpu.memory_space<vmem>>, vector<16xf32>,
      %mul3A_290 = arith.constant 1.250000e-01 : f32
      %mul3A_291 = vector.broadcast %mul3A_290 : f32 to vector<16xf32>
      %mul3A_292 = arith.mulf %get3A_289, %mul3A_291 : vector<16xf32>
      %add3A_293 = arith.constant 3 : i32
      %add3A_294 = arith.addi %mul3A_91, %add3A_293 : i32
      %swap3A_295 = arith.index_cast %add3A_294 : i32 to index
      %swap3A_296 = arith.constant 48 : index
      %swap3A_297 = tpu.vector_load %arg9[%swap3A_295, %swap3A_296] {strides = array<i32>} : memref<200x64xf32, #tpu.memory_space<vmem>>, vector<16xf32>,
      tpu.vector_store %arg9[%swap3A_295, %swap3A_296], %mul3A_292 {strides = array<i32>} : memref<200x64xf32, #tpu.memory_space<vmem>>, vector<16xf32>,
      %add3A_298 = arith.constant 4 : i32
      %add3A_299 = arith.addi %mul3A_91, %add3A_298 : i32
      %get3A_300 = arith.index_cast %add3A_299 : i32 to index
      %get3A_301 = arith.constant 0 : index
      %get3A_302 = tpu.vector_load %arg7[%get3A_300, %get3A_301] {strides = array<i32>} : memref<200x128xf32, #tpu.memory_space<vmem>>, vector<16xf32>,
      %mul3A_303 = arith.constant 1.250000e-01 : f32
      %mul3A_304 = vector.broadcast %mul3A_303 : f32 to vector<16xf32>
      %mul3A_305 = arith.mulf %get3A_302, %mul3A_304 : vector<16xf32>
      %add3A_306 = arith.constant 4 : i32
      %add3A_307 = arith.addi %mul3A_91, %add3A_306 : i32
      %swap3A_308 = arith.index_cast %add3A_307 : i32 to index
      %swap3A_309 = arith.constant 0 : index
      %swap3A_310 = tpu.vector_load %arg9[%swap3A_308, %swap3A_309] {strides = array<i32>} : memref<200x64xf32, #tpu.memory_space<vmem>>, vector<16xf32>,
      tpu.vector_store %arg9[%swap3A_308, %swap3A_309], %mul3A_305 {strides = array<i32>} : memref<200x64xf32, #tpu.memory_space<vmem>>, vector<16xf32>,
      %add3A_311 = arith.constant 4 : i32
      %add3A_312 = arith.addi %mul3A_91, %add3A_311 : i32
      %get3A_313 = arith.index_cast %add3A_312 : i32 to index
      %get3A_314 = arith.constant 16 : index
      %get3A_315 = tpu.vector_load %arg7[%get3A_313, %get3A_314] {strides = array<i32>} : memref<200x128xf32, #tpu.memory_space<vmem>>, vector<16xf32>,
      %mul3A_316 = arith.constant 1.250000e-01 : f32
      %mul3A_317 = vector.broadcast %mul3A_316 : f32 to vector<16xf32>
      %mul3A_318 = arith.mulf %get3A_315, %mul3A_317 : vector<16xf32>
      %add3A_319 = arith.constant 4 : i32
      %add3A_320 = arith.addi %mul3A_91, %add3A_319 : i32
      %swap3A_321 = arith.index_cast %add3A_320 : i32 to index
      %swap3A_322 = arith.constant 16 : index
      %swap3A_323 = tpu.vector_load %arg9[%swap3A_321, %swap3A_322] {strides = array<i32>} : memref<200x64xf32, #tpu.memory_space<vmem>>, vector<16xf32>,
      tpu.vector_store %arg9[%swap3A_321, %swap3A_322], %mul3A_318 {strides = array<i32>} : memref<200x64xf32, #tpu.memory_space<vmem>>, vector<16xf32>,
      %add3A_324 = arith.constant 4 : i32
      %add3A_325 = arith.addi %mul3A_91, %add3A_324 : i32
      %get3A_326 = arith.index_cast %add3A_325 : i32 to index
      %get3A_327 = arith.constant 32 : index
      %get3A_328 = tpu.vector_load %arg7[%get3A_326, %get3A_327] {strides = array<i32>} : memref<200x128xf32, #tpu.memory_space<vmem>>, vector<16xf32>,
      %mul3A_329 = arith.constant 1.250000e-01 : f32
      %mul3A_330 = vector.broadcast %mul3A_329 : f32 to vector<16xf32>
      %mul3A_331 = arith.mulf %get3A_328, %mul3A_330 : vector<16xf32>
      %add3A_332 = arith.constant 4 : i32
      %add3A_333 = arith.addi %mul3A_91, %add3A_332 : i32
      %swap3A_334 = arith.index_cast %add3A_333 : i32 to index
      %swap3A_335 = arith.constant 32 : index
      %swap3A_336 = tpu.vector_load %arg9[%swap3A_334, %swap3A_335] {strides = array<i32>} : memref<200x64xf32, #tpu.memory_space<vmem>>, vector<16xf32>,
      tpu.vector_store %arg9[%swap3A_334, %swap3A_335], %mul3A_331 {strides = array<i32>} : memref<200x64xf32, #tpu.memory_space<vmem>>, vector<16xf32>,
      %add3A_337 = arith.constant 4 : i32
      %add3A_338 = arith.addi %mul3A_91, %add3A_337 : i32
      %get3A_339 = arith.index_cast %add3A_338 : i32 to index
      %get3A_340 = arith.constant 48 : index
      %get3A_341 = tpu.vector_load %arg7[%get3A_339, %get3A_340] {strides = array<i32>} : memref<200x128xf32, #tpu.memory_space<vmem>>, vector<16xf32>,
      %mul3A_342 = arith.constant 1.250000e-01 : f32
      %mul3A_343 = vector.broadcast %mul3A_342 : f32 to vector<16xf32>
      %mul3A_344 = arith.mulf %get3A_341, %mul3A_343 : vector<16xf32>
      %add3A_345 = arith.constant 4 : i32
      %add3A_346 = arith.addi %mul3A_91, %add3A_345 : i32
      %swap3A_347 = arith.index_cast %add3A_346 : i32 to index
      %swap3A_348 = arith.constant 48 : index
      %swap3A_349 = tpu.vector_load %arg9[%swap3A_347, %swap3A_348] {strides = array<i32>} : memref<200x64xf32, #tpu.memory_space<vmem>>, vector<16xf32>,
      tpu.vector_store %arg9[%swap3A_347, %swap3A_348], %mul3A_344 {strides = array<i32>} : memref<200x64xf32, #tpu.memory_space<vmem>>, vector<16xf32>,
      %add3A_350 = arith.constant 5 : i32
      %add3A_351 = arith.addi %mul3A_91, %add3A_350 : i32
      %get3A_352 = arith.index_cast %add3A_351 : i32 to index
      %get3A_353 = arith.constant 0 : index
      %get3A_354 = tpu.vector_load %arg7[%get3A_352, %get3A_353] {strides = array<i32>} : memref<200x128xf32, #tpu.memory_space<vmem>>, vector<16xf32>,
      %mul3A_355 = arith.constant 1.250000e-01 : f32
      %mul3A_356 = vector.broadcast %mul3A_355 : f32 to vector<16xf32>
      %mul3A_357 = arith.mulf %get3A_354, %mul3A_356 : vector<16xf32>
      %add3A_358 = arith.constant 5 : i32
      %add3A_359 = arith.addi %mul3A_91, %add3A_358 : i32
      %swap3A_360 = arith.index_cast %add3A_359 : i32 to index
      %swap3A_361 = arith.constant 0 : index
      %swap3A_362 = tpu.vector_load %arg9[%swap3A_360, %swap3A_361] {strides = array<i32>} : memref<200x64xf32, #tpu.memory_space<vmem>>, vector<16xf32>,
      tpu.vector_store %arg9[%swap3A_360, %swap3A_361], %mul3A_357 {strides = array<i32>} : memref<200x64xf32, #tpu.memory_space<vmem>>, vector<16xf32>,
      %add3A_363 = arith.constant 5 : i32
      %add3A_364 = arith.addi %mul3A_91, %add3A_363 : i32
      %get3A_365 = arith.index_cast %add3A_364 : i32 to index
      %get3A_366 = arith.constant 16 : index
      %get3A_367 = tpu.vector_load %arg7[%get3A_365, %get3A_366] {strides = array<i32>} : memref<200x128xf32, #tpu.memory_space<vmem>>, vector<16xf32>,
      %mul3A_368 = arith.constant 1.250000e-01 : f32
      %mul3A_369 = vector.broadcast %mul3A_368 : f32 to vector<16xf32>
      %mul3A_370 = arith.mulf %get3A_367, %mul3A_369 : vector<16xf32>
      %add3A_371 = arith.constant 5 : i32
      %add3A_372 = arith.addi %mul3A_91, %add3A_371 : i32
      %swap3A_373 = arith.index_cast %add3A_372 : i32 to index
      %swap3A_374 = arith.constant 16 : index
      %swap3A_375 = tpu.vector_load %arg9[%swap3A_373, %swap3A_374] {strides = array<i32>} : memref<200x64xf32, #tpu.memory_space<vmem>>, vector<16xf32>,
      tpu.vector_store %arg9[%swap3A_373, %swap3A_374], %mul3A_370 {strides = array<i32>} : memref<200x64xf32, #tpu.memory_space<vmem>>, vector<16xf32>,
      %add3A_376 = arith.constant 5 : i32
      %add3A_377 = arith.addi %mul3A_91, %add3A_376 : i32
      %get3A_378 = arith.index_cast %add3A_377 : i32 to index
      %get3A_379 = arith.constant 32 : index
      %get3A_380 = tpu.vector_load %arg7[%get3A_378, %get3A_379] {strides = array<i32>} : memref<200x128xf32, #tpu.memory_space<vmem>>, vector<16xf32>,
      %mul3A_381 = arith.constant 1.250000e-01 : f32
      %mul3A_382 = vector.broadcast %mul3A_381 : f32 to vector<16xf32>
      %mul3A_383 = arith.mulf %get3A_380, %mul3A_382 : vector<16xf32>
      %add3A_384 = arith.constant 5 : i32
      %add3A_385 = arith.addi %mul3A_91, %add3A_384 : i32
      %swap3A_386 = arith.index_cast %add3A_385 : i32 to index
      %swap3A_387 = arith.constant 32 : index
      %swap3A_388 = tpu.vector_load %arg9[%swap3A_386, %swap3A_387] {strides = array<i32>} : memref<200x64xf32, #tpu.memory_space<vmem>>, vector<16xf32>,
      tpu.vector_store %arg9[%swap3A_386, %swap3A_387], %mul3A_383 {strides = array<i32>} : memref<200x64xf32, #tpu.memory_space<vmem>>, vector<16xf32>,
      %add3A_389 = arith.constant 5 : i32
      %add3A_390 = arith.addi %mul3A_91, %add3A_389 : i32
      %get3A_391 = arith.index_cast %add3A_390 : i32 to index
      %get3A_392 = arith.constant 48 : index
      %get3A_393 = tpu.vector_load %arg7[%get3A_391, %get3A_392] {strides = array<i32>} : memref<200x128xf32, #tpu.memory_space<vmem>>, vector<16xf32>,
      %mul3A_394 = arith.constant 1.250000e-01 : f32
      %mul3A_395 = vector.broadcast %mul3A_394 : f32 to vector<16xf32>
      %mul3A_396 = arith.mulf %get3A_393, %mul3A_395 : vector<16xf32>
      %add3A_397 = arith.constant 5 : i32
      %add3A_398 = arith.addi %mul3A_91, %add3A_397 : i32
      %swap3A_399 = arith.index_cast %add3A_398 : i32 to index
      %swap3A_400 = arith.constant 48 : index
      %swap3A_401 = tpu.vector_load %arg9[%swap3A_399, %swap3A_400] {strides = array<i32>} : memref<200x64xf32, #tpu.memory_space<vmem>>, vector<16xf32>,
      tpu.vector_store %arg9[%swap3A_399, %swap3A_400], %mul3A_396 {strides = array<i32>} : memref<200x64xf32, #tpu.memory_space<vmem>>, vector<16xf32>,
      %add3A_402 = arith.constant 6 : i32
      %add3A_403 = arith.addi %mul3A_91, %add3A_402 : i32
      %get3A_404 = arith.index_cast %add3A_403 : i32 to index
      %get3A_405 = arith.constant 0 : index
      %get3A_406 = tpu.vector_load %arg7[%get3A_404, %get3A_405] {strides = array<i32>} : memref<200x128xf32, #tpu.memory_space<vmem>>, vector<16xf32>,
      %mul3A_407 = arith.constant 1.250000e-01 : f32
      %mul3A_408 = vector.broadcast %mul3A_407 : f32 to vector<16xf32>
      %mul3A_409 = arith.mulf %get3A_406, %mul3A_408 : vector<16xf32>
      %add3A_410 = arith.constant 6 : i32
      %add3A_411 = arith.addi %mul3A_91, %add3A_410 : i32
      %swap3A_412 = arith.index_cast %add3A_411 : i32 to index
      %swap3A_413 = arith.constant 0 : index
      %swap3A_414 = tpu.vector_load %arg9[%swap3A_412, %swap3A_413] {strides = array<i32>} : memref<200x64xf32, #tpu.memory_space<vmem>>, vector<16xf32>,
      tpu.vector_store %arg9[%swap3A_412, %swap3A_413], %mul3A_409 {strides = array<i32>} : memref<200x64xf32, #tpu.memory_space<vmem>>, vector<16xf32>,
      %add3A_415 = arith.constant 6 : i32
      %add3A_416 = arith.addi %mul3A_91, %add3A_415 : i32
      %get3A_417 = arith.index_cast %add3A_416 : i32 to index
      %get3A_418 = arith.constant 16 : index
      %get3A_419 = tpu.vector_load %arg7[%get3A_417, %get3A_418] {strides = array<i32>} : memref<200x128xf32, #tpu.memory_space<vmem>>, vector<16xf32>,
      %mul3A_420 = arith.constant 1.250000e-01 : f32
      %mul3A_421 = vector.broadcast %mul3A_420 : f32 to vector<16xf32>
      %mul3A_422 = arith.mulf %get3A_419, %mul3A_421 : vector<16xf32>
      %add3A_423 = arith.constant 6 : i32
      %add3A_424 = arith.addi %mul3A_91, %add3A_423 : i32
      %swap3A_425 = arith.index_cast %add3A_424 : i32 to index
      %swap3A_426 = arith.constant 16 : index
      %swap3A_427 = tpu.vector_load %arg9[%swap3A_425, %swap3A_426] {strides = array<i32>} : memref<200x64xf32, #tpu.memory_space<vmem>>, vector<16xf32>,
      tpu.vector_store %arg9[%swap3A_425, %swap3A_426], %mul3A_422 {strides = array<i32>} : memref<200x64xf32, #tpu.memory_space<vmem>>, vector<16xf32>,
      %add3A_428 = arith.constant 6 : i32
      %add3A_429 = arith.addi %mul3A_91, %add3A_428 : i32
      %get3A_430 = arith.index_cast %add3A_429 : i32 to index
      %get3A_431 = arith.constant 32 : index
      %get3A_432 = tpu.vector_load %arg7[%get3A_430, %get3A_431] {strides = array<i32>} : memref<200x128xf32, #tpu.memory_space<vmem>>, vector<16xf32>,
      %mul3A_433 = arith.constant 1.250000e-01 : f32
      %mul3A_434 = vector.broadcast %mul3A_433 : f32 to vector<16xf32>
      %mul3A_435 = arith.mulf %get3A_432, %mul3A_434 : vector<16xf32>
      %add3A_436 = arith.constant 6 : i32
      %add3A_437 = arith.addi %mul3A_91, %add3A_436 : i32
      %swap3A_438 = arith.index_cast %add3A_437 : i32 to index
      %swap3A_439 = arith.constant 32 : index
      %swap3A_440 = tpu.vector_load %arg9[%swap3A_438, %swap3A_439] {strides = array<i32>} : memref<200x64xf32, #tpu.memory_space<vmem>>, vector<16xf32>,
      tpu.vector_store %arg9[%swap3A_438, %swap3A_439], %mul3A_435 {strides = array<i32>} : memref<200x64xf32, #tpu.memory_space<vmem>>, vector<16xf32>,
      %add3A_441 = arith.constant 6 : i32
      %add3A_442 = arith.addi %mul3A_91, %add3A_441 : i32
      %get3A_443 = arith.index_cast %add3A_442 : i32 to index
      %get3A_444 = arith.constant 48 : index
      %get3A_445 = tpu.vector_load %arg7[%get3A_443, %get3A_444] {strides = array<i32>} : memref<200x128xf32, #tpu.memory_space<vmem>>, vector<16xf32>,
      %mul3A_446 = arith.constant 1.250000e-01 : f32
      %mul3A_447 = vector.broadcast %mul3A_446 : f32 to vector<16xf32>
      %mul3A_448 = arith.mulf %get3A_445, %mul3A_447 : vector<16xf32>
      %add3A_449 = arith.constant 6 : i32
      %add3A_450 = arith.addi %mul3A_91, %add3A_449 : i32
      %swap3A_451 = arith.index_cast %add3A_450 : i32 to index
      %swap3A_452 = arith.constant 48 : index
      %swap3A_453 = tpu.vector_load %arg9[%swap3A_451, %swap3A_452] {strides = array<i32>} : memref<200x64xf32, #tpu.memory_space<vmem>>, vector<16xf32>,
      tpu.vector_store %arg9[%swap3A_451, %swap3A_452], %mul3A_448 {strides = array<i32>} : memref<200x64xf32, #tpu.memory_space<vmem>>, vector<16xf32>,
      %add3A_454 = arith.constant 7 : i32
      %add3A_455 = arith.addi %mul3A_91, %add3A_454 : i32
      %get3A_456 = arith.index_cast %add3A_455 : i32 to index
      %get3A_457 = arith.constant 0 : index
      %get3A_458 = tpu.vector_load %arg7[%get3A_456, %get3A_457] {strides = array<i32>} : memref<200x128xf32, #tpu.memory_space<vmem>>, vector<16xf32>,
      %mul3A_459 = arith.constant 1.250000e-01 : f32
      %mul3A_460 = vector.broadcast %mul3A_459 : f32 to vector<16xf32>
      %mul3A_461 = arith.mulf %get3A_458, %mul3A_460 : vector<16xf32>
      %add3A_462 = arith.constant 7 : i32
      %add3A_463 = arith.addi %mul3A_91, %add3A_462 : i32
      %swap3A_464 = arith.index_cast %add3A_463 : i32 to index
      %swap3A_465 = arith.constant 0 : index
      %swap3A_466 = tpu.vector_load %arg9[%swap3A_464, %swap3A_465] {strides = array<i32>} : memref<200x64xf32, #tpu.memory_space<vmem>>, vector<16xf32>,
      tpu.vector_store %arg9[%swap3A_464, %swap3A_465], %mul3A_461 {strides = array<i32>} : memref<200x64xf32, #tpu.memory_space<vmem>>, vector<16xf32>,
      %add3A_467 = arith.constant 7 : i32
      %add3A_468 = arith.addi %mul3A_91, %add3A_467 : i32
      %get3A_469 = arith.index_cast %add3A_468 : i32 to index
      %get3A_470 = arith.constant 16 : index
      %get3A_471 = tpu.vector_load %arg7[%get3A_469, %get3A_470] {strides = array<i32>} : memref<200x128xf32, #tpu.memory_space<vmem>>, vector<16xf32>,
      %mul3A_472 = arith.constant 1.250000e-01 : f32
      %mul3A_473 = vector.broadcast %mul3A_472 : f32 to vector<16xf32>
      %mul3A_474 = arith.mulf %get3A_471, %mul3A_473 : vector<16xf32>
      %add3A_475 = arith.constant 7 : i32
      %add3A_476 = arith.addi %mul3A_91, %add3A_475 : i32
      %swap3A_477 = arith.index_cast %add3A_476 : i32 to index
      %swap3A_478 = arith.constant 16 : index
      %swap3A_479 = tpu.vector_load %arg9[%swap3A_477, %swap3A_478] {strides = array<i32>} : memref<200x64xf32, #tpu.memory_space<vmem>>, vector<16xf32>,
      tpu.vector_store %arg9[%swap3A_477, %swap3A_478], %mul3A_474 {strides = array<i32>} : memref<200x64xf32, #tpu.memory_space<vmem>>, vector<16xf32>,
      %add3A_480 = arith.constant 7 : i32
      %add3A_481 = arith.addi %mul3A_91, %add3A_480 : i32
      %get3A_482 = arith.index_cast %add3A_481 : i32 to index
      %get3A_483 = arith.constant 32 : index
      %get3A_484 = tpu.vector_load %arg7[%get3A_482, %get3A_483] {strides = array<i32>} : memref<200x128xf32, #tpu.memory_space<vmem>>, vector<16xf32>,
      %mul3A_485 = arith.constant 1.250000e-01 : f32
      %mul3A_486 = vector.broadcast %mul3A_485 : f32 to vector<16xf32>
      %mul3A_487 = arith.mulf %get3A_484, %mul3A_486 : vector<16xf32>
      %add3A_488 = arith.constant 7 : i32
      %add3A_489 = arith.addi %mul3A_91, %add3A_488 : i32
      %swap3A_490 = arith.index_cast %add3A_489 : i32 to index
      %swap3A_491 = arith.constant 32 : index
      %swap3A_492 = tpu.vector_load %arg9[%swap3A_490, %swap3A_491] {strides = array<i32>} : memref<200x64xf32, #tpu.memory_space<vmem>>, vector<16xf32>,
      tpu.vector_store %arg9[%swap3A_490, %swap3A_491], %mul3A_487 {strides = array<i32>} : memref<200x64xf32, #tpu.memory_space<vmem>>, vector<16xf32>,
      %add3A_493 = arith.constant 7 : i32
      %add3A_494 = arith.addi %mul3A_91, %add3A_493 : i32
      %get3A_495 = arith.index_cast %add3A_494 : i32 to index
      %get3A_496 = arith.constant 48 : index
      %get3A_497 = tpu.vector_load %arg7[%get3A_495, %get3A_496] {strides = array<i32>} : memref<200x128xf32, #tpu.memory_space<vmem>>, vector<16xf32>,
      %mul3A_498 = arith.constant 1.250000e-01 : f32
      %mul3A_499 = vector.broadcast %mul3A_498 : f32 to vector<16xf32>
      %mul3A_500 = arith.mulf %get3A_497, %mul3A_499 : vector<16xf32>
      %add3A_501 = arith.constant 7 : i32
      %add3A_502 = arith.addi %mul3A_91, %add3A_501 : i32
      %swap3A_503 = arith.index_cast %add3A_502 : i32 to index
      %swap3A_504 = arith.constant 48 : index
      %swap3A_505 = tpu.vector_load %arg9[%swap3A_503, %swap3A_504] {strides = array<i32>} : memref<200x64xf32, #tpu.memory_space<vmem>>, vector<16xf32>,
      tpu.vector_store %arg9[%swap3A_503, %swap3A_504], %mul3A_500 {strides = array<i32>} : memref<200x64xf32, #tpu.memory_space<vmem>>, vector<16xf32>,
    }
    %scan3A_37 = arith.constant 25 : i32
    %add3A_38 = arith.constant 126 : i32
    %add3A_39 = arith.addi %mul3A_2, %add3A_38 : i32
    %mul3A_40 = arith.constant 200 : i32
    %mul3A_41 = arith.muli %add3A_39, %mul3A_40 : i32
    %dma_start3A_42 = arith.constant 0 : i32
    %dma_start3A_43 = tpu.memref_slice %arg4[%mul3A_41, %dma_start3A_42] : memref<819200x64xf32, #tpu.memory_space<hbm>> -> memref<200x64xf32, #tpu.memory_space<hbm>>
    %dma_start3A_44 = arith.constant 0 : i32
    %dma_start3A_45 = tpu.memref_slice %arg4[%mul3A_41, %dma_start3A_44] : memref<819200x64xf32, #tpu.memory_space<hbm>> -> memref<200x64xf32, #tpu.memory_space<hbm>>
    tpu.enqueue_dma source(%arg9 : memref<200x64xf32, #tpu.memory_space<vmem>>) target(%dma_start3A_45 : memref<200x64xf32, #tpu.memory_space<hbm>>) target_semaphore(%arg13 : memref<!tpu.dma_semaphore, #tpu.memory_space<semaphore_mem>>)
    %dma_wait3A_46 = arith.constant 0 : i32
    %dma_wait3A_47 = arith.constant 0 : i32
    %dma_wait3A_48 = tpu.memref_slice %arg3[%dma_wait3A_46, %dma_wait3A_47] : memref<1000000x128xf32, #tpu.memory_space<hbm>> -> memref<1000000x128xf32, #tpu.memory_space<hbm>>
    tpu.wait_indirect_dma semaphore(%arg12 : memref<!tpu.dma_semaphore, #tpu.memory_space<semaphore_mem>>) src(%dma_wait3A_48 : memref<1000000x128xf32, #tpu.memory_space<hbm>>) dst(%arg8 : memref<200x128xf32, #tpu.memory_space<vmem>>)
    %add3A_49 = arith.constant 127 : i32
    %add3A_50 = arith.addi %mul3A_2, %add3A_49 : i32
    %sub3A_51 = arith.constant 2 : i32
    %sub3A_52 = arith.subi %add3A_50, %sub3A_51 : i32
    %mul3A_53 = arith.constant 200 : i32
    %mul3A_54 = arith.muli %sub3A_52, %mul3A_53 : i32
    %dma_wait3A_55 = arith.constant 0 : i32
    %dma_wait3A_56 = tpu.memref_slice %arg4[%mul3A_54, %dma_wait3A_55] : memref<819200x64xf32, #tpu.memory_space<hbm>> -> memref<200x64xf32, #tpu.memory_space<hbm>>
    %dma_wait3A_57 = arith.constant 0 : i32
    %dma_wait3A_58 = tpu.memref_slice %arg4[%mul3A_54, %dma_wait3A_57] : memref<819200x64xf32, #tpu.memory_space<hbm>> -> memref<200x64xf32, #tpu.memory_space<hbm>>
    tpu.wait_dma2 semaphore(%arg14 : memref<!tpu.dma_semaphore, #tpu.memory_space<semaphore_mem>>) src(%arg10 : memref<200x64xf32, #tpu.memory_space<vmem>>) dst(%dma_wait3A_58 : memref<200x64xf32, #tpu.memory_space<hbm>>)
    %scan3A_59 = arith.constant 0 : i32
    %scan3A_60 = arith.constant 0 : i32
    %scan3A_61 = arith.constant 25 : i32
    %scan3A_62 = arith.addi %scan3A_60, %scan3A_61 : i32
    %scan3A_63 = arith.constant 1 : i32
    scf.for %scan3A_89 = %scan3A_60 to %scan3A_62 step %scan3A_63  : i32 {
      %mul3A_90 = arith.constant 8 : i32
      %mul3A_91 = arith.muli %scan3A_89, %mul3A_90 : i32
      %add3A_92 = arith.constant 0 : i32
      %add3A_93 = arith.addi %mul3A_91, %add3A_92 : i32
      %get3A = arith.index_cast %add3A_93 : i32 to index
      %get3A_94 = arith.constant 0 : index
      %get3A_95 = tpu.vector_load %arg8[%get3A, %get3A_94] {strides = array<i32>} : memref<200x128xf32, #tpu.memory_space<vmem>>, vector<16xf32>,
      %mul3A_96 = arith.constant 1.250000e-01 : f32
      %mul3A_97 = vector.broadcast %mul3A_96 : f32 to vector<16xf32>
      %mul3A_98 = arith.mulf %get3A_95, %mul3A_97 : vector<16xf32>
      %add3A_99 = arith.constant 0 : i32
      %add3A_100 = arith.addi %mul3A_91, %add3A_99 : i32
      %swap3A = arith.index_cast %add3A_100 : i32 to index
      %swap3A_101 = arith.constant 0 : index
      %swap3A_102 = tpu.vector_load %arg10[%swap3A, %swap3A_101] {strides = array<i32>} : memref<200x64xf32, #tpu.memory_space<vmem>>, vector<16xf32>,
      tpu.vector_store %arg10[%swap3A, %swap3A_101], %mul3A_98 {strides = array<i32>} : memref<200x64xf32, #tpu.memory_space<vmem>>, vector<16xf32>,
      %add3A_103 = arith.constant 0 : i32
      %add3A_104 = arith.addi %mul3A_91, %add3A_103 : i32
      %get3A_105 = arith.index_cast %add3A_104 : i32 to index
      %get3A_106 = arith.constant 16 : index
      %get3A_107 = tpu.vector_load %arg8[%get3A_105, %get3A_106] {strides = array<i32>} : memref<200x128xf32, #tpu.memory_space<vmem>>, vector<16xf32>,
      %mul3A_108 = arith.constant 1.250000e-01 : f32
      %mul3A_109 = vector.broadcast %mul3A_108 : f32 to vector<16xf32>
      %mul3A_110 = arith.mulf %get3A_107, %mul3A_109 : vector<16xf32>
      %add3A_111 = arith.constant 0 : i32
      %add3A_112 = arith.addi %mul3A_91, %add3A_111 : i32
      %swap3A_113 = arith.index_cast %add3A_112 : i32 to index
      %swap3A_114 = arith.constant 16 : index
      %swap3A_115 = tpu.vector_load %arg10[%swap3A_113, %swap3A_114] {strides = array<i32>} : memref<200x64xf32, #tpu.memory_space<vmem>>, vector<16xf32>,
      tpu.vector_store %arg10[%swap3A_113, %swap3A_114], %mul3A_110 {strides = array<i32>} : memref<200x64xf32, #tpu.memory_space<vmem>>, vector<16xf32>,
      %add3A_116 = arith.constant 0 : i32
      %add3A_117 = arith.addi %mul3A_91, %add3A_116 : i32
      %get3A_118 = arith.index_cast %add3A_117 : i32 to index
      %get3A_119 = arith.constant 32 : index
      %get3A_120 = tpu.vector_load %arg8[%get3A_118, %get3A_119] {strides = array<i32>} : memref<200x128xf32, #tpu.memory_space<vmem>>, vector<16xf32>,
      %mul3A_121 = arith.constant 1.250000e-01 : f32
      %mul3A_122 = vector.broadcast %mul3A_121 : f32 to vector<16xf32>
      %mul3A_123 = arith.mulf %get3A_120, %mul3A_122 : vector<16xf32>
      %add3A_124 = arith.constant 0 : i32
      %add3A_125 = arith.addi %mul3A_91, %add3A_124 : i32
      %swap3A_126 = arith.index_cast %add3A_125 : i32 to index
      %swap3A_127 = arith.constant 32 : index
      %swap3A_128 = tpu.vector_load %arg10[%swap3A_126, %swap3A_127] {strides = array<i32>} : memref<200x64xf32, #tpu.memory_space<vmem>>, vector<16xf32>,
      tpu.vector_store %arg10[%swap3A_126, %swap3A_127], %mul3A_123 {strides = array<i32>} : memref<200x64xf32, #tpu.memory_space<vmem>>, vector<16xf32>,
      %add3A_129 = arith.constant 0 : i32
      %add3A_130 = arith.addi %mul3A_91, %add3A_129 : i32
      %get3A_131 = arith.index_cast %add3A_130 : i32 to index
      %get3A_132 = arith.constant 48 : index
      %get3A_133 = tpu.vector_load %arg8[%get3A_131, %get3A_132] {strides = array<i32>} : memref<200x128xf32, #tpu.memory_space<vmem>>, vector<16xf32>,
      %mul3A_134 = arith.constant 1.250000e-01 : f32
      %mul3A_135 = vector.broadcast %mul3A_134 : f32 to vector<16xf32>
      %mul3A_136 = arith.mulf %get3A_133, %mul3A_135 : vector<16xf32>
      %add3A_137 = arith.constant 0 : i32
      %add3A_138 = arith.addi %mul3A_91, %add3A_137 : i32
      %swap3A_139 = arith.index_cast %add3A_138 : i32 to index
      %swap3A_140 = arith.constant 48 : index
      %swap3A_141 = tpu.vector_load %arg10[%swap3A_139, %swap3A_140] {strides = array<i32>} : memref<200x64xf32, #tpu.memory_space<vmem>>, vector<16xf32>,
      tpu.vector_store %arg10[%swap3A_139, %swap3A_140], %mul3A_136 {strides = array<i32>} : memref<200x64xf32, #tpu.memory_space<vmem>>, vector<16xf32>,
      %add3A_142 = arith.constant 1 : i32
      %add3A_143 = arith.addi %mul3A_91, %add3A_142 : i32
      %get3A_144 = arith.index_cast %add3A_143 : i32 to index
      %get3A_145 = arith.constant 0 : index
      %get3A_146 = tpu.vector_load %arg8[%get3A_144, %get3A_145] {strides = array<i32>} : memref<200x128xf32, #tpu.memory_space<vmem>>, vector<16xf32>,
      %mul3A_147 = arith.constant 1.250000e-01 : f32
      %mul3A_148 = vector.broadcast %mul3A_147 : f32 to vector<16xf32>
      %mul3A_149 = arith.mulf %get3A_146, %mul3A_148 : vector<16xf32>
      %add3A_150 = arith.constant 1 : i32
      %add3A_151 = arith.addi %mul3A_91, %add3A_150 : i32
      %swap3A_152 = arith.index_cast %add3A_151 : i32 to index
      %swap3A_153 = arith.constant 0 : index
      %swap3A_154 = tpu.vector_load %arg10[%swap3A_152, %swap3A_153] {strides = array<i32>} : memref<200x64xf32, #tpu.memory_space<vmem>>, vector<16xf32>,
      tpu.vector_store %arg10[%swap3A_152, %swap3A_153], %mul3A_149 {strides = array<i32>} : memref<200x64xf32, #tpu.memory_space<vmem>>, vector<16xf32>,
      %add3A_155 = arith.constant 1 : i32
      %add3A_156 = arith.addi %mul3A_91, %add3A_155 : i32
      %get3A_157 = arith.index_cast %add3A_156 : i32 to index
      %get3A_158 = arith.constant 16 : index
      %get3A_159 = tpu.vector_load %arg8[%get3A_157, %get3A_158] {strides = array<i32>} : memref<200x128xf32, #tpu.memory_space<vmem>>, vector<16xf32>,
      %mul3A_160 = arith.constant 1.250000e-01 : f32
      %mul3A_161 = vector.broadcast %mul3A_160 : f32 to vector<16xf32>
      %mul3A_162 = arith.mulf %get3A_159, %mul3A_161 : vector<16xf32>
      %add3A_163 = arith.constant 1 : i32
      %add3A_164 = arith.addi %mul3A_91, %add3A_163 : i32
      %swap3A_165 = arith.index_cast %add3A_164 : i32 to index
      %swap3A_166 = arith.constant 16 : index
      %swap3A_167 = tpu.vector_load %arg10[%swap3A_165, %swap3A_166] {strides = array<i32>} : memref<200x64xf32, #tpu.memory_space<vmem>>, vector<16xf32>,
      tpu.vector_store %arg10[%swap3A_165, %swap3A_166], %mul3A_162 {strides = array<i32>} : memref<200x64xf32, #tpu.memory_space<vmem>>, vector<16xf32>,
      %add3A_168 = arith.constant 1 : i32
      %add3A_169 = arith.addi %mul3A_91, %add3A_168 : i32
      %get3A_170 = arith.index_cast %add3A_169 : i32 to index
      %get3A_171 = arith.constant 32 : index
      %get3A_172 = tpu.vector_load %arg8[%get3A_170, %get3A_171] {strides = array<i32>} : memref<200x128xf32, #tpu.memory_space<vmem>>, vector<16xf32>,
      %mul3A_173 = arith.constant 1.250000e-01 : f32
      %mul3A_174 = vector.broadcast %mul3A_173 : f32 to vector<16xf32>
      %mul3A_175 = arith.mulf %get3A_172, %mul3A_174 : vector<16xf32>
      %add3A_176 = arith.constant 1 : i32
      %add3A_177 = arith.addi %mul3A_91, %add3A_176 : i32
      %swap3A_178 = arith.index_cast %add3A_177 : i32 to index
      %swap3A_179 = arith.constant 32 : index
      %swap3A_180 = tpu.vector_load %arg10[%swap3A_178, %swap3A_179] {strides = array<i32>} : memref<200x64xf32, #tpu.memory_space<vmem>>, vector<16xf32>,
      tpu.vector_store %arg10[%swap3A_178, %swap3A_179], %mul3A_175 {strides = array<i32>} : memref<200x64xf32, #tpu.memory_space<vmem>>, vector<16xf32>,
      %add3A_181 = arith.constant 1 : i32
      %add3A_182 = arith.addi %mul3A_91, %add3A_181 : i32
      %get3A_183 = arith.index_cast %add3A_182 : i32 to index
      %get3A_184 = arith.constant 48 : index
      %get3A_185 = tpu.vector_load %arg8[%get3A_183, %get3A_184] {strides = array<i32>} : memref<200x128xf32, #tpu.memory_space<vmem>>, vector<16xf32>,
      %mul3A_186 = arith.constant 1.250000e-01 : f32
      %mul3A_187 = vector.broadcast %mul3A_186 : f32 to vector<16xf32>
      %mul3A_188 = arith.mulf %get3A_185, %mul3A_187 : vector<16xf32>
      %add3A_189 = arith.constant 1 : i32
      %add3A_190 = arith.addi %mul3A_91, %add3A_189 : i32
      %swap3A_191 = arith.index_cast %add3A_190 : i32 to index
      %swap3A_192 = arith.constant 48 : index
      %swap3A_193 = tpu.vector_load %arg10[%swap3A_191, %swap3A_192] {strides = array<i32>} : memref<200x64xf32, #tpu.memory_space<vmem>>, vector<16xf32>,
      tpu.vector_store %arg10[%swap3A_191, %swap3A_192], %mul3A_188 {strides = array<i32>} : memref<200x64xf32, #tpu.memory_space<vmem>>, vector<16xf32>,
      %add3A_194 = arith.constant 2 : i32
      %add3A_195 = arith.addi %mul3A_91, %add3A_194 : i32
      %get3A_196 = arith.index_cast %add3A_195 : i32 to index
      %get3A_197 = arith.constant 0 : index
      %get3A_198 = tpu.vector_load %arg8[%get3A_196, %get3A_197] {strides = array<i32>} : memref<200x128xf32, #tpu.memory_space<vmem>>, vector<16xf32>,
      %mul3A_199 = arith.constant 1.250000e-01 : f32
      %mul3A_200 = vector.broadcast %mul3A_199 : f32 to vector<16xf32>
      %mul3A_201 = arith.mulf %get3A_198, %mul3A_200 : vector<16xf32>
      %add3A_202 = arith.constant 2 : i32
      %add3A_203 = arith.addi %mul3A_91, %add3A_202 : i32
      %swap3A_204 = arith.index_cast %add3A_203 : i32 to index
      %swap3A_205 = arith.constant 0 : index
      %swap3A_206 = tpu.vector_load %arg10[%swap3A_204, %swap3A_205] {strides = array<i32>} : memref<200x64xf32, #tpu.memory_space<vmem>>, vector<16xf32>,
      tpu.vector_store %arg10[%swap3A_204, %swap3A_205], %mul3A_201 {strides = array<i32>} : memref<200x64xf32, #tpu.memory_space<vmem>>, vector<16xf32>,
      %add3A_207 = arith.constant 2 : i32
      %add3A_208 = arith.addi %mul3A_91, %add3A_207 : i32
      %get3A_209 = arith.index_cast %add3A_208 : i32 to index
      %get3A_210 = arith.constant 16 : index
      %get3A_211 = tpu.vector_load %arg8[%get3A_209, %get3A_210] {strides = array<i32>} : memref<200x128xf32, #tpu.memory_space<vmem>>, vector<16xf32>,
      %mul3A_212 = arith.constant 1.250000e-01 : f32
      %mul3A_213 = vector.broadcast %mul3A_212 : f32 to vector<16xf32>
      %mul3A_214 = arith.mulf %get3A_211, %mul3A_213 : vector<16xf32>
      %add3A_215 = arith.constant 2 : i32
      %add3A_216 = arith.addi %mul3A_91, %add3A_215 : i32
      %swap3A_217 = arith.index_cast %add3A_216 : i32 to index
      %swap3A_218 = arith.constant 16 : index
      %swap3A_219 = tpu.vector_load %arg10[%swap3A_217, %swap3A_218] {strides = array<i32>} : memref<200x64xf32, #tpu.memory_space<vmem>>, vector<16xf32>,
      tpu.vector_store %arg10[%swap3A_217, %swap3A_218], %mul3A_214 {strides = array<i32>} : memref<200x64xf32, #tpu.memory_space<vmem>>, vector<16xf32>,
      %add3A_220 = arith.constant 2 : i32
      %add3A_221 = arith.addi %mul3A_91, %add3A_220 : i32
      %get3A_222 = arith.index_cast %add3A_221 : i32 to index
      %get3A_223 = arith.constant 32 : index
      %get3A_224 = tpu.vector_load %arg8[%get3A_222, %get3A_223] {strides = array<i32>} : memref<200x128xf32, #tpu.memory_space<vmem>>, vector<16xf32>,
      %mul3A_225 = arith.constant 1.250000e-01 : f32
      %mul3A_226 = vector.broadcast %mul3A_225 : f32 to vector<16xf32>
      %mul3A_227 = arith.mulf %get3A_224, %mul3A_226 : vector<16xf32>
      %add3A_228 = arith.constant 2 : i32
      %add3A_229 = arith.addi %mul3A_91, %add3A_228 : i32
      %swap3A_230 = arith.index_cast %add3A_229 : i32 to index
      %swap3A_231 = arith.constant 32 : index
      %swap3A_232 = tpu.vector_load %arg10[%swap3A_230, %swap3A_231] {strides = array<i32>} : memref<200x64xf32, #tpu.memory_space<vmem>>, vector<16xf32>,
      tpu.vector_store %arg10[%swap3A_230, %swap3A_231], %mul3A_227 {strides = array<i32>} : memref<200x64xf32, #tpu.memory_space<vmem>>, vector<16xf32>,
      %add3A_233 = arith.constant 2 : i32
      %add3A_234 = arith.addi %mul3A_91, %add3A_233 : i32
      %get3A_235 = arith.index_cast %add3A_234 : i32 to index
      %get3A_236 = arith.constant 48 : index
      %get3A_237 = tpu.vector_load %arg8[%get3A_235, %get3A_236] {strides = array<i32>} : memref<200x128xf32, #tpu.memory_space<vmem>>, vector<16xf32>,
      %mul3A_238 = arith.constant 1.250000e-01 : f32
      %mul3A_239 = vector.broadcast %mul3A_238 : f32 to vector<16xf32>
      %mul3A_240 = arith.mulf %get3A_237, %mul3A_239 : vector<16xf32>
      %add3A_241 = arith.constant 2 : i32
      %add3A_242 = arith.addi %mul3A_91, %add3A_241 : i32
      %swap3A_243 = arith.index_cast %add3A_242 : i32 to index
      %swap3A_244 = arith.constant 48 : index
      %swap3A_245 = tpu.vector_load %arg10[%swap3A_243, %swap3A_244] {strides = array<i32>} : memref<200x64xf32, #tpu.memory_space<vmem>>, vector<16xf32>,
      tpu.vector_store %arg10[%swap3A_243, %swap3A_244], %mul3A_240 {strides = array<i32>} : memref<200x64xf32, #tpu.memory_space<vmem>>, vector<16xf32>,
      %add3A_246 = arith.constant 3 : i32
      %add3A_247 = arith.addi %mul3A_91, %add3A_246 : i32
      %get3A_248 = arith.index_cast %add3A_247 : i32 to index
      %get3A_249 = arith.constant 0 : index
      %get3A_250 = tpu.vector_load %arg8[%get3A_248, %get3A_249] {strides = array<i32>} : memref<200x128xf32, #tpu.memory_space<vmem>>, vector<16xf32>,
      %mul3A_251 = arith.constant 1.250000e-01 : f32
      %mul3A_252 = vector.broadcast %mul3A_251 : f32 to vector<16xf32>
      %mul3A_253 = arith.mulf %get3A_250, %mul3A_252 : vector<16xf32>
      %add3A_254 = arith.constant 3 : i32
      %add3A_255 = arith.addi %mul3A_91, %add3A_254 : i32
      %swap3A_256 = arith.index_cast %add3A_255 : i32 to index
      %swap3A_257 = arith.constant 0 : index
      %swap3A_258 = tpu.vector_load %arg10[%swap3A_256, %swap3A_257] {strides = array<i32>} : memref<200x64xf32, #tpu.memory_space<vmem>>, vector<16xf32>,
      tpu.vector_store %arg10[%swap3A_256, %swap3A_257], %mul3A_253 {strides = array<i32>} : memref<200x64xf32, #tpu.memory_space<vmem>>, vector<16xf32>,
      %add3A_259 = arith.constant 3 : i32
      %add3A_260 = arith.addi %mul3A_91, %add3A_259 : i32
      %get3A_261 = arith.index_cast %add3A_260 : i32 to index
      %get3A_262 = arith.constant 16 : index
      %get3A_263 = tpu.vector_load %arg8[%get3A_261, %get3A_262] {strides = array<i32>} : memref<200x128xf32, #tpu.memory_space<vmem>>, vector<16xf32>,
      %mul3A_264 = arith.constant 1.250000e-01 : f32
      %mul3A_265 = vector.broadcast %mul3A_264 : f32 to vector<16xf32>
      %mul3A_266 = arith.mulf %get3A_263, %mul3A_265 : vector<16xf32>
      %add3A_267 = arith.constant 3 : i32
      %add3A_268 = arith.addi %mul3A_91, %add3A_267 : i32
      %swap3A_269 = arith.index_cast %add3A_268 : i32 to index
      %swap3A_270 = arith.constant 16 : index
      %swap3A_271 = tpu.vector_load %arg10[%swap3A_269, %swap3A_270] {strides = array<i32>} : memref<200x64xf32, #tpu.memory_space<vmem>>, vector<16xf32>,
      tpu.vector_store %arg10[%swap3A_269, %swap3A_270], %mul3A_266 {strides = array<i32>} : memref<200x64xf32, #tpu.memory_space<vmem>>, vector<16xf32>,
      %add3A_272 = arith.constant 3 : i32
      %add3A_273 = arith.addi %mul3A_91, %add3A_272 : i32
      %get3A_274 = arith.index_cast %add3A_273 : i32 to index
      %get3A_275 = arith.constant 32 : index
      %get3A_276 = tpu.vector_load %arg8[%get3A_274, %get3A_275] {strides = array<i32>} : memref<200x128xf32, #tpu.memory_space<vmem>>, vector<16xf32>,
      %mul3A_277 = arith.constant 1.250000e-01 : f32
      %mul3A_278 = vector.broadcast %mul3A_277 : f32 to vector<16xf32>
      %mul3A_279 = arith.mulf %get3A_276, %mul3A_278 : vector<16xf32>
      %add3A_280 = arith.constant 3 : i32
      %add3A_281 = arith.addi %mul3A_91, %add3A_280 : i32
      %swap3A_282 = arith.index_cast %add3A_281 : i32 to index
      %swap3A_283 = arith.constant 32 : index
      %swap3A_284 = tpu.vector_load %arg10[%swap3A_282, %swap3A_283] {strides = array<i32>} : memref<200x64xf32, #tpu.memory_space<vmem>>, vector<16xf32>,
      tpu.vector_store %arg10[%swap3A_282, %swap3A_283], %mul3A_279 {strides = array<i32>} : memref<200x64xf32, #tpu.memory_space<vmem>>, vector<16xf32>,
      %add3A_285 = arith.constant 3 : i32
      %add3A_286 = arith.addi %mul3A_91, %add3A_285 : i32
      %get3A_287 = arith.index_cast %add3A_286 : i32 to index
      %get3A_288 = arith.constant 48 : index
      %get3A_289 = tpu.vector_load %arg8[%get3A_287, %get3A_288] {strides = array<i32>} : memref<200x128xf32, #tpu.memory_space<vmem>>, vector<16xf32>,
      %mul3A_290 = arith.constant 1.250000e-01 : f32
      %mul3A_291 = vector.broadcast %mul3A_290 : f32 to vector<16xf32>
      %mul3A_292 = arith.mulf %get3A_289, %mul3A_291 : vector<16xf32>
      %add3A_293 = arith.constant 3 : i32
      %add3A_294 = arith.addi %mul3A_91, %add3A_293 : i32
      %swap3A_295 = arith.index_cast %add3A_294 : i32 to index
      %swap3A_296 = arith.constant 48 : index
      %swap3A_297 = tpu.vector_load %arg10[%swap3A_295, %swap3A_296] {strides = array<i32>} : memref<200x64xf32, #tpu.memory_space<vmem>>, vector<16xf32>,
      tpu.vector_store %arg10[%swap3A_295, %swap3A_296], %mul3A_292 {strides = array<i32>} : memref<200x64xf32, #tpu.memory_space<vmem>>, vector<16xf32>,
      %add3A_298 = arith.constant 4 : i32
      %add3A_299 = arith.addi %mul3A_91, %add3A_298 : i32
      %get3A_300 = arith.index_cast %add3A_299 : i32 to index
      %get3A_301 = arith.constant 0 : index
      %get3A_302 = tpu.vector_load %arg8[%get3A_300, %get3A_301] {strides = array<i32>} : memref<200x128xf32, #tpu.memory_space<vmem>>, vector<16xf32>,
      %mul3A_303 = arith.constant 1.250000e-01 : f32
      %mul3A_304 = vector.broadcast %mul3A_303 : f32 to vector<16xf32>
      %mul3A_305 = arith.mulf %get3A_302, %mul3A_304 : vector<16xf32>
      %add3A_306 = arith.constant 4 : i32
      %add3A_307 = arith.addi %mul3A_91, %add3A_306 : i32
      %swap3A_308 = arith.index_cast %add3A_307 : i32 to index
      %swap3A_309 = arith.constant 0 : index
      %swap3A_310 = tpu.vector_load %arg10[%swap3A_308, %swap3A_309] {strides = array<i32>} : memref<200x64xf32, #tpu.memory_space<vmem>>, vector<16xf32>,
      tpu.vector_store %arg10[%swap3A_308, %swap3A_309], %mul3A_305 {strides = array<i32>} : memref<200x64xf32, #tpu.memory_space<vmem>>, vector<16xf32>,
      %add3A_311 = arith.constant 4 : i32
      %add3A_312 = arith.addi %mul3A_91, %add3A_311 : i32
      %get3A_313 = arith.index_cast %add3A_312 : i32 to index
      %get3A_314 = arith.constant 16 : index
      %get3A_315 = tpu.vector_load %arg8[%get3A_313, %get3A_314] {strides = array<i32>} : memref<200x128xf32, #tpu.memory_space<vmem>>, vector<16xf32>,
      %mul3A_316 = arith.constant 1.250000e-01 : f32
      %mul3A_317 = vector.broadcast %mul3A_316 : f32 to vector<16xf32>
      %mul3A_318 = arith.mulf %get3A_315, %mul3A_317 : vector<16xf32>
      %add3A_319 = arith.constant 4 : i32
      %add3A_320 = arith.addi %mul3A_91, %add3A_319 : i32
      %swap3A_321 = arith.index_cast %add3A_320 : i32 to index
      %swap3A_322 = arith.constant 16 : index
      %swap3A_323 = tpu.vector_load %arg10[%swap3A_321, %swap3A_322] {strides = array<i32>} : memref<200x64xf32, #tpu.memory_space<vmem>>, vector<16xf32>,
      tpu.vector_store %arg10[%swap3A_321, %swap3A_322], %mul3A_318 {strides = array<i32>} : memref<200x64xf32, #tpu.memory_space<vmem>>, vector<16xf32>,
      %add3A_324 = arith.constant 4 : i32
      %add3A_325 = arith.addi %mul3A_91, %add3A_324 : i32
      %get3A_326 = arith.index_cast %add3A_325 : i32 to index
      %get3A_327 = arith.constant 32 : index
      %get3A_328 = tpu.vector_load %arg8[%get3A_326, %get3A_327] {strides = array<i32>} : memref<200x128xf32, #tpu.memory_space<vmem>>, vector<16xf32>,
      %mul3A_329 = arith.constant 1.250000e-01 : f32
      %mul3A_330 = vector.broadcast %mul3A_329 : f32 to vector<16xf32>
      %mul3A_331 = arith.mulf %get3A_328, %mul3A_330 : vector<16xf32>
      %add3A_332 = arith.constant 4 : i32
      %add3A_333 = arith.addi %mul3A_91, %add3A_332 : i32
      %swap3A_334 = arith.index_cast %add3A_333 : i32 to index
      %swap3A_335 = arith.constant 32 : index
      %swap3A_336 = tpu.vector_load %arg10[%swap3A_334, %swap3A_335] {strides = array<i32>} : memref<200x64xf32, #tpu.memory_space<vmem>>, vector<16xf32>,
      tpu.vector_store %arg10[%swap3A_334, %swap3A_335], %mul3A_331 {strides = array<i32>} : memref<200x64xf32, #tpu.memory_space<vmem>>, vector<16xf32>,
      %add3A_337 = arith.constant 4 : i32
      %add3A_338 = arith.addi %mul3A_91, %add3A_337 : i32
      %get3A_339 = arith.index_cast %add3A_338 : i32 to index
      %get3A_340 = arith.constant 48 : index
      %get3A_341 = tpu.vector_load %arg8[%get3A_339, %get3A_340] {strides = array<i32>} : memref<200x128xf32, #tpu.memory_space<vmem>>, vector<16xf32>,
      %mul3A_342 = arith.constant 1.250000e-01 : f32
      %mul3A_343 = vector.broadcast %mul3A_342 : f32 to vector<16xf32>
      %mul3A_344 = arith.mulf %get3A_341, %mul3A_343 : vector<16xf32>
      %add3A_345 = arith.constant 4 : i32
      %add3A_346 = arith.addi %mul3A_91, %add3A_345 : i32
      %swap3A_347 = arith.index_cast %add3A_346 : i32 to index
      %swap3A_348 = arith.constant 48 : index
      %swap3A_349 = tpu.vector_load %arg10[%swap3A_347, %swap3A_348] {strides = array<i32>} : memref<200x64xf32, #tpu.memory_space<vmem>>, vector<16xf32>,
      tpu.vector_store %arg10[%swap3A_347, %swap3A_348], %mul3A_344 {strides = array<i32>} : memref<200x64xf32, #tpu.memory_space<vmem>>, vector<16xf32>,
      %add3A_350 = arith.constant 5 : i32
      %add3A_351 = arith.addi %mul3A_91, %add3A_350 : i32
      %get3A_352 = arith.index_cast %add3A_351 : i32 to index
      %get3A_353 = arith.constant 0 : index
      %get3A_354 = tpu.vector_load %arg8[%get3A_352, %get3A_353] {strides = array<i32>} : memref<200x128xf32, #tpu.memory_space<vmem>>, vector<16xf32>,
      %mul3A_355 = arith.constant 1.250000e-01 : f32
      %mul3A_356 = vector.broadcast %mul3A_355 : f32 to vector<16xf32>
      %mul3A_357 = arith.mulf %get3A_354, %mul3A_356 : vector<16xf32>
      %add3A_358 = arith.constant 5 : i32
      %add3A_359 = arith.addi %mul3A_91, %add3A_358 : i32
      %swap3A_360 = arith.index_cast %add3A_359 : i32 to index
      %swap3A_361 = arith.constant 0 : index
      %swap3A_362 = tpu.vector_load %arg10[%swap3A_360, %swap3A_361] {strides = array<i32>} : memref<200x64xf32, #tpu.memory_space<vmem>>, vector<16xf32>,
      tpu.vector_store %arg10[%swap3A_360, %swap3A_361], %mul3A_357 {strides = array<i32>} : memref<200x64xf32, #tpu.memory_space<vmem>>, vector<16xf32>,
      %add3A_363 = arith.constant 5 : i32
      %add3A_364 = arith.addi %mul3A_91, %add3A_363 : i32
      %get3A_365 = arith.index_cast %add3A_364 : i32 to index
      %get3A_366 = arith.constant 16 : index
      %get3A_367 = tpu.vector_load %arg8[%get3A_365, %get3A_366] {strides = array<i32>} : memref<200x128xf32, #tpu.memory_space<vmem>>, vector<16xf32>,
      %mul3A_368 = arith.constant 1.250000e-01 : f32
      %mul3A_369 = vector.broadcast %mul3A_368 : f32 to vector<16xf32>
      %mul3A_370 = arith.mulf %get3A_367, %mul3A_369 : vector<16xf32>
      %add3A_371 = arith.constant 5 : i32
      %add3A_372 = arith.addi %mul3A_91, %add3A_371 : i32
      %swap3A_373 = arith.index_cast %add3A_372 : i32 to index
      %swap3A_374 = arith.constant 16 : index
      %swap3A_375 = tpu.vector_load %arg10[%swap3A_373, %swap3A_374] {strides = array<i32>} : memref<200x64xf32, #tpu.memory_space<vmem>>, vector<16xf32>,
      tpu.vector_store %arg10[%swap3A_373, %swap3A_374], %mul3A_370 {strides = array<i32>} : memref<200x64xf32, #tpu.memory_space<vmem>>, vector<16xf32>,
      %add3A_376 = arith.constant 5 : i32
      %add3A_377 = arith.addi %mul3A_91, %add3A_376 : i32
      %get3A_378 = arith.index_cast %add3A_377 : i32 to index
      %get3A_379 = arith.constant 32 : index
      %get3A_380 = tpu.vector_load %arg8[%get3A_378, %get3A_379] {strides = array<i32>} : memref<200x128xf32, #tpu.memory_space<vmem>>, vector<16xf32>,
      %mul3A_381 = arith.constant 1.250000e-01 : f32
      %mul3A_382 = vector.broadcast %mul3A_381 : f32 to vector<16xf32>
      %mul3A_383 = arith.mulf %get3A_380, %mul3A_382 : vector<16xf32>
      %add3A_384 = arith.constant 5 : i32
      %add3A_385 = arith.addi %mul3A_91, %add3A_384 : i32
      %swap3A_386 = arith.index_cast %add3A_385 : i32 to index
      %swap3A_387 = arith.constant 32 : index
      %swap3A_388 = tpu.vector_load %arg10[%swap3A_386, %swap3A_387] {strides = array<i32>} : memref<200x64xf32, #tpu.memory_space<vmem>>, vector<16xf32>,
      tpu.vector_store %arg10[%swap3A_386, %swap3A_387], %mul3A_383 {strides = array<i32>} : memref<200x64xf32, #tpu.memory_space<vmem>>, vector<16xf32>,
      %add3A_389 = arith.constant 5 : i32
      %add3A_390 = arith.addi %mul3A_91, %add3A_389 : i32
      %get3A_391 = arith.index_cast %add3A_390 : i32 to index
      %get3A_392 = arith.constant 48 : index
      %get3A_393 = tpu.vector_load %arg8[%get3A_391, %get3A_392] {strides = array<i32>} : memref<200x128xf32, #tpu.memory_space<vmem>>, vector<16xf32>,
      %mul3A_394 = arith.constant 1.250000e-01 : f32
      %mul3A_395 = vector.broadcast %mul3A_394 : f32 to vector<16xf32>
      %mul3A_396 = arith.mulf %get3A_393, %mul3A_395 : vector<16xf32>
      %add3A_397 = arith.constant 5 : i32
      %add3A_398 = arith.addi %mul3A_91, %add3A_397 : i32
      %swap3A_399 = arith.index_cast %add3A_398 : i32 to index
      %swap3A_400 = arith.constant 48 : index
      %swap3A_401 = tpu.vector_load %arg10[%swap3A_399, %swap3A_400] {strides = array<i32>} : memref<200x64xf32, #tpu.memory_space<vmem>>, vector<16xf32>,
      tpu.vector_store %arg10[%swap3A_399, %swap3A_400], %mul3A_396 {strides = array<i32>} : memref<200x64xf32, #tpu.memory_space<vmem>>, vector<16xf32>,
      %add3A_402 = arith.constant 6 : i32
      %add3A_403 = arith.addi %mul3A_91, %add3A_402 : i32
      %get3A_404 = arith.index_cast %add3A_403 : i32 to index
      %get3A_405 = arith.constant 0 : index
      %get3A_406 = tpu.vector_load %arg8[%get3A_404, %get3A_405] {strides = array<i32>} : memref<200x128xf32, #tpu.memory_space<vmem>>, vector<16xf32>,
      %mul3A_407 = arith.constant 1.250000e-01 : f32
      %mul3A_408 = vector.broadcast %mul3A_407 : f32 to vector<16xf32>
      %mul3A_409 = arith.mulf %get3A_406, %mul3A_408 : vector<16xf32>
      %add3A_410 = arith.constant 6 : i32
      %add3A_411 = arith.addi %mul3A_91, %add3A_410 : i32
      %swap3A_412 = arith.index_cast %add3A_411 : i32 to index
      %swap3A_413 = arith.constant 0 : index
      %swap3A_414 = tpu.vector_load %arg10[%swap3A_412, %swap3A_413] {strides = array<i32>} : memref<200x64xf32, #tpu.memory_space<vmem>>, vector<16xf32>,
      tpu.vector_store %arg10[%swap3A_412, %swap3A_413], %mul3A_409 {strides = array<i32>} : memref<200x64xf32, #tpu.memory_space<vmem>>, vector<16xf32>,
      %add3A_415 = arith.constant 6 : i32
      %add3A_416 = arith.addi %mul3A_91, %add3A_415 : i32
      %get3A_417 = arith.index_cast %add3A_416 : i32 to index
      %get3A_418 = arith.constant 16 : index
      %get3A_419 = tpu.vector_load %arg8[%get3A_417, %get3A_418] {strides = array<i32>} : memref<200x128xf32, #tpu.memory_space<vmem>>, vector<16xf32>,
      %mul3A_420 = arith.constant 1.250000e-01 : f32
      %mul3A_421 = vector.broadcast %mul3A_420 : f32 to vector<16xf32>
      %mul3A_422 = arith.mulf %get3A_419, %mul3A_421 : vector<16xf32>
      %add3A_423 = arith.constant 6 : i32
      %add3A_424 = arith.addi %mul3A_91, %add3A_423 : i32
      %swap3A_425 = arith.index_cast %add3A_424 : i32 to index
      %swap3A_426 = arith.constant 16 : index
      %swap3A_427 = tpu.vector_load %arg10[%swap3A_425, %swap3A_426] {strides = array<i32>} : memref<200x64xf32, #tpu.memory_space<vmem>>, vector<16xf32>,
      tpu.vector_store %arg10[%swap3A_425, %swap3A_426], %mul3A_422 {strides = array<i32>} : memref<200x64xf32, #tpu.memory_space<vmem>>, vector<16xf32>,
      %add3A_428 = arith.constant 6 : i32
      %add3A_429 = arith.addi %mul3A_91, %add3A_428 : i32
      %get3A_430 = arith.index_cast %add3A_429 : i32 to index
      %get3A_431 = arith.constant 32 : index
      %get3A_432 = tpu.vector_load %arg8[%get3A_430, %get3A_431] {strides = array<i32>} : memref<200x128xf32, #tpu.memory_space<vmem>>, vector<16xf32>,
      %mul3A_433 = arith.constant 1.250000e-01 : f32
      %mul3A_434 = vector.broadcast %mul3A_433 : f32 to vector<16xf32>
      %mul3A_435 = arith.mulf %get3A_432, %mul3A_434 : vector<16xf32>
      %add3A_436 = arith.constant 6 : i32
      %add3A_437 = arith.addi %mul3A_91, %add3A_436 : i32
      %swap3A_438 = arith.index_cast %add3A_437 : i32 to index
      %swap3A_439 = arith.constant 32 : index
      %swap3A_440 = tpu.vector_load %arg10[%swap3A_438, %swap3A_439] {strides = array<i32>} : memref<200x64xf32, #tpu.memory_space<vmem>>, vector<16xf32>,
      tpu.vector_store %arg10[%swap3A_438, %swap3A_439], %mul3A_435 {strides = array<i32>} : memref<200x64xf32, #tpu.memory_space<vmem>>, vector<16xf32>,
      %add3A_441 = arith.constant 6 : i32
      %add3A_442 = arith.addi %mul3A_91, %add3A_441 : i32
      %get3A_443 = arith.index_cast %add3A_442 : i32 to index
      %get3A_444 = arith.constant 48 : index
      %get3A_445 = tpu.vector_load %arg8[%get3A_443, %get3A_444] {strides = array<i32>} : memref<200x128xf32, #tpu.memory_space<vmem>>, vector<16xf32>,
      %mul3A_446 = arith.constant 1.250000e-01 : f32
      %mul3A_447 = vector.broadcast %mul3A_446 : f32 to vector<16xf32>
      %mul3A_448 = arith.mulf %get3A_445, %mul3A_447 : vector<16xf32>
      %add3A_449 = arith.constant 6 : i32
      %add3A_450 = arith.addi %mul3A_91, %add3A_449 : i32
      %swap3A_451 = arith.index_cast %add3A_450 : i32 to index
      %swap3A_452 = arith.constant 48 : index
      %swap3A_453 = tpu.vector_load %arg10[%swap3A_451, %swap3A_452] {strides = array<i32>} : memref<200x64xf32, #tpu.memory_space<vmem>>, vector<16xf32>,
      tpu.vector_store %arg10[%swap3A_451, %swap3A_452], %mul3A_448 {strides = array<i32>} : memref<200x64xf32, #tpu.memory_space<vmem>>, vector<16xf32>,
      %add3A_454 = arith.constant 7 : i32
      %add3A_455 = arith.addi %mul3A_91, %add3A_454 : i32
      %get3A_456 = arith.index_cast %add3A_455 : i32 to index
      %get3A_457 = arith.constant 0 : index
      %get3A_458 = tpu.vector_load %arg8[%get3A_456, %get3A_457] {strides = array<i32>} : memref<200x128xf32, #tpu.memory_space<vmem>>, vector<16xf32>,
      %mul3A_459 = arith.constant 1.250000e-01 : f32
      %mul3A_460 = vector.broadcast %mul3A_459 : f32 to vector<16xf32>
      %mul3A_461 = arith.mulf %get3A_458, %mul3A_460 : vector<16xf32>
      %add3A_462 = arith.constant 7 : i32
      %add3A_463 = arith.addi %mul3A_91, %add3A_462 : i32
      %swap3A_464 = arith.index_cast %add3A_463 : i32 to index
      %swap3A_465 = arith.constant 0 : index
      %swap3A_466 = tpu.vector_load %arg10[%swap3A_464, %swap3A_465] {strides = array<i32>} : memref<200x64xf32, #tpu.memory_space<vmem>>, vector<16xf32>,
      tpu.vector_store %arg10[%swap3A_464, %swap3A_465], %mul3A_461 {strides = array<i32>} : memref<200x64xf32, #tpu.memory_space<vmem>>, vector<16xf32>,
      %add3A_467 = arith.constant 7 : i32
      %add3A_468 = arith.addi %mul3A_91, %add3A_467 : i32
      %get3A_469 = arith.index_cast %add3A_468 : i32 to index
      %get3A_470 = arith.constant 16 : index
      %get3A_471 = tpu.vector_load %arg8[%get3A_469, %get3A_470] {strides = array<i32>} : memref<200x128xf32, #tpu.memory_space<vmem>>, vector<16xf32>,
      %mul3A_472 = arith.constant 1.250000e-01 : f32
      %mul3A_473 = vector.broadcast %mul3A_472 : f32 to vector<16xf32>
      %mul3A_474 = arith.mulf %get3A_471, %mul3A_473 : vector<16xf32>
      %add3A_475 = arith.constant 7 : i32
      %add3A_476 = arith.addi %mul3A_91, %add3A_475 : i32
      %swap3A_477 = arith.index_cast %add3A_476 : i32 to index
      %swap3A_478 = arith.constant 16 : index
      %swap3A_479 = tpu.vector_load %arg10[%swap3A_477, %swap3A_478] {strides = array<i32>} : memref<200x64xf32, #tpu.memory_space<vmem>>, vector<16xf32>,
      tpu.vector_store %arg10[%swap3A_477, %swap3A_478], %mul3A_474 {strides = array<i32>} : memref<200x64xf32, #tpu.memory_space<vmem>>, vector<16xf32>,
      %add3A_480 = arith.constant 7 : i32
      %add3A_481 = arith.addi %mul3A_91, %add3A_480 : i32
      %get3A_482 = arith.index_cast %add3A_481 : i32 to index
      %get3A_483 = arith.constant 32 : index
      %get3A_484 = tpu.vector_load %arg8[%get3A_482, %get3A_483] {strides = array<i32>} : memref<200x128xf32, #tpu.memory_space<vmem>>, vector<16xf32>,
      %mul3A_485 = arith.constant 1.250000e-01 : f32
      %mul3A_486 = vector.broadcast %mul3A_485 : f32 to vector<16xf32>
      %mul3A_487 = arith.mulf %get3A_484, %mul3A_486 : vector<16xf32>
      %add3A_488 = arith.constant 7 : i32
      %add3A_489 = arith.addi %mul3A_91, %add3A_488 : i32
      %swap3A_490 = arith.index_cast %add3A_489 : i32 to index
      %swap3A_491 = arith.constant 32 : index
      %swap3A_492 = tpu.vector_load %arg10[%swap3A_490, %swap3A_491] {strides = array<i32>} : memref<200x64xf32, #tpu.memory_space<vmem>>, vector<16xf32>,
      tpu.vector_store %arg10[%swap3A_490, %swap3A_491], %mul3A_487 {strides = array<i32>} : memref<200x64xf32, #tpu.memory_space<vmem>>, vector<16xf32>,
      %add3A_493 = arith.constant 7 : i32
      %add3A_494 = arith.addi %mul3A_91, %add3A_493 : i32
      %get3A_495 = arith.index_cast %add3A_494 : i32 to index
      %get3A_496 = arith.constant 48 : index
      %get3A_497 = tpu.vector_load %arg8[%get3A_495, %get3A_496] {strides = array<i32>} : memref<200x128xf32, #tpu.memory_space<vmem>>, vector<16xf32>,
      %mul3A_498 = arith.constant 1.250000e-01 : f32
      %mul3A_499 = vector.broadcast %mul3A_498 : f32 to vector<16xf32>
      %mul3A_500 = arith.mulf %get3A_497, %mul3A_499 : vector<16xf32>
      %add3A_501 = arith.constant 7 : i32
      %add3A_502 = arith.addi %mul3A_91, %add3A_501 : i32
      %swap3A_503 = arith.index_cast %add3A_502 : i32 to index
      %swap3A_504 = arith.constant 48 : index
      %swap3A_505 = tpu.vector_load %arg10[%swap3A_503, %swap3A_504] {strides = array<i32>} : memref<200x64xf32, #tpu.memory_space<vmem>>, vector<16xf32>,
      tpu.vector_store %arg10[%swap3A_503, %swap3A_504], %mul3A_500 {strides = array<i32>} : memref<200x64xf32, #tpu.memory_space<vmem>>, vector<16xf32>,
    }
    %scan3A_64 = arith.constant 25 : i32
    %add3A_65 = arith.constant 127 : i32
    %add3A_66 = arith.addi %mul3A_2, %add3A_65 : i32
    %mul3A_67 = arith.constant 200 : i32
    %mul3A_68 = arith.muli %add3A_66, %mul3A_67 : i32
    %dma_start3A_69 = arith.constant 0 : i32
    %dma_start3A_70 = tpu.memref_slice %arg4[%mul3A_68, %dma_start3A_69] : memref<819200x64xf32, #tpu.memory_space<hbm>> -> memref<200x64xf32, #tpu.memory_space<hbm>>
    %dma_start3A_71 = arith.constant 0 : i32
    %dma_start3A_72 = tpu.memref_slice %arg4[%mul3A_68, %dma_start3A_71] : memref<819200x64xf32, #tpu.memory_space<hbm>> -> memref<200x64xf32, #tpu.memory_space<hbm>>
    tpu.enqueue_dma source(%arg10 : memref<200x64xf32, #tpu.memory_space<vmem>>) target(%dma_start3A_72 : memref<200x64xf32, #tpu.memory_space<hbm>>) target_semaphore(%arg14 : memref<!tpu.dma_semaphore, #tpu.memory_space<semaphore_mem>>)
    %add3A_73 = arith.constant 126 : i32
    %add3A_74 = arith.addi %mul3A_2, %add3A_73 : i32
    %mul3A_75 = arith.constant 200 : i32
    %mul3A_76 = arith.muli %add3A_74, %mul3A_75 : i32
    %dma_wait3A_77 = arith.constant 0 : i32
    %dma_wait3A_78 = tpu.memref_slice %arg4[%mul3A_76, %dma_wait3A_77] : memref<819200x64xf32, #tpu.memory_space<hbm>> -> memref<200x64xf32, #tpu.memory_space<hbm>>
    %dma_wait3A_79 = arith.constant 0 : i32
    %dma_wait3A_80 = tpu.memref_slice %arg4[%mul3A_76, %dma_wait3A_79] : memref<819200x64xf32, #tpu.memory_space<hbm>> -> memref<200x64xf32, #tpu.memory_space<hbm>>
    tpu.wait_dma2 semaphore(%arg13 : memref<!tpu.dma_semaphore, #tpu.memory_space<semaphore_mem>>) src(%arg9 : memref<200x64xf32, #tpu.memory_space<vmem>>) dst(%dma_wait3A_80 : memref<200x64xf32, #tpu.memory_space<hbm>>)
    %add3A_81 = arith.constant 127 : i32
    %add3A_82 = arith.addi %mul3A_2, %add3A_81 : i32
    %mul3A_83 = arith.constant 200 : i32
    %mul3A_84 = arith.muli %add3A_82, %mul3A_83 : i32
    %dma_wait3A_85 = arith.constant 0 : i32
    %dma_wait3A_86 = tpu.memref_slice %arg4[%mul3A_84, %dma_wait3A_85] : memref<819200x64xf32, #tpu.memory_space<hbm>> -> memref<200x64xf32, #tpu.memory_space<hbm>>
    %dma_wait3A_87 = arith.constant 0 : i32
    %dma_wait3A_88 = tpu.memref_slice %arg4[%mul3A_84, %dma_wait3A_87] : memref<819200x64xf32, #tpu.memory_space<hbm>> -> memref<200x64xf32, #tpu.memory_space<hbm>>
    tpu.wait_dma2 semaphore(%arg14 : memref<!tpu.dma_semaphore, #tpu.memory_space<semaphore_mem>>) src(%arg10 : memref<200x64xf32, #tpu.memory_space<vmem>>) dst(%dma_wait3A_88 : memref<200x64xf32, #tpu.memory_space<hbm>>)
    return
  }
}

</mosaic_0001>

<sc_bundles>
// kernel: _call.3.cloned.1.call-start
scs
__scs_entry_jumppad:
0x0: {  	(pc) =	sbr.rel $0x88, $3  }
0x1: {  	(tag) =	ssettag $0x0;
	lr =	simm.s32 $0x1  }
0x2: {  	[smem:$0x3F9F] =	sst lr;
	_ =	strace $0xD0000000  }
0x3: {  	_ = 	snop  }
0x4: {  	_ = 	snop  }
0x5: {  	_ = 	snop  }
0x6: {  	_ = 	snop  }
0x7: {  	_ = 	snop  }
__scs_overlays_trampoline_lowered:
0x8: {  	[smem:$0x3FAE] =	sst s0  }
0x9: {  	[smem:$0x3FAF] =	sst s1  }
0xa: {  	[smem:$0x3FB0] =	sst s2  }
0xb: {  	[smem:$0x3FB1] =	sst s3  }
0xc: {  	[smem:$0x3FB2] =	sst s4  }
0xd: {  	[smem:$0x3FB3] =	sst s5  }
0xe: {  	[smem:$0x3FB4] =	sst s6  }
0xf: {  	[smem:$0x3FB5] =	sst s7  }
0x10: {  	[smem:$0x3FB6] =	sst s8  }
0x11: {  	[smem:$0x3FB7] =	sst s9;
	s0 =	simm.s32 @!p0 $0x0  }
0x12: {  	s1 =	sld [smem:$0x3F9D];
	s0 =	simm.s32 @p0 $0x1  }
0x13: {  	[smem:$0x3FB8] =	sst s0;
	s0 =	simm.s32 @!p1 $0x0  }
0x14: {  	s2 =	sld [smem:$0x3F9C];
	s0 =	simm.s32 @p1 $0x1  }
0x15: {  	[smem:$0x3FB9] =	sst s0;
	s0 =	simm.s32 @!p2 $0x0  }
0x16: {  	s3 =	sld [smem:$0x3FDB];
	s0 =	simm.s32 @p2 $0x1  }
0x17: {  	s4 =	simm.s32 $0x1BF5;
	[smem:$0x3FBB] =	sst s0  }
0x18: {  	s0 =	sld [smem:$0x3F9E];
	_ =	swait.ge [sflag:s4], $0x0  }
0x19: {  	s7 =	sld [smem:$0x3F9F]  }
0x1a: {  	s8 =	sadd.s32 $0xFFFFE003, lr  }
0x1b: {  	s9 =	sadd.s32 $0xFFFFFEF7, lr;
	s5 =	simm.s32 $0xFFFFFFFF;
	p2 =	slt.u32 s8, $0xFFFFF086  }
0x1c: {  	p1 =	slt.u32 s9, $0xF7A;
	s5 =	simm.s32 @!p2 $0x0  }
0x1d: {  	s5 =	simm.s32 @p1 $0x1;
	p0 =	seq.s32 s7, s2  }
0x1e: {  	s7 =	smul.u32 @!p0 $0xF7A, s2;
	p2 =	seq.s32 @!p0 s5, $0x0  }
0x1f: {  	s9 =	smul.u32 $0xF7A, s1;
	s8 =	simm.s32 @!p0 $0x1BF5;
	p2 =	por !p2, p0  }
0x20: {  	[sflag:s8] =	ssyncset.s32 @!p0 $0xFFFFF086;
	s6 =	sadd.s32 @!p0 s3, s7;
	s7 =	simm.s32 @!p0 $0x108  }
0x21: {  	s3 =	sadd.s32 s3, s9;
	s6 =	sadd.s32 @!p0 $0x88, s6;
	s7 =	simm.s32 @p2 $0x1082  }
0x22: {  	[simem:s7], [sflag:s8] =	dma.local @!p0 [hbm:s6], $0xF7A  }
0x23: {  	s9 =	sor.u32 $0xD0000000, s2;
	s6 =	simm.s32 $0x108;
	_ =	swait.ge @!p0 [sflag:s8], $0x0  }
0x24: {  	s3 =	sadd.s32 $0x88, s3;
	s6 =	simm.s32 @!p1 $0x1082;
	[sflag:s4] =	ssyncset.s32 $0xFFFFF086  }
0x25: {  	[simem:s6], [sflag:s4] =	dma.local [hbm:s3], $0xF7A  }
0x26: {  	[smem:$0x3F9F] =	sst s1;
	(tag) =	ssettag s2;
	_ =	strace s9  }
0x27: {  	s1 =	sld [smem:$0x3FAF]  }
0x28: {  	s2 =	sld [smem:$0x3FB0]  }
0x29: {  	s4 =	sld [smem:$0x3FB2]  }
0x2a: {  	p0 =	seq.s32 s5, $0x0;
	s5 =	sld [smem:$0x3FB3]  }
0x2b: {  	s6 =	sld [smem:$0x3FB4]  }
0x2c: {  	s7 =	sld [smem:$0x3FB5]  }
0x2d: {  	s3 =	simm.s32 $0x108;
	s8 =	sld [smem:$0x3FB6]  }
0x2e: {  	s3 =	simm.s32 @!p0 $0x1082;
	s9 =	sld [smem:$0x3FB7]  }
0x2f: {  	lr =	sadd.s32 s0, s3;
	s0 =	sld [smem:$0x3FAE]  }
0x30: {  	s3 =	sld [smem:$0x3FB1]  }
0x31: {  	[smem:$0x3FBA] =	sst s10  }
0x32: {  	s10 =	sld [smem:$0x3FB8];
	_ =	sdelay $0x3  }
0x33: {  	p0 =	seq.s32 s10, $0x1;
	s10 =	sld [smem:$0x3FBA];
	_ =	sdelay $0x3  }
0x34: {  	[smem:$0x3FBA] =	sst s10  }
0x35: {  	s10 =	sld [smem:$0x3FB9];
	_ =	sdelay $0x3  }
0x36: {  	p1 =	seq.s32 s10, $0x1;
	s10 =	sld [smem:$0x3FBA];
	_ =	sdelay $0x3  }
0x37: {  	[smem:$0x3FBA] =	sst s10  }
0x38: {  	s10 =	sld [smem:$0x3FBB]  }
0x39: {  	_ = 	snop;
	(pc) =	sbr.ind lr, $3  }
0x3a: {  	_ = 	snop  }
0x3b: {  	_ = 	snop  }
0x3c: {  	p2 =	seq.s32 s10, $0x1;
	s10 =	sld [smem:$0x3FBA]  }
0x3d: {  	_ =	shalt  }
0x3e: {  	_ =	shalt  }
0x3f: {  	_ =	shalt  }
0x40: {  	_ =	shalt  }
0x41: {  	_ =	shalt  }
0x42: {  	_ =	shalt  }
0x43: {  	_ =	shalt  }
0x44: {  	_ =	shalt  }
0x45: {  	_ =	shalt  }
0x46: {  	_ =	shalt  }
0x47: {  	_ =	shalt  }
0x48: {  	_ =	shalt  }
0x49: {  	_ =	shalt  }
0x4a: {  	_ =	shalt  }
0x4b: {  	_ =	shalt  }
0x4c: {  	_ =	shalt  }
0x4d: {  	_ =	shalt  }
0x4e: {  	_ =	shalt  }
0x4f: {  	_ =	shalt  }
0x50: {  	_ =	shalt  }
0x51: {  	_ =	shalt  }
0x52: {  	_ =	shalt  }
0x53: {  	_ =	shalt  }
0x54: {  	_ =	shalt  }
0x55: {  	_ =	shalt  }
0x56: {  	_ =	shalt  }
0x57: {  	_ =	shalt  }
0x58: {  	_ =	shalt  }
0x59: {  	_ =	shalt  }
0x5a: {  	_ =	shalt  }
0x5b: {  	_ =	shalt  }
0x5c: {  	_ =	shalt  }
0x5d: {  	_ =	shalt  }
0x5e: {  	_ =	shalt  }
0x5f: {  	_ =	shalt  }
0x60: {  	_ =	shalt  }
0x61: {  	_ =	shalt  }
0x62: {  	_ =	shalt  }
0x63: {  	_ =	shalt  }
0x64: {  	_ =	shalt  }
0x65: {  	_ =	shalt  }
0x66: {  	_ =	shalt  }
0x67: {  	_ =	shalt  }
0x68: {  	_ =	shalt  }
0x69: {  	_ =	shalt  }
0x6a: {  	_ =	shalt  }
0x6b: {  	_ =	shalt  }
0x6c: {  	_ =	shalt  }
0x6d: {  	_ =	shalt  }
0x6e: {  	_ =	shalt  }
0x6f: {  	_ =	shalt  }
0x70: {  	_ =	shalt  }
0x71: {  	_ =	shalt  }
0x72: {  	_ =	shalt  }
0x73: {  	_ =	shalt  }
0x74: {  	_ =	shalt  }
0x75: {  	_ =	shalt  }
0x76: {  	_ =	shalt  }
0x77: {  	_ =	shalt  }
0x78: {  	_ =	shalt  }
0x79: {  	_ =	shalt  }
0x7a: {  	_ =	shalt  }
0x7b: {  	_ =	shalt  }
0x7c: {  	_ =	shalt  }
0x7d: {  	_ =	shalt  }
0x7e: {  	_ =	shalt  }
0x7f: {  	_ =	shalt  }
0x80: {  	_ =	shalt  }
0x81: {  	_ =	shalt  }
0x82: {  	_ =	shalt  }
0x83: {  	_ =	shalt  }
0x84: {  	_ =	shalt  }
0x85: {  	_ =	shalt  }
0x86: {  	_ =	shalt  }
0x87: {  	_ =	shalt  }
.Lfunc_end0:
.L_simem_size_0:
called_computation_lowered:
.L_overlay_start_0:
0x88: {  	s2 =	sld [smem:$0x3FD9]  }
0x89: {  	s3 =	sld [smem:$0x3FFE];
	_ =	sdelay $0x1  }
0x8a: {  	s1 =	srdreg.scid  }
0x8b: {  	s0 =	sand.u32 $0x1, s1  }
0x8c: {  	s17 =	sshll.u32 s0, $0xA;
	s2 =	sadd.s32 s3, s2  }
0x8d: {  	s2 =	sadd.s32 s2, s17  }
0x8e: {  	[smem:$0x3FC6] =	sst s2  }
0x8f: {  	_ = 	snop  }
0x90: {  	s2 =	sld [smem:$0x3FC9]  }
0x91: {  	s18 =	sld [smem:$0x3FC8];
	(tm) =	ssettm $0x1  }
0x92: {  	s4 =	sld [smem:$0x3FFB];
	_ =	sdelay $0x3  }
0x93: {  	_ =	strace s4  }
0x94: {  	s4 =	sld [smem:$0x3FFC];
	_ =	sdelay $0x3  }
0x95: {  	_ =	strace s4  }
0x96: {  	s4 =	sld [smem:$0x3FFD];
	_ =	sdelay $0x3  }
0x97: {  	_ =	strace s4  }
0x98: {  	_ =	strace $0x8FFFFFFF  }
0x99: {  	s19 =	sld [smem:$0x3FDB];
	_ =	sdelay $0x1  }
0x9a: {  	s5 =	simm.s32 $_scs_section_size  }
0x9b: {  	s6 =	simm.s32 $_size__tile_overlayer_lowered;
	s7 =	simm.s32 $_tile_overlayer_lowered  }
0x9c: {  	s22 =	simm.s32 $0x1BFF;
	s21 =	sshll.u32 s7, $0x1;
	s4 =	sadd.s32 s5, s19  }
0x9d: {  	s8 =	simm.s32 $0x0;
	s20 =	sshll.u32 s6, $0x1;
	s6 =	sadd.s32 s21, s4  }
0x9e: {  	[timem:s8], [sflag:s22] =	dma.local [hbm:s6], s20  }
0x9f: {  	_ =	swait.ge [sflag:s22], s20  }
0xa0: {  	s5 =	ssub.s32 $0x0, s20;
	[sflag:s22] =	ssyncset.done $0x0  }
0xa1: {  	[sflag:s22] =	ssyncadd.s32 s5;
	_ =	sdelay $0x1  }
0xa2: {  	s23 =	simm.s32 $0x1B8B  }
0xa3: {  	_ =	swait.ge [sflag:s23], $0x1  }
0xa4: {  	[sflag:s23] =	ssyncset.done $0x0  }
0xa5: {  	s25 =	simm.s32 $0x1B8E;
	s24 =	sld [smem:$0x3FFE];
	[sflag:s23] =	ssyncadd.s32 $0xFFFFFFFF  }
0xa6: {  	s26 =	simm.s32 $execute0_lowered;
	[smem:$0x3FD2] =	sst s25  }
0xa7: {  	s6 =	sshll.u32 s26, $0x1;
	_ =	strace $0x80000046;
	[dreg:$0x1] =	wrdreg $0xFFFFFFFF  }
0xa8: {  	s28 =	simm.s32 $_size_execute0_lowered;
	s4 =	sadd.s32 s4, s6;
	[dreg:$0x0] =	wrdreg $0x0  }
0xa9: {  	s6 =	sshll.u32 s28, $0x1;
	[dreg:$0x2] =	wrdreg s4  }
0xaa: {  	[dreg:$0x3] =	wrdreg s6  }
0xab: {  	[dreg:$0x4] =	wrdreg $0xC0  }
0xac: {  	_ =	task [dreg:s8], $0x5FFFF  }
0xad: {  	[dreg:$0x1] =	wrdreg $0xFFFFFFFF  }
0xae: {  	[dreg:$0x0] =	wrdreg $0x60  }
0xaf: {  	[dreg:$0x2] =	wrdreg s2  }
0xb0: {  	[dreg:$0x3] =	wrdreg s18  }
0xb1: {  	[dreg:$0x4] =	wrdreg s24  }
0xb2: {  	[dreg:$0x5] =	wrdreg $0x9  }
0xb3: {  	_ =	task.clear_ibuf [dreg:s8], $0x6FFFF;
	_ =	strace $0x90000046  }
0xb4: {  	s29 =	simm.s32 $0x9;
	_ =	strace $0x80000048  }
0xb5: {  	_ =	swait.ge [sflag:s29], $0x1  }
0xb6: {  	[sflag:s29] =	ssyncadd.s32 $0xFFFFFFFF  }
0xb7: {  	_ =	strace $0x90000048  }
0xb8: {  	_ =	sfence  }
0xb9: {  	s30 =	sld [smem:$0x0];
	_ =	sdelay $0x2  }
0xba: {  	s31 =	sshll.u32 s1, $0xD;
	s1 =	sshrl.u32 s1, $0x2  }
0xbb: {  	s3 =	sand.u32 $0x4000, s31;
	s1 =	sadd.s32 s1, s30  }
0xbc: {  	s0 =	sor.u32 s3, s0;
	s1 =	sshll.u32 s1, $0x11  }
0xbd: {  	s0 =	sor.u32 s1, s0  }
0xbe: {  	s0 =	sadd.s32 $0x8F2B, s0  }
0xbf: {  	[sflag:s0] =	ssyncadd.remote.s32 $0x1  }
0xc0: {  	_ =	sfence.sel $0xFFFF  }
0xc1: {  	[dreg:$0x0] =	wrdreg $0xFFFFFFFF;
	(pc) =	sbr.abs _section_cstart, $3  }
0xc2: {  	[dreg:$0x1] =	wrdreg $0xFFFFFFFF  }
0xc3: {  	_ =	task.clear_ibuf [dreg:s8], $0x2FFFF;
	_ =	strace $0x9FFFFFFF  }
0xc4: {  	(tm) =	ssettm $0x7FFFFFFF  }
0xc5: {  	_ =	shalt  }
tec
execute0_lowered:
.L_overlay_start_1:
0x0: {  	(tag) =	ssettag $0x1  }
0x1: {  	s1 =	rddreg [dreg:$0x0]  }
0x2: {  	s3 =	rddreg [dreg:$0x1]  }
0x3: {  	s2 =	srdreg.scid;
	s0 =	stileid.u32  }
0x4: {  	s5 =	rddreg [dreg:$0x2];
	s4 =	simm.s32 $0x0;
	s14 =	simm.s32 $0x5  }
0x5: {  	s15 =	simm.s32 $0xC8;
	s16 =	simm.s32 $0x200;
	s17 =	simm.s32 $0x100  }
0x6: {  	s18 =	simm.s32 $0x6600;
	s19 =	simm.s32 $0x1;
	s20 =	simm.s32 $0xCA00  }
0x7: {  	s21 =	simm.s32 $0x2;
	s22 =	simm.s32 $0x12E00;
	s23 =	simm.s32 $0x3  }
0x8: {  	s24 =	simm.s32 $0x4;
	s6 =	sand.u32 $0x1, s2;
	s7 =	sshll.u32 s0, $0x1  }
0x9: {  	s25 =	simm.s32 $0x0;
	s2 =	rddreg [dreg:$0x3];
	s7 =	sor.u32 s6, s7  }
0xa: {  	[smem:$0x7FF] =	sst s4;
	s6 =	ssub.s32 $0x2, s6;
	s8 =	smul.u32 $0xC80, s7  }
0xb: {  	s5 =	sadd.s32 $0x400, s5;
	s9 =	sshrl.u32 s6, $0x1;
	s10 =	smul.u32 $0x320000, s7  }
0xc: {  	_ =	strace $0x80000047;
	s7 =	sshll.u32 s7, $0x7;
	s13 =	ssub.s32 s6, s9  }
0xd: {  	s9 =	sor.u32 $0x2, s7;
	s6 =	sadd.s32 s1, s8;
	s11 =	sshrl.u32 s10, $0x3  }
0xe: {  	s10 =	sor.u32 $0x3, s7;
	s13 =	smax.u32 s13, $0x1;
	s12 =	sadd.s32 s5, s11  }
0xf: {  	s8 =	sadd.s32 $0x19, s6;
	s11 =	sadd.s32 $0x62700, s12;
	s12 =	sadd.s32 $0x63380, s12  }
.LBB2_1:
0x10: {  	[tilespmem:s4], [sflag:$0x5] =	stream.linear.gather [hbm4b:s6+s4], $0xC8, $0x38;
	[tilespmem:$0x19200] =	vst v63  }
0x11: {  	_ =	swait.ge [sflag:s14], $0xC8  }
0x12: {  	[sflag:s14] =	ssyncset.done $0x0  }
0x13: {  	[sflag:s14] =	ssyncadd.s32 $0xFFFFFF38  }
0x14: {  	[tilespmem:s16], [sflag:$0x1] =	stream.indirect.gather [hbm4b:s3+s15], $0x80, s4, s15, $0xb8;
	[tilespmem:$0x19200] =	vst v63  }
0x15: {  	_ = 	snop  }
0x16: {  	[tilespmem:s17], [sflag:$0x5] =	stream.linear.gather [hbm4b:s8+s4], $0xC8, $0x38;
	[tilespmem:$0x19200] =	vst v63  }
0x17: {  	_ =	swait.ge [sflag:s14], $0xC8  }
0x18: {  	[sflag:s14] =	ssyncset.done $0x0  }
0x19: {  	s26 =	simm.s32 $0x0;
	[sflag:s14] =	ssyncadd.s32 $0xFFFFFF38  }
0x1a: {  	[tilespmem:s18], [sflag:$0x2] =	stream.indirect.gather [hbm4b:s3+s15], $0x80, s17, s15, $0xb8;
	[tilespmem:$0x19200] =	vst v63  }
.LBB2_2:
0x1b: {  	s28 =	sshll.u32 s26, $0x1  }
0x1c: {  	s29 =	sadd.s32 s28, s9  }
0x1d: {  	_ =	swait.ge [sflag:s19], $0x6400;
	s29 =	smul.u32 $0x19, s29  }
0x1e: {  	[sflag:s19] =	ssyncset.done $0x0  }
0x1f: {  	[sflag:s19] =	ssyncadd.s32 $0xFFFF9C00;
	s29 =	sadd.s32 s1, s29  }
0x20: {  	[tilespmem:s4], [sflag:$0x5] =	stream.linear.gather [hbm4b:s29+s4], $0xC8, $0x38;
	[tilespmem:$0x19200] =	vst v63  }
0x21: {  	_ =	swait.ge [sflag:s14], $0xC8  }
0x22: {  	p0 =	seq.s32 s26, $0x0;
	[sflag:s14] =	ssyncset.done $0x0  }
0x23: {  	s29 =	simm.s32 @!p0 $0x3;
	[sflag:s14] =	ssyncadd.s32 $0xFFFFFF38  }
0x24: {  	_ =	swait.ge @!p0 [sflag:s29], $0x6400  }
0x25: {  	[sflag:s29] =	ssyncset.done @!p0 $0x0  }
0x26: {  	[sflag:s29] =	ssyncadd.s32 @!p0 $0xFFFF9C00;
	s29 =	simm.s32 $0x0  }
0x27: {  	v0 =	vld [tilespmem:s29+$0x5B0]  }
0x28: {  	v1 =	vld [tilespmem:s29+$0x200];
	_ =	sdelay $0x1  }
0x29: {  	v2 =	vld [tilespmem:s29+$0x210]  }
0x2a: {  	v3 =	vld [tilespmem:s29+$0x220]  }
0x2b: {  	v4 =	vld [tilespmem:s29+$0x230];
	v0 =	vmul.f32 $1.250000000e-01, v0  }
0x2c: {  	v5 =	vld [tilespmem:s29+$0x280];
	v1 =	vmul.f32 $1.250000000e-01, v1  }
0x2d: {  	v6 =	vld [tilespmem:s29+$0x290];
	[tilespmem:s29+$0xCDB0] =	vst v0  }
0x2e: {  	v0 =	vmul.f32 $1.250000000e-01, v2;
	[tilespmem:s29+$0xCA00] =	vst v1;
	v1 =	vld [tilespmem:s29+$0x2B0]  }
0x2f: {  	v7 =	vld [tilespmem:s29+$0x2A0];
	v2 =	vmul.f32 $1.250000000e-01, v3  }
0x30: {  	v3 =	vmul.f32 $1.250000000e-01, v4;
	[tilespmem:s29+$0xCA10] =	vst v0;
	v0 =	vld [tilespmem:s29+$0x300]  }
0x31: {  	v4 =	vmul.f32 $1.250000000e-01, v5;
	[tilespmem:s29+$0xCA20] =	vst v2;
	v2 =	vld [tilespmem:s29+$0x310]  }
0x32: {  	v5 =	vmul.f32 $1.250000000e-01, v6;
	[tilespmem:s29+$0xCA30] =	vst v3;
	v3 =	vld [tilespmem:s29+$0x320]  }
0x33: {  	[tilespmem:s29+$0xCA80] =	vst v4;
	v4 =	vld [tilespmem:s29+$0x330];
	v1 =	vmul.f32 $1.250000000e-01, v1  }
0x34: {  	v6 =	vmul.f32 $1.250000000e-01, v7;
	[tilespmem:s29+$0xCA90] =	vst v5;
	v5 =	vld [tilespmem:s29+$0x380]  }
0x35: {  	v0 =	vmul.f32 $1.250000000e-01, v0;
	[tilespmem:s29+$0xCAB0] =	vst v1;
	v1 =	vld [tilespmem:s29+$0x3A0]  }
0x36: {  	[tilespmem:s29+$0xCAA0] =	vst v6;
	v6 =	vld [tilespmem:s29+$0x390];
	v2 =	vmul.f32 $1.250000000e-01, v2  }
0x37: {  	v3 =	vmul.f32 $1.250000000e-01, v3;
	[tilespmem:s29+$0xCB00] =	vst v0;
	v0 =	vld [tilespmem:s29+$0x3B0]  }
0x38: {  	v4 =	vmul.f32 $1.250000000e-01, v4;
	[tilespmem:s29+$0xCB10] =	vst v2;
	v2 =	vld [tilespmem:s29+$0x400]  }
0x39: {  	v5 =	vmul.f32 $1.250000000e-01, v5;
	[tilespmem:s29+$0xCB20] =	vst v3;
	v3 =	vld [tilespmem:s29+$0x410]  }
0x3a: {  	[tilespmem:s29+$0xCB30] =	vst v4;
	v4 =	vld [tilespmem:s29+$0x420];
	v1 =	vmul.f32 $1.250000000e-01, v1  }
0x3b: {  	v6 =	vmul.f32 $1.250000000e-01, v6;
	[tilespmem:s29+$0xCB80] =	vst v5;
	v5 =	vld [tilespmem:s29+$0x430]  }
0x3c: {  	v0 =	vmul.f32 $1.250000000e-01, v0;
	[tilespmem:s29+$0xCBA0] =	vst v1;
	v1 =	vld [tilespmem:s29+$0x490]  }
0x3d: {  	[tilespmem:s29+$0xCB90] =	vst v6;
	v6 =	vld [tilespmem:s29+$0x480];
	v2 =	vmul.f32 $1.250000000e-01, v2  }
0x3e: {  	[tilespmem:s29+$0xCBB0] =	vst v0;
	v0 =	vmul.f32 $1.250000000e-01, v3;
	v3 =	vld [tilespmem:s29+$0x4B0]  }
0x3f: {  	v7 =	vld [tilespmem:s29+$0x4A0];
	[tilespmem:s29+$0xCC00] =	vst v2;
	v2 =	vmul.f32 $1.250000000e-01, v4  }
0x40: {  	v4 =	vld [tilespmem:s29+$0x500];
	[tilespmem:s29+$0xCC10] =	vst v0;
	v0 =	vmul.f32 $1.250000000e-01, v5  }
0x41: {  	v8 =	vld [tilespmem:s29+$0x510];
	[tilespmem:s29+$0xCC20] =	vst v2;
	v5 =	vmul.f32 $1.250000000e-01, v1  }
0x42: {  	v2 =	vmul.f32 $1.250000000e-01, v6;
	[tilespmem:s29+$0xCC30] =	vst v0;
	v0 =	vld [tilespmem:s29+$0x520]  }
0x43: {  	v1 =	vld [tilespmem:s29+$0x530];
	[tilespmem:s29+$0xCC90] =	vst v5;
	v5 =	vmul.f32 $1.250000000e-01, v3  }
0x44: {  	v6 =	vmul.f32 $1.250000000e-01, v7;
	[tilespmem:s29+$0xCC80] =	vst v2;
	v2 =	vld [tilespmem:s29+$0x580]  }
0x45: {  	v3 =	vld [tilespmem:s29+$0x590];
	[tilespmem:s29+$0xCCB0] =	vst v5;
	v5 =	vmul.f32 $1.250000000e-01, v4  }
0x46: {  	s30 =	simm.s32 $0x400;
	s31 =	simm.s32 $0x2000;
	[tilespmem:s29+$0xCCA0] =	vst v6;
	v6 =	vmul.f32 $1.250000000e-01, v8;
	v4 =	vld [tilespmem:s29+$0x5A0]  }
.LBB2_3:
0x47: {  	p1 =	sne.s32 s31, $0x18000;
	v7 =	vld [tilespmem:s30+$0x5B0];
	[tilespmem:s29+$0xCD00] =	vst v5;
	v0 =	vmul.f32 $1.250000000e-01, v0  }
0x48: {  	v5 =	vld [tilespmem:s30+$0x200];
	[tilespmem:s29+$0xCD10] =	vst v6;
	v1 =	vmul.f32 $1.250000000e-01, v1  }
0x49: {  	v6 =	vld [tilespmem:s30+$0x210];
	[tilespmem:s29+$0xCD20] =	vst v0;
	v0 =	vmul.f32 $1.250000000e-01, v2  }
0x4a: {  	v2 =	vld [tilespmem:s30+$0x220];
	[tilespmem:s29+$0xCD30] =	vst v1;
	v1 =	vmul.f32 $1.250000000e-01, v3  }
0x4b: {  	v3 =	vld [tilespmem:s30+$0x230];
	[tilespmem:s29+$0xCD80] =	vst v0;
	v0 =	vmul.f32 $1.250000000e-01, v4  }
0x4c: {  	v4 =	vld [tilespmem:s30+$0x280];
	v7 =	vmul.f32 $1.250000000e-01, v7;
	[tilespmem:s29+$0xCD90] =	vst v1  }
0x4d: {  	v1 =	vmul.f32 $1.250000000e-01, v5;
	v5 =	vld [tilespmem:s30+$0x290];
	[tilespmem:s29+$0xCDA0] =	vst v0;
	s29 =	smov.u32 s30  }
0x4e: {  	v0 =	vmul.f32 $1.250000000e-01, v6;
	v6 =	vld [tilespmem:s29+$0x2A0];
	[tilespmem:s29+$0xCDB0] =	vst v7  }
0x4f: {  	[tilespmem:s29+$0xCA00] =	vst v1;
	v1 =	vmul.f32 $1.250000000e-01, v2;
	v2 =	vld [tilespmem:s29+$0x2B0]  }
0x50: {  	[tilespmem:s29+$0xCA10] =	vst v0;
	v0 =	vmul.f32 $1.250000000e-01, v3;
	v3 =	vld [tilespmem:s29+$0x300]  }
0x51: {  	[tilespmem:s29+$0xCA20] =	vst v1;
	v1 =	vmul.f32 $1.250000000e-01, v4;
	v4 =	vld [tilespmem:s29+$0x310]  }
0x52: {  	[tilespmem:s29+$0xCA30] =	vst v0;
	v0 =	vmul.f32 $1.250000000e-01, v5;
	v5 =	vld [tilespmem:s29+$0x320]  }
0x53: {  	[tilespmem:s29+$0xCA80] =	vst v1;
	v1 =	vmul.f32 $1.250000000e-01, v6;
	v6 =	vld [tilespmem:s29+$0x330]  }
0x54: {  	[tilespmem:s29+$0xCA90] =	vst v0;
	v0 =	vmul.f32 $1.250000000e-01, v2;
	v2 =	vld [tilespmem:s29+$0x380]  }
0x55: {  	[tilespmem:s29+$0xCAA0] =	vst v1;
	v1 =	vmul.f32 $1.250000000e-01, v3;
	v3 =	vld [tilespmem:s29+$0x390]  }
0x56: {  	[tilespmem:s29+$0xCAB0] =	vst v0;
	v0 =	vmul.f32 $1.250000000e-01, v4;
	v4 =	vld [tilespmem:s29+$0x3A0]  }
0x57: {  	[tilespmem:s29+$0xCB00] =	vst v1;
	v1 =	vmul.f32 $1.250000000e-01, v5;
	v5 =	vld [tilespmem:s29+$0x3B0]  }
0x58: {  	[tilespmem:s29+$0xCB10] =	vst v0;
	v0 =	vmul.f32 $1.250000000e-01, v6;
	v6 =	vld [tilespmem:s29+$0x400]  }
0x59: {  	[tilespmem:s29+$0xCB20] =	vst v1;
	v1 =	vmul.f32 $1.250000000e-01, v2;
	v2 =	vld [tilespmem:s29+$0x410]  }
0x5a: {  	[tilespmem:s29+$0xCB30] =	vst v0;
	v0 =	vmul.f32 $1.250000000e-01, v3;
	v3 =	vld [tilespmem:s29+$0x420]  }
0x5b: {  	[tilespmem:s29+$0xCB80] =	vst v1;
	v1 =	vmul.f32 $1.250000000e-01, v4;
	v4 =	vld [tilespmem:s29+$0x430]  }
0x5c: {  	[tilespmem:s29+$0xCB90] =	vst v0;
	v0 =	vmul.f32 $1.250000000e-01, v5;
	v5 =	vld [tilespmem:s29+$0x480]  }
0x5d: {  	[tilespmem:s29+$0xCBA0] =	vst v1;
	v1 =	vmul.f32 $1.250000000e-01, v6;
	v6 =	vld [tilespmem:s29+$0x490]  }
0x5e: {  	[tilespmem:s29+$0xCBB0] =	vst v0;
	v0 =	vmul.f32 $1.250000000e-01, v2;
	v2 =	vld [tilespmem:s29+$0x4A0]  }
0x5f: {  	[tilespmem:s29+$0xCC00] =	vst v1;
	v1 =	vmul.f32 $1.250000000e-01, v3;
	v3 =	vld [tilespmem:s29+$0x4B0]  }
0x60: {  	[tilespmem:s29+$0xCC10] =	vst v0;
	v0 =	vmul.f32 $1.250000000e-01, v4;
	v4 =	vld [tilespmem:s29+$0x500]  }
0x61: {  	[tilespmem:s29+$0xCC20] =	vst v1;
	v1 =	vmul.f32 $1.250000000e-01, v5;
	v7 =	vld [tilespmem:s29+$0x510]  }
.Ltmp0:
0x62: {  	[tilespmem:s29+$0xCC30] =	vst v0;
	v5 =	vmul.f32 $1.250000000e-01, v6;
	v0 =	vld [tilespmem:s29+$0x520];
	(pc) =	sbr.rel @p1 .LBB2_3-.Ltmp0, $4  }
0x63: {  	[tilespmem:s29+$0xCC80] =	vst v1;
	v6 =	vmul.f32 $1.250000000e-01, v2;
	v1 =	vld [tilespmem:s29+$0x530]  }
0x64: {  	[tilespmem:s29+$0xCC90] =	vst v5;
	v8 =	vmul.f32 $1.250000000e-01, v3;
	v2 =	vld [tilespmem:s29+$0x580]  }
0x65: {  	[tilespmem:s29+$0xCCA0] =	vst v6;
	v5 =	vmul.f32 $1.250000000e-01, v4;
	v3 =	vld [tilespmem:s29+$0x590]  }
0x66: {  	s30 =	sshra.s32 s31, $0x2;
	s31 =	sadd.s32 $0x1000, s31;
	[tilespmem:s29+$0xCCB0] =	vst v8;
	v6 =	vmul.f32 $1.250000000e-01, v7;
	v4 =	vld [tilespmem:s29+$0x5A0]  }
0x67: {  	v7 =	vld [tilespmem:s30+$0x5B0];
	[tilespmem:s29+$0xCD00] =	vst v5;
	v0 =	vmul.f32 $1.250000000e-01, v0  }
0x68: {  	v5 =	vld [tilespmem:s30+$0x200];
	[tilespmem:s29+$0xCD10] =	vst v6;
	v1 =	vmul.f32 $1.250000000e-01, v1  }
0x69: {  	v6 =	vld [tilespmem:s30+$0x210];
	[tilespmem:s29+$0xCD20] =	vst v0;
	v2 =	vmul.f32 $1.250000000e-01, v2  }
0x6a: {  	v0 =	vld [tilespmem:s30+$0x220];
	[tilespmem:s29+$0xCD30] =	vst v1;
	v3 =	vmul.f32 $1.250000000e-01, v3  }
0x6b: {  	v1 =	vld [tilespmem:s30+$0x230];
	[tilespmem:s29+$0xCD80] =	vst v2;
	v4 =	vmul.f32 $1.250000000e-01, v4  }
0x6c: {  	v2 =	vld [tilespmem:s30+$0x280];
	[tilespmem:s29+$0xCD90] =	vst v3;
	v7 =	vmul.f32 $1.250000000e-01, v7  }
0x6d: {  	v3 =	vld [tilespmem:s30+$0x290];
	[tilespmem:s29+$0xCDA0] =	vst v4;
	v4 =	vmul.f32 $1.250000000e-01, v5  }
0x6e: {  	v5 =	vld [tilespmem:s30+$0x2A0];
	[tilespmem:s30+$0xCDB0] =	vst v7;
	v6 =	vmul.f32 $1.250000000e-01, v6  }
0x6f: {  	[tilespmem:s30+$0xCA00] =	vst v4;
	v4 =	vld [tilespmem:s30+$0x2B0];
	v0 =	vmul.f32 $1.250000000e-01, v0  }
0x70: {  	[tilespmem:s30+$0xCA10] =	vst v6;
	v6 =	vld [tilespmem:s30+$0x300];
	v1 =	vmul.f32 $1.250000000e-01, v1  }
0x71: {  	[tilespmem:s30+$0xCA20] =	vst v0;
	v0 =	vld [tilespmem:s30+$0x310];
	v2 =	vmul.f32 $1.250000000e-01, v2  }
0x72: {  	[tilespmem:s30+$0xCA30] =	vst v1;
	v1 =	vld [tilespmem:s30+$0x320];
	v3 =	vmul.f32 $1.250000000e-01, v3  }
0x73: {  	[tilespmem:s30+$0xCA80] =	vst v2;
	v2 =	vld [tilespmem:s30+$0x330];
	v5 =	vmul.f32 $1.250000000e-01, v5  }
0x74: {  	[tilespmem:s30+$0xCA90] =	vst v3;
	v3 =	vld [tilespmem:s30+$0x380];
	v4 =	vmul.f32 $1.250000000e-01, v4  }
0x75: {  	[tilespmem:s30+$0xCAA0] =	vst v5;
	v5 =	vld [tilespmem:s30+$0x390];
	v6 =	vmul.f32 $1.250000000e-01, v6  }
0x76: {  	[tilespmem:s30+$0xCAB0] =	vst v4;
	v4 =	vld [tilespmem:s30+$0x3A0];
	v0 =	vmul.f32 $1.250000000e-01, v0  }
0x77: {  	[tilespmem:s30+$0xCB00] =	vst v6;
	v6 =	vld [tilespmem:s30+$0x3B0];
	v1 =	vmul.f32 $1.250000000e-01, v1  }
0x78: {  	[tilespmem:s30+$0xCB10] =	vst v0;
	v0 =	vld [tilespmem:s30+$0x400];
	v2 =	vmul.f32 $1.250000000e-01, v2  }
0x79: {  	[tilespmem:s30+$0xCB20] =	vst v1;
	v1 =	vld [tilespmem:s30+$0x410];
	v3 =	vmul.f32 $1.250000000e-01, v3  }
0x7a: {  	[tilespmem:s30+$0xCB30] =	vst v2;
	v2 =	vld [tilespmem:s30+$0x420];
	v5 =	vmul.f32 $1.250000000e-01, v5  }
0x7b: {  	[tilespmem:s30+$0xCB80] =	vst v3;
	v3 =	vld [tilespmem:s30+$0x430];
	v4 =	vmul.f32 $1.250000000e-01, v4  }
0x7c: {  	[tilespmem:s30+$0xCB90] =	vst v5;
	v5 =	vld [tilespmem:s30+$0x480];
	v6 =	vmul.f32 $1.250000000e-01, v6  }
0x7d: {  	[tilespmem:s30+$0xCBA0] =	vst v4;
	v4 =	vld [tilespmem:s30+$0x490];
	v0 =	vmul.f32 $1.250000000e-01, v0  }
0x7e: {  	[tilespmem:s30+$0xCBB0] =	vst v6;
	v6 =	vld [tilespmem:s30+$0x4A0];
	v1 =	vmul.f32 $1.250000000e-01, v1  }
0x7f: {  	[tilespmem:s30+$0xCC00] =	vst v0;
	v0 =	vld [tilespmem:s30+$0x4B0];
	v2 =	vmul.f32 $1.250000000e-01, v2  }
0x80: {  	[tilespmem:s30+$0xCC10] =	vst v1;
	v1 =	vld [tilespmem:s30+$0x500];
	v3 =	vmul.f32 $1.250000000e-01, v3  }
0x81: {  	[tilespmem:s30+$0xCC20] =	vst v2;
	v2 =	vld [tilespmem:s30+$0x510];
	v5 =	vmul.f32 $1.250000000e-01, v5  }
0x82: {  	[tilespmem:s30+$0xCC30] =	vst v3;
	v3 =	vld [tilespmem:s30+$0x520];
	v4 =	vmul.f32 $1.250000000e-01, v4  }
0x83: {  	[tilespmem:s30+$0xCC80] =	vst v5;
	v5 =	vld [tilespmem:s30+$0x530];
	v6 =	vmul.f32 $1.250000000e-01, v6  }
0x84: {  	[tilespmem:s30+$0xCC90] =	vst v4;
	v4 =	vld [tilespmem:s30+$0x580];
	v0 =	vmul.f32 $1.250000000e-01, v0  }
0x85: {  	[tilespmem:s30+$0xCCA0] =	vst v6;
	v6 =	vld [tilespmem:s30+$0x590];
	v1 =	vmul.f32 $1.250000000e-01, v1  }
0x86: {  	[tilespmem:s30+$0xCCB0] =	vst v0;
	v0 =	vmul.f32 $1.250000000e-01, v2;
	v2 =	vld [tilespmem:s30+$0x5A0]  }
0x87: {  	[tilespmem:s30+$0xCD00] =	vst v1;
	v1 =	vmul.f32 $1.250000000e-01, v3  }
0x88: {  	[tilespmem:s30+$0xCD10] =	vst v0;
	v0 =	vmul.f32 $1.250000000e-01, v5  }
0x89: {  	[tilespmem:s30+$0xCD20] =	vst v1;
	v1 =	vmul.f32 $1.250000000e-01, v4  }
0x8a: {  	s29 =	sadd.s32 s7, s28;
	[tilespmem:s30+$0xCD30] =	vst v0;
	v0 =	vmul.f32 $1.250000000e-01, v6  }
0x8b: {  	s29 =	smul.u32 $0xC80, s29;
	[tilespmem:s30+$0xCD80] =	vst v1;
	v1 =	vmul.f32 $1.250000000e-01, v2  }
0x8c: {  	[tilespmem:s30+$0xCD90] =	vst v0  }
0x8d: {  	s29 =	sadd.s32 s5, s29;
	[tilespmem:s30+$0xCDA0] =	vst v1  }
0x8e: {  	[hbm4b:s29+s4] =	stream.linear.scatter [tilespmem:s20], [sflag:$0x3], $0x6400, $0x38;
	[tilespmem:$0x19200] =	vst v63  }
0x8f: {  	s29 =	sadd.s32 s28, s10  }
0x90: {  	[tilespmem:s16], [sflag:$0x1] =	stream.indirect.gather [hbm4b:s3+s15], $0x80, s4, s15, $0xb8;
	[tilespmem:$0x19200] =	vst v63  }
0x91: {  	s29 =	smul.u32 $0x19, s29;
	_ =	swait.ge [sflag:s21], $0x6400  }
0x92: {  	[sflag:s21] =	ssyncset.done $0x0  }
0x93: {  	s29 =	sadd.s32 s1, s29;
	[sflag:s21] =	ssyncadd.s32 $0xFFFF9C00  }
0x94: {  	[tilespmem:s17], [sflag:$0x5] =	stream.linear.gather [hbm4b:s29+s4], $0xC8, $0x38;
	[tilespmem:$0x19200] =	vst v63  }
0x95: {  	_ =	swait.ge [sflag:s14], $0xC8  }
0x96: {  	[sflag:s14] =	ssyncset.done $0x0  }
0x97: {  	s29 =	simm.s32 @!p0 $0x4;
	[sflag:s14] =	ssyncadd.s32 $0xFFFFFF38  }
0x98: {  	_ =	swait.ge @!p0 [sflag:s29], $0x6400  }
0x99: {  	[sflag:s29] =	ssyncset.done @!p0 $0x0  }
0x9a: {  	[sflag:s29] =	ssyncadd.s32 @!p0 $0xFFFF9C00;
	s29 =	simm.s32 $0x0  }
0x9b: {  	v0 =	vld [tilespmem:s29+$0x69B0]  }
0x9c: {  	v1 =	vld [tilespmem:s29+$0x6600];
	_ =	sdelay $0x1  }
0x9d: {  	v2 =	vld [tilespmem:s29+$0x6610]  }
0x9e: {  	v3 =	vld [tilespmem:s29+$0x6620]  }
0x9f: {  	v4 =	vld [tilespmem:s29+$0x6630];
	v0 =	vmul.f32 $1.250000000e-01, v0  }
0xa0: {  	v5 =	vld [tilespmem:s29+$0x6680];
	v1 =	vmul.f32 $1.250000000e-01, v1  }
0xa1: {  	v6 =	vld [tilespmem:s29+$0x6690];
	[tilespmem:s29+$0x131B0] =	vst v0  }
0xa2: {  	v0 =	vmul.f32 $1.250000000e-01, v2;
	[tilespmem:s29+$0x12E00] =	vst v1;
	v1 =	vld [tilespmem:s29+$0x66B0]  }
0xa3: {  	v7 =	vld [tilespmem:s29+$0x66A0];
	v2 =	vmul.f32 $1.250000000e-01, v3  }
0xa4: {  	v3 =	vmul.f32 $1.250000000e-01, v4;
	[tilespmem:s29+$0x12E10] =	vst v0;
	v0 =	vld [tilespmem:s29+$0x6700]  }
0xa5: {  	v4 =	vmul.f32 $1.250000000e-01, v5;
	[tilespmem:s29+$0x12E20] =	vst v2;
	v2 =	vld [tilespmem:s29+$0x6710]  }
0xa6: {  	v5 =	vmul.f32 $1.250000000e-01, v6;
	[tilespmem:s29+$0x12E30] =	vst v3;
	v3 =	vld [tilespmem:s29+$0x6720]  }
0xa7: {  	[tilespmem:s29+$0x12E80] =	vst v4;
	v4 =	vld [tilespmem:s29+$0x6730];
	v1 =	vmul.f32 $1.250000000e-01, v1  }
0xa8: {  	v6 =	vmul.f32 $1.250000000e-01, v7;
	[tilespmem:s29+$0x12E90] =	vst v5;
	v5 =	vld [tilespmem:s29+$0x6780]  }
0xa9: {  	v0 =	vmul.f32 $1.250000000e-01, v0;
	[tilespmem:s29+$0x12EB0] =	vst v1;
	v1 =	vld [tilespmem:s29+$0x67A0]  }
0xaa: {  	[tilespmem:s29+$0x12EA0] =	vst v6;
	v6 =	vld [tilespmem:s29+$0x6790];
	v2 =	vmul.f32 $1.250000000e-01, v2  }
0xab: {  	v3 =	vmul.f32 $1.250000000e-01, v3;
	[tilespmem:s29+$0x12F00] =	vst v0;
	v0 =	vld [tilespmem:s29+$0x67B0]  }
0xac: {  	v4 =	vmul.f32 $1.250000000e-01, v4;
	[tilespmem:s29+$0x12F10] =	vst v2;
	v2 =	vld [tilespmem:s29+$0x6800]  }
0xad: {  	v5 =	vmul.f32 $1.250000000e-01, v5;
	[tilespmem:s29+$0x12F20] =	vst v3;
	v3 =	vld [tilespmem:s29+$0x6810]  }
0xae: {  	[tilespmem:s29+$0x12F30] =	vst v4;
	v4 =	vld [tilespmem:s29+$0x6820];
	v1 =	vmul.f32 $1.250000000e-01, v1  }
0xaf: {  	v6 =	vmul.f32 $1.250000000e-01, v6;
	[tilespmem:s29+$0x12F80] =	vst v5;
	v5 =	vld [tilespmem:s29+$0x6830]  }
0xb0: {  	v0 =	vmul.f32 $1.250000000e-01, v0;
	[tilespmem:s29+$0x12FA0] =	vst v1;
	v1 =	vld [tilespmem:s29+$0x6890]  }
0xb1: {  	[tilespmem:s29+$0x12F90] =	vst v6;
	v6 =	vld [tilespmem:s29+$0x6880];
	v2 =	vmul.f32 $1.250000000e-01, v2  }
0xb2: {  	[tilespmem:s29+$0x12FB0] =	vst v0;
	v0 =	vmul.f32 $1.250000000e-01, v3;
	v3 =	vld [tilespmem:s29+$0x68B0]  }
0xb3: {  	v7 =	vld [tilespmem:s29+$0x68A0];
	[tilespmem:s29+$0x13000] =	vst v2;
	v2 =	vmul.f32 $1.250000000e-01, v4  }
0xb4: {  	v4 =	vld [tilespmem:s29+$0x6900];
	[tilespmem:s29+$0x13010] =	vst v0;
	v0 =	vmul.f32 $1.250000000e-01, v5  }
0xb5: {  	v8 =	vld [tilespmem:s29+$0x6910];
	[tilespmem:s29+$0x13020] =	vst v2;
	v5 =	vmul.f32 $1.250000000e-01, v1  }
0xb6: {  	v2 =	vmul.f32 $1.250000000e-01, v6;
	[tilespmem:s29+$0x13030] =	vst v0;
	v0 =	vld [tilespmem:s29+$0x6920]  }
0xb7: {  	v1 =	vld [tilespmem:s29+$0x6930];
	[tilespmem:s29+$0x13090] =	vst v5;
	v5 =	vmul.f32 $1.250000000e-01, v3  }
0xb8: {  	v6 =	vmul.f32 $1.250000000e-01, v7;
	[tilespmem:s29+$0x13080] =	vst v2;
	v2 =	vld [tilespmem:s29+$0x6980]  }
0xb9: {  	v3 =	vld [tilespmem:s29+$0x6990];
	[tilespmem:s29+$0x130B0] =	vst v5;
	v5 =	vmul.f32 $1.250000000e-01, v4  }
0xba: {  	s31 =	simm.s32 $0x2000;
	s30 =	simm.s32 $0x400;
	s28 =	sor.u32 $0x1, s28;
	[tilespmem:s29+$0x130A0] =	vst v6;
	v6 =	vmul.f32 $1.250000000e-01, v8;
	v4 =	vld [tilespmem:s29+$0x69A0]  }
.LBB2_5:
0xbb: {  	p0 =	sne.s32 s31, $0x18000;
	v7 =	vld [tilespmem:s30+$0x69B0];
	[tilespmem:s29+$0x13100] =	vst v5;
	v0 =	vmul.f32 $1.250000000e-01, v0  }
0xbc: {  	v5 =	vld [tilespmem:s30+$0x6600];
	[tilespmem:s29+$0x13110] =	vst v6;
	v1 =	vmul.f32 $1.250000000e-01, v1  }
0xbd: {  	v6 =	vld [tilespmem:s30+$0x6610];
	[tilespmem:s29+$0x13120] =	vst v0;
	v0 =	vmul.f32 $1.250000000e-01, v2  }
0xbe: {  	v2 =	vld [tilespmem:s30+$0x6620];
	[tilespmem:s29+$0x13130] =	vst v1;
	v1 =	vmul.f32 $1.250000000e-01, v3  }
0xbf: {  	v3 =	vld [tilespmem:s30+$0x6630];
	[tilespmem:s29+$0x13180] =	vst v0;
	v0 =	vmul.f32 $1.250000000e-01, v4  }
0xc0: {  	v4 =	vld [tilespmem:s30+$0x6680];
	v7 =	vmul.f32 $1.250000000e-01, v7;
	[tilespmem:s29+$0x13190] =	vst v1  }
0xc1: {  	v1 =	vmul.f32 $1.250000000e-01, v5;
	v5 =	vld [tilespmem:s30+$0x6690];
	[tilespmem:s29+$0x131A0] =	vst v0;
	s29 =	smov.u32 s30  }
0xc2: {  	v0 =	vmul.f32 $1.250000000e-01, v6;
	v6 =	vld [tilespmem:s29+$0x66A0];
	[tilespmem:s29+$0x131B0] =	vst v7  }
0xc3: {  	[tilespmem:s29+$0x12E00] =	vst v1;
	v1 =	vmul.f32 $1.250000000e-01, v2;
	v2 =	vld [tilespmem:s29+$0x66B0]  }
0xc4: {  	[tilespmem:s29+$0x12E10] =	vst v0;
	v0 =	vmul.f32 $1.250000000e-01, v3;
	v3 =	vld [tilespmem:s29+$0x6700]  }
0xc5: {  	[tilespmem:s29+$0x12E20] =	vst v1;
	v1 =	vmul.f32 $1.250000000e-01, v4;
	v4 =	vld [tilespmem:s29+$0x6710]  }
0xc6: {  	[tilespmem:s29+$0x12E30] =	vst v0;
	v0 =	vmul.f32 $1.250000000e-01, v5;
	v5 =	vld [tilespmem:s29+$0x6720]  }
0xc7: {  	[tilespmem:s29+$0x12E80] =	vst v1;
	v1 =	vmul.f32 $1.250000000e-01, v6;
	v6 =	vld [tilespmem:s29+$0x6730]  }
0xc8: {  	[tilespmem:s29+$0x12E90] =	vst v0;
	v0 =	vmul.f32 $1.250000000e-01, v2;
	v2 =	vld [tilespmem:s29+$0x6780]  }
0xc9: {  	[tilespmem:s29+$0x12EA0] =	vst v1;
	v1 =	vmul.f32 $1.250000000e-01, v3;
	v3 =	vld [tilespmem:s29+$0x6790]  }
0xca: {  	[tilespmem:s29+$0x12EB0] =	vst v0;
	v0 =	vmul.f32 $1.250000000e-01, v4;
	v4 =	vld [tilespmem:s29+$0x67A0]  }
0xcb: {  	[tilespmem:s29+$0x12F00] =	vst v1;
	v1 =	vmul.f32 $1.250000000e-01, v5;
	v5 =	vld [tilespmem:s29+$0x67B0]  }
0xcc: {  	[tilespmem:s29+$0x12F10] =	vst v0;
	v0 =	vmul.f32 $1.250000000e-01, v6;
	v6 =	vld [tilespmem:s29+$0x6800]  }
0xcd: {  	[tilespmem:s29+$0x12F20] =	vst v1;
	v1 =	vmul.f32 $1.250000000e-01, v2;
	v2 =	vld [tilespmem:s29+$0x6810]  }
0xce: {  	[tilespmem:s29+$0x12F30] =	vst v0;
	v0 =	vmul.f32 $1.250000000e-01, v3;
	v3 =	vld [tilespmem:s29+$0x6820]  }
0xcf: {  	[tilespmem:s29+$0x12F80] =	vst v1;
	v1 =	vmul.f32 $1.250000000e-01, v4;
	v4 =	vld [tilespmem:s29+$0x6830]  }
0xd0: {  	[tilespmem:s29+$0x12F90] =	vst v0;
	v0 =	vmul.f32 $1.250000000e-01, v5;
	v5 =	vld [tilespmem:s29+$0x6880]  }
0xd1: {  	[tilespmem:s29+$0x12FA0] =	vst v1;
	v1 =	vmul.f32 $1.250000000e-01, v6;
	v6 =	vld [tilespmem:s29+$0x6890]  }
0xd2: {  	[tilespmem:s29+$0x12FB0] =	vst v0;
	v0 =	vmul.f32 $1.250000000e-01, v2;
	v2 =	vld [tilespmem:s29+$0x68A0]  }
0xd3: {  	[tilespmem:s29+$0x13000] =	vst v1;
	v1 =	vmul.f32 $1.250000000e-01, v3;
	v3 =	vld [tilespmem:s29+$0x68B0]  }
0xd4: {  	[tilespmem:s29+$0x13010] =	vst v0;
	v0 =	vmul.f32 $1.250000000e-01, v4;
	v4 =	vld [tilespmem:s29+$0x6900]  }
0xd5: {  	[tilespmem:s29+$0x13020] =	vst v1;
	v1 =	vmul.f32 $1.250000000e-01, v5;
	v7 =	vld [tilespmem:s29+$0x6910]  }
.Ltmp1:
0xd6: {  	[tilespmem:s29+$0x13030] =	vst v0;
	v5 =	vmul.f32 $1.250000000e-01, v6;
	v0 =	vld [tilespmem:s29+$0x6920];
	(pc) =	sbr.rel @p0 .LBB2_5-.Ltmp1, $4  }
0xd7: {  	[tilespmem:s29+$0x13080] =	vst v1;
	v6 =	vmul.f32 $1.250000000e-01, v2;
	v1 =	vld [tilespmem:s29+$0x6930]  }
0xd8: {  	[tilespmem:s29+$0x13090] =	vst v5;
	v8 =	vmul.f32 $1.250000000e-01, v3;
	v2 =	vld [tilespmem:s29+$0x6980]  }
0xd9: {  	[tilespmem:s29+$0x130A0] =	vst v6;
	v5 =	vmul.f32 $1.250000000e-01, v4;
	v3 =	vld [tilespmem:s29+$0x6990]  }
0xda: {  	s30 =	sshra.s32 s31, $0x2;
	s31 =	sadd.s32 $0x1000, s31;
	[tilespmem:s29+$0x130B0] =	vst v8;
	v6 =	vmul.f32 $1.250000000e-01, v7;
	v4 =	vld [tilespmem:s29+$0x69A0]  }
0xdb: {  	v7 =	vld [tilespmem:s30+$0x69B0];
	[tilespmem:s29+$0x13100] =	vst v5;
	v0 =	vmul.f32 $1.250000000e-01, v0  }
0xdc: {  	v5 =	vld [tilespmem:s30+$0x6600];
	[tilespmem:s29+$0x13110] =	vst v6;
	v1 =	vmul.f32 $1.250000000e-01, v1  }
0xdd: {  	v6 =	vld [tilespmem:s30+$0x6610];
	[tilespmem:s29+$0x13120] =	vst v0;
	v2 =	vmul.f32 $1.250000000e-01, v2  }
0xde: {  	v0 =	vld [tilespmem:s30+$0x6620];
	[tilespmem:s29+$0x13130] =	vst v1;
	v3 =	vmul.f32 $1.250000000e-01, v3  }
0xdf: {  	v1 =	vld [tilespmem:s30+$0x6630];
	[tilespmem:s29+$0x13180] =	vst v2;
	v4 =	vmul.f32 $1.250000000e-01, v4  }
0xe0: {  	v2 =	vld [tilespmem:s30+$0x6680];
	[tilespmem:s29+$0x13190] =	vst v3;
	v7 =	vmul.f32 $1.250000000e-01, v7  }
0xe1: {  	v3 =	vld [tilespmem:s30+$0x6690];
	[tilespmem:s29+$0x131A0] =	vst v4;
	v32 =	vmul.f32 $1.250000000e-01, v5  }
0xe2: {  	v33 =	vld [tilespmem:s30+$0x66A0];
	[tilespmem:s30+$0x131B0] =	vst v7;
	v6 =	vmul.f32 $1.250000000e-01, v6  }
0xe3: {  	v34 =	vld [tilespmem:s30+$0x66B0];
	[tilespmem:s30+$0x12E00] =	vst v32;
	v0 =	vmul.f32 $1.250000000e-01, v0  }
0xe4: {  	v35 =	vld [tilespmem:s30+$0x6700];
	[tilespmem:s30+$0x12E10] =	vst v6;
	v1 =	vmul.f32 $1.250000000e-01, v1  }
0xe5: {  	v36 =	vld [tilespmem:s30+$0x6710];
	[tilespmem:s30+$0x12E20] =	vst v0;
	v2 =	vmul.f32 $1.250000000e-01, v2  }
0xe6: {  	v37 =	vld [tilespmem:s30+$0x6720];
	[tilespmem:s30+$0x12E30] =	vst v1;
	v3 =	vmul.f32 $1.250000000e-01, v3  }
0xe7: {  	v38 =	vld [tilespmem:s30+$0x6730];
	[tilespmem:s30+$0x12E80] =	vst v2;
	v5 =	vmul.f32 $1.250000000e-01, v33  }
0xe8: {  	v52 =	vld [tilespmem:s30+$0x6910];
	v4 =	vmul.f32 $1.250000000e-01, v34;
	[tilespmem:s30+$0x12E90] =	vst v3  }
0xe9: {  	v53 =	vld [tilespmem:s30+$0x6920];
	v6 =	vmul.f32 $1.250000000e-01, v35;
	[tilespmem:s30+$0x12EA0] =	vst v5  }
0xea: {  	v54 =	vld [tilespmem:s30+$0x6930];
	v0 =	vmul.f32 $1.250000000e-01, v36;
	[tilespmem:s30+$0x12EB0] =	vst v4  }
0xeb: {  	v55 =	vld [tilespmem:s30+$0x6980];
	v1 =	vmul.f32 $1.250000000e-01, v37;
	[tilespmem:s30+$0x12F00] =	vst v6  }
0xec: {  	v56 =	vld [tilespmem:s30+$0x6990];
	v2 =	vmul.f32 $1.250000000e-01, v38;
	[tilespmem:s30+$0x12F10] =	vst v0  }
0xed: {  	v58 =	vld [tilespmem:s30+$0x69A0];
	v57 =	vmul.f32 $1.250000000e-01, v52;
	[tilespmem:s30+$0x12F20] =	vst v1  }
0xee: {  	v39 =	vld [tilespmem:s30+$0x6780];
	v59 =	vmul.f32 $1.250000000e-01, v53;
	[tilespmem:s30+$0x12F30] =	vst v2  }
0xef: {  	v40 =	vld [tilespmem:s30+$0x6790];
	v60 =	vmul.f32 $1.250000000e-01, v54;
	[tilespmem:s30+$0x13110] =	vst v57  }
0xf0: {  	v41 =	vld [tilespmem:s30+$0x67A0];
	v61 =	vmul.f32 $1.250000000e-01, v55;
	[tilespmem:s30+$0x13120] =	vst v59  }
0xf1: {  	v42 =	vld [tilespmem:s30+$0x67B0];
	v62 =	vmul.f32 $1.250000000e-01, v56;
	[tilespmem:s30+$0x13130] =	vst v60  }
0xf2: {  	v43 =	vld [tilespmem:s30+$0x6800];
	v63 =	vmul.f32 $1.250000000e-01, v58;
	[tilespmem:s30+$0x13180] =	vst v61  }
0xf3: {  	v44 =	vld [tilespmem:s30+$0x6810];
	v3 =	vmul.f32 $1.250000000e-01, v39;
	[tilespmem:s30+$0x13190] =	vst v62  }
0xf4: {  	v45 =	vld [tilespmem:s30+$0x6820];
	v5 =	vmul.f32 $1.250000000e-01, v40;
	[tilespmem:s30+$0x131A0] =	vst v63  }
0xf5: {  	v46 =	vld [tilespmem:s30+$0x6830];
	v4 =	vmul.f32 $1.250000000e-01, v41;
	[tilespmem:s30+$0x12F80] =	vst v3  }
0xf6: {  	v47 =	vld [tilespmem:s30+$0x6880];
	v6 =	vmul.f32 $1.250000000e-01, v42;
	[tilespmem:s30+$0x12F90] =	vst v5  }
0xf7: {  	v48 =	vld [tilespmem:s30+$0x6890];
	v0 =	vmul.f32 $1.250000000e-01, v43;
	[tilespmem:s30+$0x12FA0] =	vst v4  }
0xf8: {  	v49 =	vld [tilespmem:s30+$0x68A0];
	v1 =	vmul.f32 $1.250000000e-01, v44;
	[tilespmem:s30+$0x12FB0] =	vst v6  }
0xf9: {  	v50 =	vld [tilespmem:s30+$0x68B0];
	v2 =	vmul.f32 $1.250000000e-01, v45;
	[tilespmem:s30+$0x13000] =	vst v0  }
0xfa: {  	v51 =	vld [tilespmem:s30+$0x6900];
	v3 =	vmul.f32 $1.250000000e-01, v46;
	[tilespmem:s30+$0x13010] =	vst v1  }
0xfb: {  	[tilespmem:s30+$0x13020] =	vst v2;
	v5 =	vmul.f32 $1.250000000e-01, v47  }
0xfc: {  	v4 =	vmul.f32 $1.250000000e-01, v48;
	[tilespmem:s30+$0x13030] =	vst v3  }
0xfd: {  	v6 =	vmul.f32 $1.250000000e-01, v49;
	[tilespmem:s30+$0x13080] =	vst v5  }
0xfe: {  	s28 =	sadd.s32 s7, s28;
	s26 =	sadd.s32 $0x1, s26;
	v0 =	vmul.f32 $1.250000000e-01, v50;
	[tilespmem:s30+$0x13090] =	vst v4  }
0xff: {  	s28 =	smul.u32 $0xC80, s28;
	p0 =	sne.s32 s26, $0x3F;
	v1 =	vmul.f32 $1.250000000e-01, v51;
	[tilespmem:s30+$0x130A0] =	vst v6  }
.Ltmp2:
0x100: {  	[tilespmem:s30+$0x130B0] =	vst v0;
	(pc) =	sbr.rel @p0 .LBB2_2-.Ltmp2, $4  }
0x101: {  	s28 =	sadd.s32 s5, s28;
	[tilespmem:s30+$0x13100] =	vst v1  }
0x102: {  	[hbm4b:s28+s4] =	stream.linear.scatter [tilespmem:s22], [sflag:$0x4], $0x6400, $0x38;
	[tilespmem:$0x19200] =	vst v63  }
0x103: {  	_ = 	snop  }
0x104: {  	[tilespmem:s18], [sflag:$0x2] =	stream.indirect.gather [hbm4b:s3+s15], $0x80, s17, s15, $0xb8;
	[tilespmem:$0x19200] =	vst v63  }
0x105: {  	_ =	swait.ge [sflag:s19], $0x6400  }
0x106: {  	[sflag:s19] =	ssyncset.done $0x0  }
0x107: {  	[sflag:s19] =	ssyncadd.s32 $0xFFFF9C00  }
0x108: {  	_ =	swait.ge [sflag:s23], $0x6400  }
0x109: {  	[sflag:s23] =	ssyncset.done $0x0  }
0x10a: {  	s26 =	simm.s32 $0x0;
	[sflag:s23] =	ssyncadd.s32 $0xFFFF9C00  }
0x10b: {  	v0 =	vld [tilespmem:s26+$0x5B0]  }
0x10c: {  	v1 =	vld [tilespmem:s26+$0x200];
	_ =	sdelay $0x1  }
0x10d: {  	v2 =	vld [tilespmem:s26+$0x210]  }
0x10e: {  	v3 =	vld [tilespmem:s26+$0x220]  }
0x10f: {  	v4 =	vld [tilespmem:s26+$0x230];
	v0 =	vmul.f32 $1.250000000e-01, v0  }
0x110: {  	v5 =	vld [tilespmem:s26+$0x280];
	v1 =	vmul.f32 $1.250000000e-01, v1  }
0x111: {  	v6 =	vld [tilespmem:s26+$0x290];
	[tilespmem:s26+$0xCDB0] =	vst v0  }
0x112: {  	v0 =	vmul.f32 $1.250000000e-01, v2;
	[tilespmem:s26+$0xCA00] =	vst v1;
	v1 =	vld [tilespmem:s26+$0x2B0]  }
0x113: {  	v7 =	vld [tilespmem:s26+$0x2A0];
	v2 =	vmul.f32 $1.250000000e-01, v3  }
0x114: {  	v3 =	vmul.f32 $1.250000000e-01, v4;
	[tilespmem:s26+$0xCA10] =	vst v0;
	v0 =	vld [tilespmem:s26+$0x300]  }
0x115: {  	v4 =	vmul.f32 $1.250000000e-01, v5;
	[tilespmem:s26+$0xCA20] =	vst v2;
	v2 =	vld [tilespmem:s26+$0x310]  }
0x116: {  	v5 =	vmul.f32 $1.250000000e-01, v6;
	[tilespmem:s26+$0xCA30] =	vst v3;
	v3 =	vld [tilespmem:s26+$0x320]  }
0x117: {  	[tilespmem:s26+$0xCA80] =	vst v4;
	v4 =	vld [tilespmem:s26+$0x330];
	v1 =	vmul.f32 $1.250000000e-01, v1  }
0x118: {  	v6 =	vmul.f32 $1.250000000e-01, v7;
	[tilespmem:s26+$0xCA90] =	vst v5;
	v5 =	vld [tilespmem:s26+$0x380]  }
0x119: {  	v0 =	vmul.f32 $1.250000000e-01, v0;
	[tilespmem:s26+$0xCAB0] =	vst v1;
	v1 =	vld [tilespmem:s26+$0x3A0]  }
0x11a: {  	[tilespmem:s26+$0xCAA0] =	vst v6;
	v6 =	vld [tilespmem:s26+$0x390];
	v2 =	vmul.f32 $1.250000000e-01, v2  }
0x11b: {  	v3 =	vmul.f32 $1.250000000e-01, v3;
	[tilespmem:s26+$0xCB00] =	vst v0;
	v0 =	vld [tilespmem:s26+$0x3B0]  }
0x11c: {  	v4 =	vmul.f32 $1.250000000e-01, v4;
	[tilespmem:s26+$0xCB10] =	vst v2;
	v2 =	vld [tilespmem:s26+$0x400]  }
0x11d: {  	v5 =	vmul.f32 $1.250000000e-01, v5;
	[tilespmem:s26+$0xCB20] =	vst v3;
	v3 =	vld [tilespmem:s26+$0x410]  }
0x11e: {  	[tilespmem:s26+$0xCB30] =	vst v4;
	v4 =	vld [tilespmem:s26+$0x420];
	v1 =	vmul.f32 $1.250000000e-01, v1  }
0x11f: {  	v6 =	vmul.f32 $1.250000000e-01, v6;
	[tilespmem:s26+$0xCB80] =	vst v5;
	v5 =	vld [tilespmem:s26+$0x430]  }
0x120: {  	v0 =	vmul.f32 $1.250000000e-01, v0;
	[tilespmem:s26+$0xCBA0] =	vst v1;
	v1 =	vld [tilespmem:s26+$0x490]  }
0x121: {  	[tilespmem:s26+$0xCB90] =	vst v6;
	v6 =	vld [tilespmem:s26+$0x480];
	v2 =	vmul.f32 $1.250000000e-01, v2  }
0x122: {  	[tilespmem:s26+$0xCBB0] =	vst v0;
	v0 =	vmul.f32 $1.250000000e-01, v3;
	v3 =	vld [tilespmem:s26+$0x4B0]  }
0x123: {  	v7 =	vld [tilespmem:s26+$0x4A0];
	[tilespmem:s26+$0xCC00] =	vst v2;
	v2 =	vmul.f32 $1.250000000e-01, v4  }
0x124: {  	v4 =	vld [tilespmem:s26+$0x500];
	[tilespmem:s26+$0xCC10] =	vst v0;
	v0 =	vmul.f32 $1.250000000e-01, v5  }
0x125: {  	v8 =	vld [tilespmem:s26+$0x510];
	[tilespmem:s26+$0xCC20] =	vst v2;
	v5 =	vmul.f32 $1.250000000e-01, v1  }
0x126: {  	v2 =	vmul.f32 $1.250000000e-01, v6;
	[tilespmem:s26+$0xCC30] =	vst v0;
	v0 =	vld [tilespmem:s26+$0x520]  }
0x127: {  	v1 =	vld [tilespmem:s26+$0x530];
	[tilespmem:s26+$0xCC90] =	vst v5;
	v5 =	vmul.f32 $1.250000000e-01, v3  }
0x128: {  	v6 =	vmul.f32 $1.250000000e-01, v7;
	[tilespmem:s26+$0xCC80] =	vst v2;
	v2 =	vld [tilespmem:s26+$0x580]  }
0x129: {  	v3 =	vld [tilespmem:s26+$0x590];
	[tilespmem:s26+$0xCCB0] =	vst v5;
	v5 =	vmul.f32 $1.250000000e-01, v4  }
0x12a: {  	s28 =	simm.s32 $0x400;
	s29 =	simm.s32 $0x2000;
	[tilespmem:s26+$0xCCA0] =	vst v6;
	v6 =	vmul.f32 $1.250000000e-01, v8;
	v4 =	vld [tilespmem:s26+$0x5A0]  }
.LBB2_8:
0x12b: {  	p0 =	sne.s32 s29, $0x18000;
	v7 =	vld [tilespmem:s28+$0x5B0];
	[tilespmem:s26+$0xCD00] =	vst v5;
	v0 =	vmul.f32 $1.250000000e-01, v0  }
0x12c: {  	v5 =	vld [tilespmem:s28+$0x200];
	[tilespmem:s26+$0xCD10] =	vst v6;
	v1 =	vmul.f32 $1.250000000e-01, v1  }
0x12d: {  	v6 =	vld [tilespmem:s28+$0x210];
	[tilespmem:s26+$0xCD20] =	vst v0;
	v0 =	vmul.f32 $1.250000000e-01, v2  }
0x12e: {  	v2 =	vld [tilespmem:s28+$0x220];
	[tilespmem:s26+$0xCD30] =	vst v1;
	v1 =	vmul.f32 $1.250000000e-01, v3  }
0x12f: {  	v3 =	vld [tilespmem:s28+$0x230];
	[tilespmem:s26+$0xCD80] =	vst v0;
	v0 =	vmul.f32 $1.250000000e-01, v4  }
0x130: {  	v4 =	vld [tilespmem:s28+$0x280];
	v7 =	vmul.f32 $1.250000000e-01, v7;
	[tilespmem:s26+$0xCD90] =	vst v1  }
0x131: {  	v1 =	vmul.f32 $1.250000000e-01, v5;
	v5 =	vld [tilespmem:s28+$0x290];
	[tilespmem:s26+$0xCDA0] =	vst v0;
	s26 =	smov.u32 s28  }
0x132: {  	v0 =	vmul.f32 $1.250000000e-01, v6;
	v6 =	vld [tilespmem:s26+$0x2A0];
	[tilespmem:s26+$0xCDB0] =	vst v7  }
0x133: {  	[tilespmem:s26+$0xCA00] =	vst v1;
	v1 =	vmul.f32 $1.250000000e-01, v2;
	v2 =	vld [tilespmem:s26+$0x2B0]  }
0x134: {  	[tilespmem:s26+$0xCA10] =	vst v0;
	v0 =	vmul.f32 $1.250000000e-01, v3;
	v3 =	vld [tilespmem:s26+$0x300]  }
0x135: {  	[tilespmem:s26+$0xCA20] =	vst v1;
	v1 =	vmul.f32 $1.250000000e-01, v4;
	v4 =	vld [tilespmem:s26+$0x310]  }
0x136: {  	[tilespmem:s26+$0xCA30] =	vst v0;
	v0 =	vmul.f32 $1.250000000e-01, v5;
	v5 =	vld [tilespmem:s26+$0x320]  }
0x137: {  	[tilespmem:s26+$0xCA80] =	vst v1;
	v1 =	vmul.f32 $1.250000000e-01, v6;
	v6 =	vld [tilespmem:s26+$0x330]  }
0x138: {  	[tilespmem:s26+$0xCA90] =	vst v0;
	v0 =	vmul.f32 $1.250000000e-01, v2;
	v2 =	vld [tilespmem:s26+$0x380]  }
0x139: {  	[tilespmem:s26+$0xCAA0] =	vst v1;
	v1 =	vmul.f32 $1.250000000e-01, v3;
	v3 =	vld [tilespmem:s26+$0x390]  }
0x13a: {  	[tilespmem:s26+$0xCAB0] =	vst v0;
	v0 =	vmul.f32 $1.250000000e-01, v4;
	v4 =	vld [tilespmem:s26+$0x3A0]  }
0x13b: {  	[tilespmem:s26+$0xCB00] =	vst v1;
	v1 =	vmul.f32 $1.250000000e-01, v5;
	v5 =	vld [tilespmem:s26+$0x3B0]  }
0x13c: {  	[tilespmem:s26+$0xCB10] =	vst v0;
	v0 =	vmul.f32 $1.250000000e-01, v6;
	v6 =	vld [tilespmem:s26+$0x400]  }
0x13d: {  	[tilespmem:s26+$0xCB20] =	vst v1;
	v1 =	vmul.f32 $1.250000000e-01, v2;
	v2 =	vld [tilespmem:s26+$0x410]  }
0x13e: {  	[tilespmem:s26+$0xCB30] =	vst v0;
	v0 =	vmul.f32 $1.250000000e-01, v3;
	v3 =	vld [tilespmem:s26+$0x420]  }
0x13f: {  	[tilespmem:s26+$0xCB80] =	vst v1;
	v1 =	vmul.f32 $1.250000000e-01, v4;
	v4 =	vld [tilespmem:s26+$0x430]  }
0x140: {  	[tilespmem:s26+$0xCB90] =	vst v0;
	v0 =	vmul.f32 $1.250000000e-01, v5;
	v5 =	vld [tilespmem:s26+$0x480]  }
0x141: {  	[tilespmem:s26+$0xCBA0] =	vst v1;
	v1 =	vmul.f32 $1.250000000e-01, v6;
	v6 =	vld [tilespmem:s26+$0x490]  }
0x142: {  	[tilespmem:s26+$0xCBB0] =	vst v0;
	v0 =	vmul.f32 $1.250000000e-01, v2;
	v2 =	vld [tilespmem:s26+$0x4A0]  }
0x143: {  	[tilespmem:s26+$0xCC00] =	vst v1;
	v1 =	vmul.f32 $1.250000000e-01, v3;
	v3 =	vld [tilespmem:s26+$0x4B0]  }
0x144: {  	[tilespmem:s26+$0xCC10] =	vst v0;
	v0 =	vmul.f32 $1.250000000e-01, v4;
	v4 =	vld [tilespmem:s26+$0x500]  }
0x145: {  	[tilespmem:s26+$0xCC20] =	vst v1;
	v1 =	vmul.f32 $1.250000000e-01, v5;
	v7 =	vld [tilespmem:s26+$0x510]  }
.Ltmp3:
0x146: {  	[tilespmem:s26+$0xCC30] =	vst v0;
	v5 =	vmul.f32 $1.250000000e-01, v6;
	v0 =	vld [tilespmem:s26+$0x520];
	(pc) =	sbr.rel @p0 .LBB2_8-.Ltmp3, $4  }
0x147: {  	[tilespmem:s26+$0xCC80] =	vst v1;
	v6 =	vmul.f32 $1.250000000e-01, v2;
	v1 =	vld [tilespmem:s26+$0x530]  }
0x148: {  	[tilespmem:s26+$0xCC90] =	vst v5;
	v8 =	vmul.f32 $1.250000000e-01, v3;
	v2 =	vld [tilespmem:s26+$0x580]  }
0x149: {  	[tilespmem:s26+$0xCCA0] =	vst v6;
	v5 =	vmul.f32 $1.250000000e-01, v4;
	v3 =	vld [tilespmem:s26+$0x590]  }
0x14a: {  	s28 =	sshra.s32 s29, $0x2;
	s29 =	sadd.s32 $0x1000, s29;
	[tilespmem:s26+$0xCCB0] =	vst v8;
	v6 =	vmul.f32 $1.250000000e-01, v7;
	v4 =	vld [tilespmem:s26+$0x5A0]  }
0x14b: {  	v7 =	vld [tilespmem:s28+$0x5B0];
	[tilespmem:s26+$0xCD00] =	vst v5;
	v0 =	vmul.f32 $1.250000000e-01, v0  }
0x14c: {  	v5 =	vld [tilespmem:s28+$0x200];
	[tilespmem:s26+$0xCD10] =	vst v6;
	v1 =	vmul.f32 $1.250000000e-01, v1  }
0x14d: {  	v6 =	vld [tilespmem:s28+$0x210];
	[tilespmem:s26+$0xCD20] =	vst v0;
	v2 =	vmul.f32 $1.250000000e-01, v2  }
0x14e: {  	v0 =	vld [tilespmem:s28+$0x220];
	[tilespmem:s26+$0xCD30] =	vst v1;
	v3 =	vmul.f32 $1.250000000e-01, v3  }
0x14f: {  	v1 =	vld [tilespmem:s28+$0x230];
	[tilespmem:s26+$0xCD80] =	vst v2;
	v4 =	vmul.f32 $1.250000000e-01, v4  }
0x150: {  	v2 =	vld [tilespmem:s28+$0x280];
	[tilespmem:s26+$0xCD90] =	vst v3;
	v7 =	vmul.f32 $1.250000000e-01, v7  }
0x151: {  	v3 =	vld [tilespmem:s28+$0x290];
	[tilespmem:s26+$0xCDA0] =	vst v4;
	v4 =	vmul.f32 $1.250000000e-01, v5  }
0x152: {  	v5 =	vld [tilespmem:s28+$0x2A0];
	[tilespmem:s28+$0xCDB0] =	vst v7;
	v6 =	vmul.f32 $1.250000000e-01, v6  }
0x153: {  	[tilespmem:s28+$0xCA00] =	vst v4;
	v4 =	vld [tilespmem:s28+$0x2B0];
	v0 =	vmul.f32 $1.250000000e-01, v0  }
0x154: {  	[tilespmem:s28+$0xCA10] =	vst v6;
	v6 =	vld [tilespmem:s28+$0x300];
	v1 =	vmul.f32 $1.250000000e-01, v1  }
0x155: {  	[tilespmem:s28+$0xCA20] =	vst v0;
	v0 =	vld [tilespmem:s28+$0x310];
	v2 =	vmul.f32 $1.250000000e-01, v2  }
0x156: {  	[tilespmem:s28+$0xCA30] =	vst v1;
	v1 =	vld [tilespmem:s28+$0x320];
	v3 =	vmul.f32 $1.250000000e-01, v3  }
0x157: {  	[tilespmem:s28+$0xCA80] =	vst v2;
	v2 =	vld [tilespmem:s28+$0x330];
	v5 =	vmul.f32 $1.250000000e-01, v5  }
0x158: {  	[tilespmem:s28+$0xCA90] =	vst v3;
	v3 =	vld [tilespmem:s28+$0x380];
	v4 =	vmul.f32 $1.250000000e-01, v4  }
0x159: {  	[tilespmem:s28+$0xCAA0] =	vst v5;
	v5 =	vld [tilespmem:s28+$0x390];
	v6 =	vmul.f32 $1.250000000e-01, v6  }
0x15a: {  	[tilespmem:s28+$0xCAB0] =	vst v4;
	v4 =	vld [tilespmem:s28+$0x3A0];
	v0 =	vmul.f32 $1.250000000e-01, v0  }
0x15b: {  	[tilespmem:s28+$0xCB00] =	vst v6;
	v6 =	vld [tilespmem:s28+$0x3B0];
	v1 =	vmul.f32 $1.250000000e-01, v1  }
0x15c: {  	[tilespmem:s28+$0xCB10] =	vst v0;
	v0 =	vld [tilespmem:s28+$0x400];
	v2 =	vmul.f32 $1.250000000e-01, v2  }
0x15d: {  	[tilespmem:s28+$0xCB20] =	vst v1;
	v1 =	vld [tilespmem:s28+$0x410];
	v3 =	vmul.f32 $1.250000000e-01, v3  }
0x15e: {  	[tilespmem:s28+$0xCB30] =	vst v2;
	v2 =	vld [tilespmem:s28+$0x420];
	v5 =	vmul.f32 $1.250000000e-01, v5  }
0x15f: {  	[tilespmem:s28+$0xCB80] =	vst v3;
	v3 =	vld [tilespmem:s28+$0x430];
	v4 =	vmul.f32 $1.250000000e-01, v4  }
0x160: {  	[tilespmem:s28+$0xCB90] =	vst v5;
	v5 =	vld [tilespmem:s28+$0x480];
	v6 =	vmul.f32 $1.250000000e-01, v6  }
0x161: {  	[tilespmem:s28+$0xCBA0] =	vst v4;
	v4 =	vld [tilespmem:s28+$0x490];
	v0 =	vmul.f32 $1.250000000e-01, v0  }
0x162: {  	[tilespmem:s28+$0xCBB0] =	vst v6;
	v6 =	vld [tilespmem:s28+$0x4A0];
	v1 =	vmul.f32 $1.250000000e-01, v1  }
0x163: {  	[tilespmem:s28+$0xCC00] =	vst v0;
	v0 =	vld [tilespmem:s28+$0x4B0];
	v2 =	vmul.f32 $1.250000000e-01, v2  }
0x164: {  	[tilespmem:s28+$0xCC10] =	vst v1;
	v1 =	vld [tilespmem:s28+$0x500];
	v3 =	vmul.f32 $1.250000000e-01, v3  }
0x165: {  	[tilespmem:s28+$0xCC20] =	vst v2;
	v2 =	vld [tilespmem:s28+$0x510];
	v5 =	vmul.f32 $1.250000000e-01, v5  }
0x166: {  	[tilespmem:s28+$0xCC30] =	vst v3;
	v3 =	vld [tilespmem:s28+$0x520];
	v4 =	vmul.f32 $1.250000000e-01, v4  }
0x167: {  	[tilespmem:s28+$0xCC80] =	vst v5;
	v5 =	vld [tilespmem:s28+$0x530];
	v6 =	vmul.f32 $1.250000000e-01, v6  }
0x168: {  	[tilespmem:s28+$0xCC90] =	vst v4;
	v4 =	vld [tilespmem:s28+$0x580];
	v0 =	vmul.f32 $1.250000000e-01, v0  }
0x169: {  	[tilespmem:s28+$0xCCA0] =	vst v6;
	v6 =	vld [tilespmem:s28+$0x590];
	v1 =	vmul.f32 $1.250000000e-01, v1  }
0x16a: {  	[tilespmem:s28+$0xCCB0] =	vst v0;
	v0 =	vmul.f32 $1.250000000e-01, v2;
	v2 =	vld [tilespmem:s28+$0x5A0]  }
0x16b: {  	[tilespmem:s28+$0xCD00] =	vst v1;
	v1 =	vmul.f32 $1.250000000e-01, v3  }
0x16c: {  	[tilespmem:s28+$0xCD10] =	vst v0;
	v0 =	vmul.f32 $1.250000000e-01, v5  }
0x16d: {  	[tilespmem:s28+$0xCD20] =	vst v1;
	v1 =	vmul.f32 $1.250000000e-01, v4  }
0x16e: {  	[tilespmem:s28+$0xCD30] =	vst v0;
	v0 =	vmul.f32 $1.250000000e-01, v6  }
0x16f: {  	[tilespmem:s28+$0xCD80] =	vst v1;
	v1 =	vmul.f32 $1.250000000e-01, v2  }
0x170: {  	[tilespmem:s28+$0xCD90] =	vst v0  }
0x171: {  	s31 =	simm.s32 $0x0;
	[tilespmem:s28+$0xCDA0] =	vst v1  }
0x172: {  	[hbm4b:s11+s31] =	stream.linear.scatter [tilespmem:s20], [sflag:$0x3], $0x6400, $0x38;
	[tilespmem:$0x19200] =	vst v63  }
0x173: {  	_ =	swait.ge [sflag:s21], $0x6400  }
0x174: {  	[sflag:s21] =	ssyncset.done $0x0  }
0x175: {  	[sflag:s21] =	ssyncadd.s32 $0xFFFF9C00  }
0x176: {  	_ =	swait.ge [sflag:s24], $0x6400  }
0x177: {  	[sflag:s24] =	ssyncset.done $0x0  }
0x178: {  	s26 =	simm.s32 $0x0;
	[sflag:s24] =	ssyncadd.s32 $0xFFFF9C00  }
0x179: {  	v0 =	vld [tilespmem:s26+$0x69B0]  }
0x17a: {  	v1 =	vld [tilespmem:s26+$0x6600];
	_ =	sdelay $0x1  }
0x17b: {  	v2 =	vld [tilespmem:s26+$0x6610]  }
0x17c: {  	v3 =	vld [tilespmem:s26+$0x6620]  }
0x17d: {  	v4 =	vld [tilespmem:s26+$0x6630];
	v0 =	vmul.f32 $1.250000000e-01, v0  }
0x17e: {  	v5 =	vld [tilespmem:s26+$0x6680];
	v1 =	vmul.f32 $1.250000000e-01, v1  }
0x17f: {  	v6 =	vld [tilespmem:s26+$0x6690];
	[tilespmem:s26+$0x131B0] =	vst v0  }
0x180: {  	v0 =	vmul.f32 $1.250000000e-01, v2;
	[tilespmem:s26+$0x12E00] =	vst v1;
	v1 =	vld [tilespmem:s26+$0x66B0]  }
0x181: {  	v7 =	vld [tilespmem:s26+$0x66A0];
	v2 =	vmul.f32 $1.250000000e-01, v3  }
0x182: {  	v3 =	vmul.f32 $1.250000000e-01, v4;
	[tilespmem:s26+$0x12E10] =	vst v0;
	v0 =	vld [tilespmem:s26+$0x6700]  }
0x183: {  	v4 =	vmul.f32 $1.250000000e-01, v5;
	[tilespmem:s26+$0x12E20] =	vst v2;
	v2 =	vld [tilespmem:s26+$0x6710]  }
0x184: {  	v5 =	vmul.f32 $1.250000000e-01, v6;
	[tilespmem:s26+$0x12E30] =	vst v3;
	v3 =	vld [tilespmem:s26+$0x6720]  }
0x185: {  	[tilespmem:s26+$0x12E80] =	vst v4;
	v4 =	vld [tilespmem:s26+$0x6730];
	v1 =	vmul.f32 $1.250000000e-01, v1  }
0x186: {  	v6 =	vmul.f32 $1.250000000e-01, v7;
	[tilespmem:s26+$0x12E90] =	vst v5;
	v5 =	vld [tilespmem:s26+$0x6780]  }
0x187: {  	v0 =	vmul.f32 $1.250000000e-01, v0;
	[tilespmem:s26+$0x12EB0] =	vst v1;
	v1 =	vld [tilespmem:s26+$0x67A0]  }
0x188: {  	[tilespmem:s26+$0x12EA0] =	vst v6;
	v6 =	vld [tilespmem:s26+$0x6790];
	v2 =	vmul.f32 $1.250000000e-01, v2  }
0x189: {  	v3 =	vmul.f32 $1.250000000e-01, v3;
	[tilespmem:s26+$0x12F00] =	vst v0;
	v0 =	vld [tilespmem:s26+$0x67B0]  }
0x18a: {  	v4 =	vmul.f32 $1.250000000e-01, v4;
	[tilespmem:s26+$0x12F10] =	vst v2;
	v2 =	vld [tilespmem:s26+$0x6800]  }
0x18b: {  	v5 =	vmul.f32 $1.250000000e-01, v5;
	[tilespmem:s26+$0x12F20] =	vst v3;
	v3 =	vld [tilespmem:s26+$0x6810]  }
0x18c: {  	[tilespmem:s26+$0x12F30] =	vst v4;
	v4 =	vld [tilespmem:s26+$0x6820];
	v1 =	vmul.f32 $1.250000000e-01, v1  }
0x18d: {  	v6 =	vmul.f32 $1.250000000e-01, v6;
	[tilespmem:s26+$0x12F80] =	vst v5;
	v5 =	vld [tilespmem:s26+$0x6830]  }
0x18e: {  	v0 =	vmul.f32 $1.250000000e-01, v0;
	[tilespmem:s26+$0x12FA0] =	vst v1;
	v1 =	vld [tilespmem:s26+$0x6890]  }
0x18f: {  	[tilespmem:s26+$0x12F90] =	vst v6;
	v6 =	vld [tilespmem:s26+$0x6880];
	v2 =	vmul.f32 $1.250000000e-01, v2  }
0x190: {  	[tilespmem:s26+$0x12FB0] =	vst v0;
	v0 =	vmul.f32 $1.250000000e-01, v3;
	v3 =	vld [tilespmem:s26+$0x68B0]  }
0x191: {  	v7 =	vld [tilespmem:s26+$0x68A0];
	[tilespmem:s26+$0x13000] =	vst v2;
	v2 =	vmul.f32 $1.250000000e-01, v4  }
0x192: {  	v4 =	vld [tilespmem:s26+$0x6900];
	[tilespmem:s26+$0x13010] =	vst v0;
	v0 =	vmul.f32 $1.250000000e-01, v5  }
0x193: {  	v8 =	vld [tilespmem:s26+$0x6910];
	[tilespmem:s26+$0x13020] =	vst v2;
	v5 =	vmul.f32 $1.250000000e-01, v1  }
0x194: {  	v2 =	vmul.f32 $1.250000000e-01, v6;
	[tilespmem:s26+$0x13030] =	vst v0;
	v0 =	vld [tilespmem:s26+$0x6920]  }
0x195: {  	v1 =	vld [tilespmem:s26+$0x6930];
	[tilespmem:s26+$0x13090] =	vst v5;
	v5 =	vmul.f32 $1.250000000e-01, v3  }
0x196: {  	v6 =	vmul.f32 $1.250000000e-01, v7;
	[tilespmem:s26+$0x13080] =	vst v2;
	v2 =	vld [tilespmem:s26+$0x6980]  }
0x197: {  	v3 =	vld [tilespmem:s26+$0x6990];
	[tilespmem:s26+$0x130B0] =	vst v5;
	v5 =	vmul.f32 $1.250000000e-01, v4  }
0x198: {  	s29 =	simm.s32 $0x2000;
	s28 =	simm.s32 $0x400;
	[tilespmem:s26+$0x130A0] =	vst v6;
	v6 =	vmul.f32 $1.250000000e-01, v8;
	v4 =	vld [tilespmem:s26+$0x69A0]  }
.LBB2_10:
0x199: {  	p0 =	sne.s32 s29, $0x18000;
	v7 =	vld [tilespmem:s28+$0x69B0];
	[tilespmem:s26+$0x13100] =	vst v5;
	v0 =	vmul.f32 $1.250000000e-01, v0  }
0x19a: {  	v5 =	vld [tilespmem:s28+$0x6600];
	[tilespmem:s26+$0x13110] =	vst v6;
	v1 =	vmul.f32 $1.250000000e-01, v1  }
0x19b: {  	v6 =	vld [tilespmem:s28+$0x6610];
	[tilespmem:s26+$0x13120] =	vst v0;
	v0 =	vmul.f32 $1.250000000e-01, v2  }
0x19c: {  	v2 =	vld [tilespmem:s28+$0x6620];
	[tilespmem:s26+$0x13130] =	vst v1;
	v1 =	vmul.f32 $1.250000000e-01, v3  }
0x19d: {  	v3 =	vld [tilespmem:s28+$0x6630];
	[tilespmem:s26+$0x13180] =	vst v0;
	v0 =	vmul.f32 $1.250000000e-01, v4  }
0x19e: {  	v4 =	vld [tilespmem:s28+$0x6680];
	v7 =	vmul.f32 $1.250000000e-01, v7;
	[tilespmem:s26+$0x13190] =	vst v1  }
0x19f: {  	v1 =	vmul.f32 $1.250000000e-01, v5;
	v5 =	vld [tilespmem:s28+$0x6690];
	[tilespmem:s26+$0x131A0] =	vst v0;
	s26 =	smov.u32 s28  }
0x1a0: {  	v0 =	vmul.f32 $1.250000000e-01, v6;
	v6 =	vld [tilespmem:s26+$0x66A0];
	[tilespmem:s26+$0x131B0] =	vst v7  }
0x1a1: {  	[tilespmem:s26+$0x12E00] =	vst v1;
	v1 =	vmul.f32 $1.250000000e-01, v2;
	v2 =	vld [tilespmem:s26+$0x66B0]  }
0x1a2: {  	[tilespmem:s26+$0x12E10] =	vst v0;
	v0 =	vmul.f32 $1.250000000e-01, v3;
	v3 =	vld [tilespmem:s26+$0x6700]  }
0x1a3: {  	[tilespmem:s26+$0x12E20] =	vst v1;
	v1 =	vmul.f32 $1.250000000e-01, v4;
	v4 =	vld [tilespmem:s26+$0x6710]  }
0x1a4: {  	[tilespmem:s26+$0x12E30] =	vst v0;
	v0 =	vmul.f32 $1.250000000e-01, v5;
	v5 =	vld [tilespmem:s26+$0x6720]  }
0x1a5: {  	[tilespmem:s26+$0x12E80] =	vst v1;
	v1 =	vmul.f32 $1.250000000e-01, v6;
	v6 =	vld [tilespmem:s26+$0x6730]  }
0x1a6: {  	[tilespmem:s26+$0x12E90] =	vst v0;
	v0 =	vmul.f32 $1.250000000e-01, v2;
	v2 =	vld [tilespmem:s26+$0x6780]  }
0x1a7: {  	[tilespmem:s26+$0x12EA0] =	vst v1;
	v1 =	vmul.f32 $1.250000000e-01, v3;
	v3 =	vld [tilespmem:s26+$0x6790]  }
0x1a8: {  	[tilespmem:s26+$0x12EB0] =	vst v0;
	v0 =	vmul.f32 $1.250000000e-01, v4;
	v4 =	vld [tilespmem:s26+$0x67A0]  }
0x1a9: {  	[tilespmem:s26+$0x12F00] =	vst v1;
	v1 =	vmul.f32 $1.250000000e-01, v5;
	v5 =	vld [tilespmem:s26+$0x67B0]  }
0x1aa: {  	[tilespmem:s26+$0x12F10] =	vst v0;
	v0 =	vmul.f32 $1.250000000e-01, v6;
	v6 =	vld [tilespmem:s26+$0x6800]  }
0x1ab: {  	[tilespmem:s26+$0x12F20] =	vst v1;
	v1 =	vmul.f32 $1.250000000e-01, v2;
	v2 =	vld [tilespmem:s26+$0x6810]  }
0x1ac: {  	[tilespmem:s26+$0x12F30] =	vst v0;
	v0 =	vmul.f32 $1.250000000e-01, v3;
	v3 =	vld [tilespmem:s26+$0x6820]  }
0x1ad: {  	[tilespmem:s26+$0x12F80] =	vst v1;
	v1 =	vmul.f32 $1.250000000e-01, v4;
	v4 =	vld [tilespmem:s26+$0x6830]  }
0x1ae: {  	[tilespmem:s26+$0x12F90] =	vst v0;
	v0 =	vmul.f32 $1.250000000e-01, v5;
	v5 =	vld [tilespmem:s26+$0x6880]  }
0x1af: {  	[tilespmem:s26+$0x12FA0] =	vst v1;
	v1 =	vmul.f32 $1.250000000e-01, v6;
	v6 =	vld [tilespmem:s26+$0x6890]  }
0x1b0: {  	[tilespmem:s26+$0x12FB0] =	vst v0;
	v0 =	vmul.f32 $1.250000000e-01, v2;
	v2 =	vld [tilespmem:s26+$0x68A0]  }
0x1b1: {  	[tilespmem:s26+$0x13000] =	vst v1;
	v1 =	vmul.f32 $1.250000000e-01, v3;
	v3 =	vld [tilespmem:s26+$0x68B0]  }
0x1b2: {  	[tilespmem:s26+$0x13010] =	vst v0;
	v0 =	vmul.f32 $1.250000000e-01, v4;
	v4 =	vld [tilespmem:s26+$0x6900]  }
0x1b3: {  	[tilespmem:s26+$0x13020] =	vst v1;
	v1 =	vmul.f32 $1.250000000e-01, v5;
	v7 =	vld [tilespmem:s26+$0x6910]  }
.Ltmp4:
0x1b4: {  	[tilespmem:s26+$0x13030] =	vst v0;
	v5 =	vmul.f32 $1.250000000e-01, v6;
	v0 =	vld [tilespmem:s26+$0x6920];
	(pc) =	sbr.rel @p0 .LBB2_10-.Ltmp4, $4  }
0x1b5: {  	[tilespmem:s26+$0x13080] =	vst v1;
	v6 =	vmul.f32 $1.250000000e-01, v2;
	v1 =	vld [tilespmem:s26+$0x6930]  }
0x1b6: {  	[tilespmem:s26+$0x13090] =	vst v5;
	v8 =	vmul.f32 $1.250000000e-01, v3;
	v2 =	vld [tilespmem:s26+$0x6980]  }
0x1b7: {  	[tilespmem:s26+$0x130A0] =	vst v6;
	v5 =	vmul.f32 $1.250000000e-01, v4;
	v3 =	vld [tilespmem:s26+$0x6990]  }
0x1b8: {  	s28 =	sshra.s32 s29, $0x2;
	s29 =	sadd.s32 $0x1000, s29;
	[tilespmem:s26+$0x130B0] =	vst v8;
	v6 =	vmul.f32 $1.250000000e-01, v7;
	v4 =	vld [tilespmem:s26+$0x69A0]  }
0x1b9: {  	v7 =	vld [tilespmem:s28+$0x69B0];
	[tilespmem:s26+$0x13100] =	vst v5;
	v0 =	vmul.f32 $1.250000000e-01, v0  }
0x1ba: {  	v5 =	vld [tilespmem:s28+$0x6600];
	[tilespmem:s26+$0x13110] =	vst v6;
	v1 =	vmul.f32 $1.250000000e-01, v1  }
0x1bb: {  	v6 =	vld [tilespmem:s28+$0x6610];
	[tilespmem:s26+$0x13120] =	vst v0;
	v2 =	vmul.f32 $1.250000000e-01, v2  }
0x1bc: {  	v0 =	vld [tilespmem:s28+$0x6620];
	[tilespmem:s26+$0x13130] =	vst v1;
	v3 =	vmul.f32 $1.250000000e-01, v3  }
0x1bd: {  	v1 =	vld [tilespmem:s28+$0x6630];
	[tilespmem:s26+$0x13180] =	vst v2;
	v4 =	vmul.f32 $1.250000000e-01, v4  }
0x1be: {  	v2 =	vld [tilespmem:s28+$0x6680];
	[tilespmem:s26+$0x13190] =	vst v3;
	v7 =	vmul.f32 $1.250000000e-01, v7  }
0x1bf: {  	v3 =	vld [tilespmem:s28+$0x6690];
	[tilespmem:s26+$0x131A0] =	vst v4;
	v32 =	vmul.f32 $1.250000000e-01, v5  }
0x1c0: {  	v33 =	vld [tilespmem:s28+$0x66A0];
	[tilespmem:s28+$0x131B0] =	vst v7;
	v6 =	vmul.f32 $1.250000000e-01, v6  }
0x1c1: {  	v34 =	vld [tilespmem:s28+$0x66B0];
	[tilespmem:s28+$0x12E00] =	vst v32;
	v0 =	vmul.f32 $1.250000000e-01, v0  }
0x1c2: {  	v35 =	vld [tilespmem:s28+$0x6700];
	[tilespmem:s28+$0x12E10] =	vst v6;
	v1 =	vmul.f32 $1.250000000e-01, v1  }
0x1c3: {  	v36 =	vld [tilespmem:s28+$0x6710];
	[tilespmem:s28+$0x12E20] =	vst v0;
	v2 =	vmul.f32 $1.250000000e-01, v2  }
0x1c4: {  	v37 =	vld [tilespmem:s28+$0x6720];
	[tilespmem:s28+$0x12E30] =	vst v1;
	v3 =	vmul.f32 $1.250000000e-01, v3  }
0x1c5: {  	v38 =	vld [tilespmem:s28+$0x6730];
	[tilespmem:s28+$0x12E80] =	vst v2;
	v5 =	vmul.f32 $1.250000000e-01, v33  }
0x1c6: {  	v52 =	vld [tilespmem:s28+$0x6910];
	v4 =	vmul.f32 $1.250000000e-01, v34;
	[tilespmem:s28+$0x12E90] =	vst v3  }
0x1c7: {  	v53 =	vld [tilespmem:s28+$0x6920];
	v6 =	vmul.f32 $1.250000000e-01, v35;
	[tilespmem:s28+$0x12EA0] =	vst v5  }
0x1c8: {  	v54 =	vld [tilespmem:s28+$0x6930];
	v0 =	vmul.f32 $1.250000000e-01, v36;
	[tilespmem:s28+$0x12EB0] =	vst v4  }
0x1c9: {  	v55 =	vld [tilespmem:s28+$0x6980];
	v1 =	vmul.f32 $1.250000000e-01, v37;
	[tilespmem:s28+$0x12F00] =	vst v6  }
0x1ca: {  	v56 =	vld [tilespmem:s28+$0x6990];
	v2 =	vmul.f32 $1.250000000e-01, v38;
	[tilespmem:s28+$0x12F10] =	vst v0  }
0x1cb: {  	v58 =	vld [tilespmem:s28+$0x69A0];
	v57 =	vmul.f32 $1.250000000e-01, v52;
	[tilespmem:s28+$0x12F20] =	vst v1  }
0x1cc: {  	v39 =	vld [tilespmem:s28+$0x6780];
	v59 =	vmul.f32 $1.250000000e-01, v53;
	[tilespmem:s28+$0x12F30] =	vst v2  }
0x1cd: {  	v40 =	vld [tilespmem:s28+$0x6790];
	v60 =	vmul.f32 $1.250000000e-01, v54;
	[tilespmem:s28+$0x13110] =	vst v57  }
0x1ce: {  	v41 =	vld [tilespmem:s28+$0x67A0];
	v61 =	vmul.f32 $1.250000000e-01, v55;
	[tilespmem:s28+$0x13120] =	vst v59  }
0x1cf: {  	v42 =	vld [tilespmem:s28+$0x67B0];
	v62 =	vmul.f32 $1.250000000e-01, v56;
	[tilespmem:s28+$0x13130] =	vst v60  }
0x1d0: {  	v43 =	vld [tilespmem:s28+$0x6800];
	v63 =	vmul.f32 $1.250000000e-01, v58;
	[tilespmem:s28+$0x13180] =	vst v61  }
0x1d1: {  	v44 =	vld [tilespmem:s28+$0x6810];
	v3 =	vmul.f32 $1.250000000e-01, v39;
	[tilespmem:s28+$0x13190] =	vst v62  }
0x1d2: {  	v45 =	vld [tilespmem:s28+$0x6820];
	v5 =	vmul.f32 $1.250000000e-01, v40;
	[tilespmem:s28+$0x131A0] =	vst v63  }
0x1d3: {  	v46 =	vld [tilespmem:s28+$0x6830];
	v4 =	vmul.f32 $1.250000000e-01, v41;
	[tilespmem:s28+$0x12F80] =	vst v3  }
0x1d4: {  	v47 =	vld [tilespmem:s28+$0x6880];
	v6 =	vmul.f32 $1.250000000e-01, v42;
	[tilespmem:s28+$0x12F90] =	vst v5  }
0x1d5: {  	v48 =	vld [tilespmem:s28+$0x6890];
	v0 =	vmul.f32 $1.250000000e-01, v43;
	[tilespmem:s28+$0x12FA0] =	vst v4  }
0x1d6: {  	v49 =	vld [tilespmem:s28+$0x68A0];
	v1 =	vmul.f32 $1.250000000e-01, v44;
	[tilespmem:s28+$0x12FB0] =	vst v6  }
0x1d7: {  	v50 =	vld [tilespmem:s28+$0x68B0];
	v2 =	vmul.f32 $1.250000000e-01, v45;
	[tilespmem:s28+$0x13000] =	vst v0  }
0x1d8: {  	v51 =	vld [tilespmem:s28+$0x6900];
	v3 =	vmul.f32 $1.250000000e-01, v46;
	[tilespmem:s28+$0x13010] =	vst v1  }
0x1d9: {  	[tilespmem:s28+$0x13020] =	vst v2;
	v5 =	vmul.f32 $1.250000000e-01, v47  }
0x1da: {  	v4 =	vmul.f32 $1.250000000e-01, v48;
	[tilespmem:s28+$0x13030] =	vst v3  }
0x1db: {  	v6 =	vmul.f32 $1.250000000e-01, v49;
	[tilespmem:s28+$0x13080] =	vst v5  }
0x1dc: {  	v0 =	vmul.f32 $1.250000000e-01, v50;
	[tilespmem:s28+$0x13090] =	vst v4  }
0x1dd: {  	v1 =	vmul.f32 $1.250000000e-01, v51;
	[tilespmem:s28+$0x130A0] =	vst v6  }
0x1de: {  	[tilespmem:s28+$0x130B0] =	vst v0  }
0x1df: {  	s25 =	sadd.s32 $0x1, s25;
	[tilespmem:s28+$0x13100] =	vst v1  }
0x1e0: {  	[hbm4b:s12+s4] =	stream.linear.scatter [tilespmem:s22], [sflag:$0x4], $0x6400, $0x38;
	[tilespmem:$0x19200] =	vst v63  }
0x1e1: {  	p0 =	sne.s32 s25, s13;
	_ =	swait.ge [sflag:s23], $0x6400  }
.Ltmp5:
0x1e2: {  	[sflag:s23] =	ssyncset.done $0x0;
	(pc) =	sbr.rel @p0 .LBB2_1-.Ltmp5, $4  }
0x1e3: {  	[sflag:s23] =	ssyncadd.s32 $0xFFFF9C00  }
0x1e4: {  	_ =	swait.ge [sflag:s24], $0x6400  }
0x1e5: {  	[sflag:s24] =	ssyncset.done $0x0  }
0x1e6: {  	[sflag:s24] =	ssyncadd.s32 $0xFFFF9C00  }
0x1e7: {  	_ =	sfence.sel $0x180000  }
0x1e8: {  	[bflag:$0x0] =	sbarrier.arrive $0xFFFF  }
0x1e9: {  	p0 =	sne.s32 s0, $0x0;
	_ =	strace $0x90000047  }
0x1ea: {  	s0 =	sadd.s32 @!p0 $0x100000, s2;
	[bflag:$0x2] =	sbarrier.arrive $0xFFFF  }
0x1eb: {  	[sflag:s0] =	ssyncadd.tile.s32 @!p0 $0x1;
	_ =	shalt  }
.Lfunc_end2:
_tile_overlayer_lowered:
.L_overlay_start_2:
0x1ec: {  	(tag) =	ssettag $0x2  }
0x1ed: {  	s0 =	rddreg [dreg:$0x0];
	s2 =	stileid.u32  }
0x1ee: {  	s1 =	rddreg [dreg:$0x1];
	p0 =	sne.s32 s2, $0x0  }
0x1ef: {  	s3 =	rddreg [dreg:$0x2];
	[bflag:$0x3] =	sbarrier.arrive $0xFFFF;
	s2 =	simm.s32 @!p0 $0x1C05  }
0x1f0: {  	[timem:s3], [sflag:s2] =	dma.local @!p0 [hbm:s0], s1  }
0x1f1: {  	s0 =	simm.s32 @!p0 $0x5  }
0x1f2: {  	_ =	swait.ge @!p0 [sflag:s0], s1  }
0x1f3: {  	s1 =	ssub.s32 @!p0 $0x0, s1;
	[sflag:s0] =	ssyncset.done @!p0 $0x0  }
0x1f4: {  	[sflag:s0] =	ssyncadd.s32 @!p0 s1  }
0x1f5: {  	[bflag:$0x3] =	sbarrier.arrive $0xFFFF  }
0x1f6: {  	_ =	shalt  }

</sc_bundles>
